<compile_context>
chip_gen: v7x
topology: tpu7x:2x2x1
jax: 0.10.2.dev20260603
libtpu: 0.0.44.dev20260713+nightly
codegen_flags: <defaults>
</compile_context>

<pallas_src>
import functools
import math

import jax
import jax.numpy as jnp
from jax import lax
from jax.experimental import pallas as pl
from jax.experimental.pallas import tpu as pltpu
from jax.experimental.pallas import tpu_sc as plsc

TPERC = 0.45
LANES = 16
NC, NS = 2, 16
NW = NC * NS
RING = 2
PER_W_BY_CORE = (312, 320)


def _selection_network(deg, out_lo, out_hi):
    net = []

    def merge(lo, n, r):
        m = r * 2
        if m < n:
            merge(lo, n, m)
            merge(lo + r, n, m)
            for i in range(lo + r, lo + n - r, m):
                net.append((i, i + r))
        else:
            net.append((lo, lo + r))

    def sort(lo, n):
        if n > 1:
            m = n // 2
            sort(lo, m)
            sort(lo + m, m)
            merge(lo, n, 1)

    sort(0, deg)

    state = {i: None for i in range(deg)}
    for w in range(out_lo, out_hi):
        state[w] = 'sum'
    kept = []
    for (i, j) in reversed(net):
        si, sj = state[i], state[j]
        if si is None and sj is None:
            continue
        if si == 'sum' and sj == 'sum':
            continue
        kept.append((i, j, si is not None, sj is not None))
        state[i] = 'exact'
        state[j] = 'exact'
    kept.reverse()
    return kept


def _matmul_body(x_ref, w_ref, h_ref):
    h_ref[...] = lax.dot_general(
        x_ref[...], w_ref[...],
        dimension_numbers=(((1,), (1,)), ((), ())),
        preferred_element_type=jnp.float32,
    )


def _linear(x, W):
    n, d_in = x.shape
    d_out = W.shape[0]
    blk = 1000
    assert n % blk == 0
    return pl.pallas_call(
        _matmul_body,
        grid=(n // blk,),
        in_specs=[
            pl.BlockSpec((blk, d_in), lambda i: (i, 0)),
            pl.BlockSpec((d_out, d_in), lambda i: (0, 0)),
        ],
        out_specs=pl.BlockSpec((blk, d_out), lambda i: (i, 0)),
        out_shape=jax.ShapeDtypeStruct((n, d_out), jnp.float32),
    )(x, W)


def _make_sc_trimmed_mean(n_pad, d, deg, remove):
    keep = deg - 2 * remove
    net = _selection_network(deg, remove, deg - remove)
    nb = max(1, 128 // deg)
    p0, p1 = PER_W_BY_CORE
    assert NS * (p0 + p1) == n_pad
    per_w_max = max(p0, p1)
    for p_c in (p0, p1):
        assert p_c % (nb * RING) == 0
    chunks = d // LANES
    idx_per_batch = nb * deg

    mesh = plsc.VectorSubcoreMesh(core_axis_name="c", subcore_axis_name="s")

    scratch = [pltpu.VMEM((per_w_max * deg,), jnp.int32)]
    scratch += [pltpu.VMEM((idx_per_batch,), jnp.int32) for _ in range(RING)]
    scratch += [pltpu.VMEM((idx_per_batch, d), jnp.float32)
                for _ in range(RING)]
    scratch += [pltpu.VMEM((per_w_max, d), jnp.float32)]
    scratch += [pltpu.SemaphoreType.DMA for _ in range(RING)]

    @functools.partial(
        pl.kernel,
        mesh=mesh,
        out_type=jax.ShapeDtypeStruct((n_pad, d), jnp.float32),
        scratch_types=scratch,
    )
    def sc_kernel(h_hbm, nbrs_hbm, out_hbm, idx_all, *rest):
        ibs = rest[0:RING]
        rows_bufs = rest[RING:2 * RING]
        out_all = rest[2 * RING]
        sems = rest[2 * RING + 1:]

        cid = lax.axis_index("c")
        sid = lax.axis_index("s")

        def fill_idx(b, ib):
            for k in range(idx_per_batch // LANES):
                ib[pl.ds(k * LANES, LANES)] = (
                    idx_all[pl.ds(b * idx_per_batch + k * LANES, LANES)])

        def start_gather(ib, rows, sem):
            pltpu.make_async_copy(h_hbm.at[ib], rows, sem).start()

        def run_pipeline(node_base, per_w):
            nbatch = per_w // nb

            pltpu.sync_copy(
                nbrs_hbm.at[pl.ds(node_base * deg, per_w * deg)],
                idx_all.at[pl.ds(0, per_w * deg)])

            def compute_batch(b, rows):
                def chunk_body(t, carry):
                    i = t // chunks
                    c = (t % chunks) * LANES
                    v = [rows[i * deg + k, pl.ds(c, LANES)]
                         for k in range(deg)]
                    for (a, bb, need_min, need_max) in net:
                        lo, hi = v[a], v[bb]
                        if need_min:
                            v[a] = jnp.minimum(lo, hi)
                        if need_max:
                            v[bb] = jnp.maximum(lo, hi)
                    acc = v[remove]
                    for w in range(remove + 1, deg - remove):
                        acc = acc + v[w]
                    out_all[b * nb + i, pl.ds(c, LANES)] = acc * (1.0 / keep)
                    return carry
                lax.fori_loop(0, nb * chunks, chunk_body, 0)

            for pb in range(RING - 1):
                fill_idx(pb, ibs[pb])
                start_gather(ibs[pb], rows_bufs[pb], sems[pb])

            def outer(bi, carry):
                for p in range(RING):
                    b = bi * RING + p
                    pn = (p + RING - 1) % RING

                    @pl.when(b + RING - 1 < nbatch)
                    def _():
                        fill_idx(b + RING - 1, ibs[pn])
                        start_gather(ibs[pn], rows_bufs[pn], sems[pn])

                    pltpu.make_async_copy(
                        h_hbm.at[ibs[p]], rows_bufs[p], sems[p]).wait()
                    compute_batch(b, rows_bufs[p])
                return carry

            lax.fori_loop(0, nbatch // RING, outer, 0)

            pltpu.sync_copy(
                out_all.at[pl.ds(0, per_w)],
                out_hbm.at[pl.ds(node_base, per_w)])

        @pl.when(cid == 0)
        def _():
            run_pipeline(sid * p0, p0)

        @pl.when(cid == 1)
        def _():
            run_pipeline(NS * p0 + sid * p1, p1)

    return sc_kernel


@jax.jit
def kernel(x, nbrs, W):
    n, d_in = x.shape
    d_out = W.shape[0]
    deg = nbrs.shape[1]
    remove = math.floor(deg * TPERC)

    h = _linear(x, W)

    n_pad = NS * sum(PER_W_BY_CORE)
    assert n_pad >= n
    nbrs32 = nbrs.astype(jnp.int32)
    if n_pad != n:
        nbrs32 = jnp.concatenate(
            [nbrs32, jnp.zeros((n_pad - n, deg), jnp.int32)], axis=0)
    nbrs_flat = nbrs32.reshape(n_pad * deg)

    sc = _make_sc_trimmed_mean(n_pad, d_out, deg, remove)
    out = sc(h, nbrs_flat)
    return out[:n]

# --- scband reference (transcript-rebuilt; emitter-appended) ---
"""Pipeline reference for scband-trimmed-conv-3178275799592 (READ-ONLY COPY).

The authoritative reference and input builder live on the scoring server;
editing this copy changes nothing except your own understanding.
"""

import math
import jax, jax.numpy as jnp
import numpy as np

TPERC = 0.45

def setup_inputs(seed: int = 0) -> dict:
    key = jax.random.key(seed)
    k1, k2, k3 = jax.random.split(key, 3)
    N, D_IN, D_OUT, DEG = 10000, 128, 128, 32
    x = jax.random.normal(k1, (N, D_IN), dtype=jnp.float32)
    nbrs = jax.random.randint(k2, (N, DEG), 0, N, dtype=jnp.int64)
    # nn.Linear weight: shape [out_features, in_features], kaiming-uniform-like init
    bound = 1.0 / math.sqrt(D_IN)
    W = jax.random.uniform(k3, (D_OUT, D_IN), dtype=jnp.float32, minval=-bound, maxval=bound)
    return {"x": x, "nbrs": nbrs, "W": W}

def reference(x, nbrs, W):
    # h = self.w(x)  (Linear with bias=False)
    h = x @ W.T  # [N, d_out]
    # Gather per-node neighbor messages: [N, deg, d_out]
    msgs = jnp.take(h, nbrs, axis=0)
    # torch.sort(h[nbr], dim=0) -> sort along the neighbor axis per feature column
    msgs = jnp.sort(msgs, axis=1)
    deg = msgs.shape[1]
    remove = math.floor(deg * TPERC)
    if remove > 0:
        msgs = msgs[:, remove:deg - remove]
    # Trimmed mean over remaining neighbors
    out = jnp.mean(msgs, axis=1)
    return out

if __name__ == "__main__":
    import jax
    _d = setup_inputs()
    print(jax.jit(kernel)(*tuple(_d.values())))

</pallas_src>

<mosaic_0001>
#map = affine_map<(d0, d1) -> (0, 0)>
#map1 = affine_map<(d0, d1) -> (0)>
module attributes {stable_mosaic.version = 14 : i64} {
  func.func @sc_kernel(%arg0: i32, %arg1: i32, %arg2: memref<10000x128xf32, #tpu.memory_space<hbm>>, %arg3: memref<323584xi32, #tpu.memory_space<hbm>>, %arg4: memref<10112x128xf32, #tpu.memory_space<hbm>>, %arg5: memref<10240xi32, #tpu.memory_space<vmem>>, %arg6: memref<128xi32, #tpu.memory_space<vmem>>, %arg7: memref<128xi32, #tpu.memory_space<vmem>>, %arg8: memref<128x128xf32, #tpu.memory_space<vmem>>, %arg9: memref<128x128xf32, #tpu.memory_space<vmem>>, %arg10: memref<320x128xf32, #tpu.memory_space<vmem>>, %arg11: memref<!tpu.dma_semaphore, #tpu.memory_space<semaphore_mem>>, %arg12: memref<!tpu.dma_semaphore, #tpu.memory_space<semaphore_mem>>) attributes {dimension_semantics = [#tpu.dimension_semantics<core_parallel>, #tpu.dimension_semantics<subcore_parallel>], iteration_bounds = array<i64: 2, 16>, scalar_prefetch = 0 : i64, scratch_operands = 8 : i64, tpu.core_type = #tpu.core_type<sc_vector_subcore>, window_params = [{transform_indices = #map}, {transform_indices = #map1}, {transform_indices = #map}]} {
    %eq3A = arith.constant 0 : i32
    %eq3A_0 = arith.cmpi eq, %arg0, %eq3A : i32
    %convert_element_type3A = arith.extui %eq3A_0 : i1 to i32
    %cond3A = arith.constant 0 : i32
    %cond3A_1 = arith.cmpi ne, %convert_element_type3A, %cond3A : i32
    scf.if %cond3A_1 {
      %mul3A = arith.constant 312 : i32
      %mul3A_7 = arith.muli %arg1, %mul3A : i32
      %mul3A_8 = arith.constant 32 : i32
      %mul3A_9 = arith.muli %mul3A_7, %mul3A_8 : i32
      "tpu.region"() ({
        %run_scoped3A = tpu.sem_alloc : memref<!tpu.dma_semaphore, #tpu.memory_space<semaphore_mem>>
        %dma_start3A_71 = arith.constant 0 : i32
        %dma_start3A_72 = tpu.memref_slice %arg5[%dma_start3A_71] : memref<10240xi32, #tpu.memory_space<vmem>> -> memref<9984xi32, #tpu.memory_space<vmem>>
        %dma_start3A_73 = tpu.memref_slice %arg3[%mul3A_9] : memref<323584xi32, #tpu.memory_space<hbm>> -> memref<9984xi32, #tpu.memory_space<hbm>>
        %dma_start3A_74 = arith.constant 0 : i32
        %dma_start3A_75 = tpu.memref_slice %arg5[%dma_start3A_74] : memref<10240xi32, #tpu.memory_space<vmem>> -> memref<9984xi32, #tpu.memory_space<vmem>>
        %dma_start3A_76 = tpu.memref_slice %arg3[%mul3A_9] : memref<323584xi32, #tpu.memory_space<hbm>> -> memref<9984xi32, #tpu.memory_space<hbm>>
        tpu.enqueue_dma source(%dma_start3A_76 : memref<9984xi32, #tpu.memory_space<hbm>>) target(%dma_start3A_75 : memref<9984xi32, #tpu.memory_space<vmem>>) target_semaphore(%run_scoped3A : memref<!tpu.dma_semaphore, #tpu.memory_space<semaphore_mem>>)
        %dma_wait3A = arith.constant 0 : i32
        %dma_wait3A_77 = tpu.memref_slice %arg5[%dma_wait3A] : memref<10240xi32, #tpu.memory_space<vmem>> -> memref<9984xi32, #tpu.memory_space<vmem>>
        %dma_wait3A_78 = tpu.memref_slice %arg3[%mul3A_9] : memref<323584xi32, #tpu.memory_space<hbm>> -> memref<9984xi32, #tpu.memory_space<hbm>>
        %dma_wait3A_79 = arith.constant 0 : i32
        %dma_wait3A_80 = tpu.memref_slice %arg5[%dma_wait3A_79] : memref<10240xi32, #tpu.memory_space<vmem>> -> memref<9984xi32, #tpu.memory_space<vmem>>
        %dma_wait3A_81 = tpu.memref_slice %arg3[%mul3A_9] : memref<323584xi32, #tpu.memory_space<hbm>> -> memref<9984xi32, #tpu.memory_space<hbm>>
        tpu.wait_dma2 semaphore(%run_scoped3A : memref<!tpu.dma_semaphore, #tpu.memory_space<semaphore_mem>>) src(%dma_wait3A_81 : memref<9984xi32, #tpu.memory_space<hbm>>) dst(%dma_wait3A_80 : memref<9984xi32, #tpu.memory_space<vmem>>)
        tpu.yield
      }) : () -> ()
      %get3A = arith.constant 0 : index
      %get3A_10 = tpu.vector_load %arg5[%get3A] {strides = array<i32>} : memref<10240xi32, #tpu.memory_space<vmem>>, vector<16xi32>,
      %get3A_11 = vector.shape_cast %get3A_10 : vector<16xi32> to vector<16xi32>
      %swap3A = arith.constant 0 : index
      %swap3A_12 = tpu.vector_load %arg6[%swap3A] {strides = array<i32>} : memref<128xi32, #tpu.memory_space<vmem>>, vector<16xi32>,
      %swap3A_13 = vector.shape_cast %swap3A_12 : vector<16xi32> to vector<16xi32>
      %swap3A_14 = vector.shape_cast %get3A_11 : vector<16xi32> to vector<16xi32>
      tpu.vector_store %arg6[%swap3A], %swap3A_14 {strides = array<i32>} : memref<128xi32, #tpu.memory_space<vmem>>, vector<16xi32>,
      %get3A_15 = arith.constant 16 : index
      %get3A_16 = tpu.vector_load %arg5[%get3A_15] {strides = array<i32>} : memref<10240xi32, #tpu.memory_space<vmem>>, vector<16xi32>,
      %get3A_17 = vector.shape_cast %get3A_16 : vector<16xi32> to vector<16xi32>
      %swap3A_18 = arith.constant 16 : index
      %swap3A_19 = tpu.vector_load %arg6[%swap3A_18] {strides = array<i32>} : memref<128xi32, #tpu.memory_space<vmem>>, vector<16xi32>,
      %swap3A_20 = vector.shape_cast %swap3A_19 : vector<16xi32> to vector<16xi32>
      %swap3A_21 = vector.shape_cast %get3A_17 : vector<16xi32> to vector<16xi32>
      tpu.vector_store %arg6[%swap3A_18], %swap3A_21 {strides = array<i32>} : memref<128xi32, #tpu.memory_space<vmem>>, vector<16xi32>,
      %get3A_22 = arith.constant 32 : index
      %get3A_23 = tpu.vector_load %arg5[%get3A_22] {strides = array<i32>} : memref<10240xi32, #tpu.memory_space<vmem>>, vector<16xi32>,
      %get3A_24 = vector.shape_cast %get3A_23 : vector<16xi32> to vector<16xi32>
      %swap3A_25 = arith.constant 32 : index
      %swap3A_26 = tpu.vector_load %arg6[%swap3A_25] {strides = array<i32>} : memref<128xi32, #tpu.memory_space<vmem>>, vector<16xi32>,
      %swap3A_27 = vector.shape_cast %swap3A_26 : vector<16xi32> to vector<16xi32>
      %swap3A_28 = vector.shape_cast %get3A_24 : vector<16xi32> to vector<16xi32>
      tpu.vector_store %arg6[%swap3A_25], %swap3A_28 {strides = array<i32>} : memref<128xi32, #tpu.memory_space<vmem>>, vector<16xi32>,
      %get3A_29 = arith.constant 48 : index
      %get3A_30 = tpu.vector_load %arg5[%get3A_29] {strides = array<i32>} : memref<10240xi32, #tpu.memory_space<vmem>>, vector<16xi32>,
      %get3A_31 = vector.shape_cast %get3A_30 : vector<16xi32> to vector<16xi32>
      %swap3A_32 = arith.constant 48 : index
      %swap3A_33 = tpu.vector_load %arg6[%swap3A_32] {strides = array<i32>} : memref<128xi32, #tpu.memory_space<vmem>>, vector<16xi32>,
      %swap3A_34 = vector.shape_cast %swap3A_33 : vector<16xi32> to vector<16xi32>
      %swap3A_35 = vector.shape_cast %get3A_31 : vector<16xi32> to vector<16xi32>
      tpu.vector_store %arg6[%swap3A_32], %swap3A_35 {strides = array<i32>} : memref<128xi32, #tpu.memory_space<vmem>>, vector<16xi32>,
      %get3A_36 = arith.constant 64 : index
      %get3A_37 = tpu.vector_load %arg5[%get3A_36] {strides = array<i32>} : memref<10240xi32, #tpu.memory_space<vmem>>, vector<16xi32>,
      %get3A_38 = vector.shape_cast %get3A_37 : vector<16xi32> to vector<16xi32>
      %swap3A_39 = arith.constant 64 : index
      %swap3A_40 = tpu.vector_load %arg6[%swap3A_39] {strides = array<i32>} : memref<128xi32, #tpu.memory_space<vmem>>, vector<16xi32>,
      %swap3A_41 = vector.shape_cast %swap3A_40 : vector<16xi32> to vector<16xi32>
      %swap3A_42 = vector.shape_cast %get3A_38 : vector<16xi32> to vector<16xi32>
      tpu.vector_store %arg6[%swap3A_39], %swap3A_42 {strides = array<i32>} : memref<128xi32, #tpu.memory_space<vmem>>, vector<16xi32>,
      %get3A_43 = arith.constant 80 : index
      %get3A_44 = tpu.vector_load %arg5[%get3A_43] {strides = array<i32>} : memref<10240xi32, #tpu.memory_space<vmem>>, vector<16xi32>,
      %get3A_45 = vector.shape_cast %get3A_44 : vector<16xi32> to vector<16xi32>
      %swap3A_46 = arith.constant 80 : index
      %swap3A_47 = tpu.vector_load %arg6[%swap3A_46] {strides = array<i32>} : memref<128xi32, #tpu.memory_space<vmem>>, vector<16xi32>,
      %swap3A_48 = vector.shape_cast %swap3A_47 : vector<16xi32> to vector<16xi32>
      %swap3A_49 = vector.shape_cast %get3A_45 : vector<16xi32> to vector<16xi32>
      tpu.vector_store %arg6[%swap3A_46], %swap3A_49 {strides = array<i32>} : memref<128xi32, #tpu.memory_space<vmem>>, vector<16xi32>,
      %get3A_50 = arith.constant 96 : index
      %get3A_51 = tpu.vector_load %arg5[%get3A_50] {strides = array<i32>} : memref<10240xi32, #tpu.memory_space<vmem>>, vector<16xi32>,
      %get3A_52 = vector.shape_cast %get3A_51 : vector<16xi32> to vector<16xi32>
      %swap3A_53 = arith.constant 96 : index
      %swap3A_54 = tpu.vector_load %arg6[%swap3A_53] {strides = array<i32>} : memref<128xi32, #tpu.memory_space<vmem>>, vector<16xi32>,
      %swap3A_55 = vector.shape_cast %swap3A_54 : vector<16xi32> to vector<16xi32>
      %swap3A_56 = vector.shape_cast %get3A_52 : vector<16xi32> to vector<16xi32>
      tpu.vector_store %arg6[%swap3A_53], %swap3A_56 {strides = array<i32>} : memref<128xi32, #tpu.memory_space<vmem>>, vector<16xi32>,
      %get3A_57 = arith.constant 112 : index
      %get3A_58 = tpu.vector_load %arg5[%get3A_57] {strides = array<i32>} : memref<10240xi32, #tpu.memory_space<vmem>>, vector<16xi32>,
      %get3A_59 = vector.shape_cast %get3A_58 : vector<16xi32> to vector<16xi32>
      %swap3A_60 = arith.constant 112 : index
      %swap3A_61 = tpu.vector_load %arg6[%swap3A_60] {strides = array<i32>} : memref<128xi32, #tpu.memory_space<vmem>>, vector<16xi32>,
      %swap3A_62 = vector.shape_cast %swap3A_61 : vector<16xi32> to vector<16xi32>
      %swap3A_63 = vector.shape_cast %get3A_59 : vector<16xi32> to vector<16xi32>
      tpu.vector_store %arg6[%swap3A_60], %swap3A_63 {strides = array<i32>} : memref<128xi32, #tpu.memory_space<vmem>>, vector<16xi32>,
      %dma_start3A = arith.constant 0 : i32
      %dma_start3A_64 = arith.constant 0 : i32
      %dma_start3A_65 = tpu.memref_slice %arg2[%dma_start3A, %dma_start3A_64] : memref<10000x128xf32, #tpu.memory_space<hbm>> -> memref<10000x128xf32, #tpu.memory_space<hbm>>
      tpu.enqueue_indirect_dma source(%dma_start3A_65 : memref<10000x128xf32, #tpu.memory_space<hbm>>) target(%arg8 : memref<128x128xf32, #tpu.memory_space<vmem>>) offsets(%arg6 : memref<128xi32, #tpu.memory_space<vmem>>) semaphore(%arg11 : memref<!tpu.dma_semaphore, #tpu.memory_space<semaphore_mem>>)
      %scan3A = arith.constant 0 : i32
      %scan3A_66 = arith.constant 0 : i32
      %scan3A_67 = arith.constant 39 : i32
      %scan3A_68 = arith.addi %scan3A_66, %scan3A_67 : i32
      %scan3A_69 = arith.constant 1 : i32
      scf.for %scan3A_71 = %scan3A_66 to %scan3A_68 step %scan3A_69  : i32 {
        %mul3A_72 = arith.constant 2 : i32
        %mul3A_73 = arith.muli %scan3A_71, %mul3A_72 : i32
        %add3A = arith.constant 0 : i32
        %add3A_74 = arith.addi %mul3A_73, %add3A : i32
        %add3A_75 = arith.constant 2 : i32
        %add3A_76 = arith.addi %add3A_74, %add3A_75 : i32
        %sub3A = arith.constant 1 : i32
        %sub3A_77 = arith.subi %add3A_76, %sub3A : i32
        %lt3A = arith.constant 78 : i32
        %lt3A_78 = arith.cmpi slt, %sub3A_77, %lt3A : i32
        %convert_element_type3A_79 = arith.extui %lt3A_78 : i1 to i32
        %cond3A_80 = arith.constant 0 : i32
        %cond3A_81 = arith.cmpi ne, %convert_element_type3A_79, %cond3A_80 : i32
        scf.if %cond3A_81 {
          %add3A_112 = arith.constant 2 : i32
          %add3A_113 = arith.addi %add3A_74, %add3A_112 : i32
          %sub3A_114 = arith.constant 1 : i32
          %sub3A_115 = arith.subi %add3A_113, %sub3A_114 : i32
          %mul3A_116 = arith.constant 128 : i32
          %mul3A_117 = arith.muli %sub3A_115, %mul3A_116 : i32
          %add3A_118 = arith.constant 0 : i32
          %add3A_119 = arith.addi %mul3A_117, %add3A_118 : i32
          %get3A_120 = arith.index_cast %add3A_119 : i32 to index
          %get3A_121 = tpu.vector_load %arg5[%get3A_120] {strides = array<i32>} : memref<10240xi32, #tpu.memory_space<vmem>>, vector<16xi32>,
          %get3A_122 = vector.shape_cast %get3A_121 : vector<16xi32> to vector<16xi32>
          %swap3A_123 = arith.constant 0 : index
          %swap3A_124 = tpu.vector_load %arg7[%swap3A_123] {strides = array<i32>} : memref<128xi32, #tpu.memory_space<vmem>>, vector<16xi32>,
          %swap3A_125 = vector.shape_cast %swap3A_124 : vector<16xi32> to vector<16xi32>
          %swap3A_126 = vector.shape_cast %get3A_122 : vector<16xi32> to vector<16xi32>
          tpu.vector_store %arg7[%swap3A_123], %swap3A_126 {strides = array<i32>} : memref<128xi32, #tpu.memory_space<vmem>>, vector<16xi32>,
          %mul3A_127 = arith.constant 128 : i32
          %mul3A_128 = arith.muli %sub3A_115, %mul3A_127 : i32
          %add3A_129 = arith.constant 16 : i32
          %add3A_130 = arith.addi %mul3A_128, %add3A_129 : i32
          %get3A_131 = arith.index_cast %add3A_130 : i32 to index
          %get3A_132 = tpu.vector_load %arg5[%get3A_131] {strides = array<i32>} : memref<10240xi32, #tpu.memory_space<vmem>>, vector<16xi32>,
          %get3A_133 = vector.shape_cast %get3A_132 : vector<16xi32> to vector<16xi32>
          %swap3A_134 = arith.constant 16 : index
          %swap3A_135 = tpu.vector_load %arg7[%swap3A_134] {strides = array<i32>} : memref<128xi32, #tpu.memory_space<vmem>>, vector<16xi32>,
          %swap3A_136 = vector.shape_cast %swap3A_135 : vector<16xi32> to vector<16xi32>
          %swap3A_137 = vector.shape_cast %get3A_133 : vector<16xi32> to vector<16xi32>
          tpu.vector_store %arg7[%swap3A_134], %swap3A_137 {strides = array<i32>} : memref<128xi32, #tpu.memory_space<vmem>>, vector<16xi32>,
          %mul3A_138 = arith.constant 128 : i32
          %mul3A_139 = arith.muli %sub3A_115, %mul3A_138 : i32
          %add3A_140 = arith.constant 32 : i32
          %add3A_141 = arith.addi %mul3A_139, %add3A_140 : i32
          %get3A_142 = arith.index_cast %add3A_141 : i32 to index
          %get3A_143 = tpu.vector_load %arg5[%get3A_142] {strides = array<i32>} : memref<10240xi32, #tpu.memory_space<vmem>>, vector<16xi32>,
          %get3A_144 = vector.shape_cast %get3A_143 : vector<16xi32> to vector<16xi32>
          %swap3A_145 = arith.constant 32 : index
          %swap3A_146 = tpu.vector_load %arg7[%swap3A_145] {strides = array<i32>} : memref<128xi32, #tpu.memory_space<vmem>>, vector<16xi32>,
          %swap3A_147 = vector.shape_cast %swap3A_146 : vector<16xi32> to vector<16xi32>
          %swap3A_148 = vector.shape_cast %get3A_144 : vector<16xi32> to vector<16xi32>
          tpu.vector_store %arg7[%swap3A_145], %swap3A_148 {strides = array<i32>} : memref<128xi32, #tpu.memory_space<vmem>>, vector<16xi32>,
          %mul3A_149 = arith.constant 128 : i32
          %mul3A_150 = arith.muli %sub3A_115, %mul3A_149 : i32
          %add3A_151 = arith.constant 48 : i32
          %add3A_152 = arith.addi %mul3A_150, %add3A_151 : i32
          %get3A_153 = arith.index_cast %add3A_152 : i32 to index
          %get3A_154 = tpu.vector_load %arg5[%get3A_153] {strides = array<i32>} : memref<10240xi32, #tpu.memory_space<vmem>>, vector<16xi32>,
          %get3A_155 = vector.shape_cast %get3A_154 : vector<16xi32> to vector<16xi32>
          %swap3A_156 = arith.constant 48 : index
          %swap3A_157 = tpu.vector_load %arg7[%swap3A_156] {strides = array<i32>} : memref<128xi32, #tpu.memory_space<vmem>>, vector<16xi32>,
          %swap3A_158 = vector.shape_cast %swap3A_157 : vector<16xi32> to vector<16xi32>
          %swap3A_159 = vector.shape_cast %get3A_155 : vector<16xi32> to vector<16xi32>
          tpu.vector_store %arg7[%swap3A_156], %swap3A_159 {strides = array<i32>} : memref<128xi32, #tpu.memory_space<vmem>>, vector<16xi32>,
          %mul3A_160 = arith.constant 128 : i32
          %mul3A_161 = arith.muli %sub3A_115, %mul3A_160 : i32
          %add3A_162 = arith.constant 64 : i32
          %add3A_163 = arith.addi %mul3A_161, %add3A_162 : i32
          %get3A_164 = arith.index_cast %add3A_163 : i32 to index
          %get3A_165 = tpu.vector_load %arg5[%get3A_164] {strides = array<i32>} : memref<10240xi32, #tpu.memory_space<vmem>>, vector<16xi32>,
          %get3A_166 = vector.shape_cast %get3A_165 : vector<16xi32> to vector<16xi32>
          %swap3A_167 = arith.constant 64 : index
          %swap3A_168 = tpu.vector_load %arg7[%swap3A_167] {strides = array<i32>} : memref<128xi32, #tpu.memory_space<vmem>>, vector<16xi32>,
          %swap3A_169 = vector.shape_cast %swap3A_168 : vector<16xi32> to vector<16xi32>
          %swap3A_170 = vector.shape_cast %get3A_166 : vector<16xi32> to vector<16xi32>
          tpu.vector_store %arg7[%swap3A_167], %swap3A_170 {strides = array<i32>} : memref<128xi32, #tpu.memory_space<vmem>>, vector<16xi32>,
          %mul3A_171 = arith.constant 128 : i32
          %mul3A_172 = arith.muli %sub3A_115, %mul3A_171 : i32
          %add3A_173 = arith.constant 80 : i32
          %add3A_174 = arith.addi %mul3A_172, %add3A_173 : i32
          %get3A_175 = arith.index_cast %add3A_174 : i32 to index
          %get3A_176 = tpu.vector_load %arg5[%get3A_175] {strides = array<i32>} : memref<10240xi32, #tpu.memory_space<vmem>>, vector<16xi32>,
          %get3A_177 = vector.shape_cast %get3A_176 : vector<16xi32> to vector<16xi32>
          %swap3A_178 = arith.constant 80 : index
          %swap3A_179 = tpu.vector_load %arg7[%swap3A_178] {strides = array<i32>} : memref<128xi32, #tpu.memory_space<vmem>>, vector<16xi32>,
          %swap3A_180 = vector.shape_cast %swap3A_179 : vector<16xi32> to vector<16xi32>
          %swap3A_181 = vector.shape_cast %get3A_177 : vector<16xi32> to vector<16xi32>
          tpu.vector_store %arg7[%swap3A_178], %swap3A_181 {strides = array<i32>} : memref<128xi32, #tpu.memory_space<vmem>>, vector<16xi32>,
          %mul3A_182 = arith.constant 128 : i32
          %mul3A_183 = arith.muli %sub3A_115, %mul3A_182 : i32
          %add3A_184 = arith.constant 96 : i32
          %add3A_185 = arith.addi %mul3A_183, %add3A_184 : i32
          %get3A_186 = arith.index_cast %add3A_185 : i32 to index
          %get3A_187 = tpu.vector_load %arg5[%get3A_186] {strides = array<i32>} : memref<10240xi32, #tpu.memory_space<vmem>>, vector<16xi32>,
          %get3A_188 = vector.shape_cast %get3A_187 : vector<16xi32> to vector<16xi32>
          %swap3A_189 = arith.constant 96 : index
          %swap3A_190 = tpu.vector_load %arg7[%swap3A_189] {strides = array<i32>} : memref<128xi32, #tpu.memory_space<vmem>>, vector<16xi32>,
          %swap3A_191 = vector.shape_cast %swap3A_190 : vector<16xi32> to vector<16xi32>
          %swap3A_192 = vector.shape_cast %get3A_188 : vector<16xi32> to vector<16xi32>
          tpu.vector_store %arg7[%swap3A_189], %swap3A_192 {strides = array<i32>} : memref<128xi32, #tpu.memory_space<vmem>>, vector<16xi32>,
          %mul3A_193 = arith.constant 128 : i32
          %mul3A_194 = arith.muli %sub3A_115, %mul3A_193 : i32
          %add3A_195 = arith.constant 112 : i32
          %add3A_196 = arith.addi %mul3A_194, %add3A_195 : i32
          %get3A_197 = arith.index_cast %add3A_196 : i32 to index
          %get3A_198 = tpu.vector_load %arg5[%get3A_197] {strides = array<i32>} : memref<10240xi32, #tpu.memory_space<vmem>>, vector<16xi32>,
          %get3A_199 = vector.shape_cast %get3A_198 : vector<16xi32> to vector<16xi32>
          %swap3A_200 = arith.constant 112 : index
          %swap3A_201 = tpu.vector_load %arg7[%swap3A_200] {strides = array<i32>} : memref<128xi32, #tpu.memory_space<vmem>>, vector<16xi32>,
          %swap3A_202 = vector.shape_cast %swap3A_201 : vector<16xi32> to vector<16xi32>
          %swap3A_203 = vector.shape_cast %get3A_199 : vector<16xi32> to vector<16xi32>
          tpu.vector_store %arg7[%swap3A_200], %swap3A_203 {strides = array<i32>} : memref<128xi32, #tpu.memory_space<vmem>>, vector<16xi32>,
          %dma_start3A_204 = arith.constant 0 : i32
          %dma_start3A_205 = arith.constant 0 : i32
          %dma_start3A_206 = tpu.memref_slice %arg2[%dma_start3A_204, %dma_start3A_205] : memref<10000x128xf32, #tpu.memory_space<hbm>> -> memref<10000x128xf32, #tpu.memory_space<hbm>>
          tpu.enqueue_indirect_dma source(%dma_start3A_206 : memref<10000x128xf32, #tpu.memory_space<hbm>>) target(%arg9 : memref<128x128xf32, #tpu.memory_space<vmem>>) offsets(%arg7 : memref<128xi32, #tpu.memory_space<vmem>>) semaphore(%arg12 : memref<!tpu.dma_semaphore, #tpu.memory_space<semaphore_mem>>)
        } else {
        }
        %dma_wait3A = arith.constant 0 : i32
        %dma_wait3A_82 = arith.constant 0 : i32
        %dma_wait3A_83 = tpu.memref_slice %arg2[%dma_wait3A, %dma_wait3A_82] : memref<10000x128xf32, #tpu.memory_space<hbm>> -> memref<10000x128xf32, #tpu.memory_space<hbm>>
        tpu.wait_indirect_dma semaphore(%arg11 : memref<!tpu.dma_semaphore, #tpu.memory_space<semaphore_mem>>) src(%dma_wait3A_83 : memref<10000x128xf32, #tpu.memory_space<hbm>>) dst(%arg8 : memref<128x128xf32, #tpu.memory_space<vmem>>)
        %scan3A_84 = arith.constant 0 : i32
        %scan3A_85 = arith.constant 0 : i32
        %scan3A_86 = arith.constant 32 : i32
        %scan3A_87 = arith.addi %scan3A_85, %scan3A_86 : i32
        %scan3A_88 = arith.constant 1 : i32
        scf.for %scan3A_112 = %scan3A_85 to %scan3A_87 step %scan3A_88  : i32 {
          %jit3A = arith.constant 8 : i32
          %div3A = arith.divsi %scan3A_112, %jit3A : i32
          %sign3A = arith.constant 0 : i32
          %sign3A_113 = arith.cmpi sgt, %scan3A_112, %sign3A : i32
          %sign3A_114 = arith.extui %sign3A_113 : i1 to i32
          %sign3A_115 = arith.constant 0 : i32
          %sign3A_116 = arith.cmpi slt, %scan3A_112, %sign3A_115 : i32
          %sign3A_117 = arith.extui %sign3A_116 : i1 to i32
          %sign3A_118 = arith.subi %sign3A_114, %sign3A_117 : i32
          %sign3A_119 = arith.constant 0 : i32
          %sign3A_120 = arith.cmpi sgt, %jit3A, %sign3A_119 : i32
          %sign3A_121 = arith.extui %sign3A_120 : i1 to i32
          %sign3A_122 = arith.constant 0 : i32
          %sign3A_123 = arith.cmpi slt, %jit3A, %sign3A_122 : i32
          %sign3A_124 = arith.extui %sign3A_123 : i1 to i32
          %sign3A_125 = arith.subi %sign3A_121, %sign3A_124 : i32
          %ne3A = arith.cmpi ne, %sign3A_118, %sign3A_125 : i32
          %rem3A = arith.remsi %scan3A_112, %jit3A : i32
          %ne3A_126 = arith.constant 0 : i32
          %ne3A_127 = arith.cmpi ne, %rem3A, %ne3A_126 : i32
          %and3A = arith.andi %ne3A, %ne3A_127 : i1
          %sub3A_128 = arith.constant 1 : i32
          %sub3A_129 = arith.subi %div3A, %sub3A_128 : i32
          %select_n3A = arith.select %and3A, %sub3A_129, %div3A : i32
          %jit3A_130 = arith.constant 8 : i32
          %eq3A_131 = arith.constant 0 : i32
          %eq3A_132 = arith.cmpi eq, %jit3A_130, %eq3A_131 : i32
          %jit3A_133 = arith.constant 1 : i32
          %select_n3A_134 = arith.select %eq3A_132, %jit3A_133, %jit3A_130 : i32
          %rem3A_135 = arith.remsi %scan3A_112, %select_n3A_134 : i32
          %ne3A_136 = arith.constant 0 : i32
          %ne3A_137 = arith.cmpi ne, %rem3A_135, %ne3A_136 : i32
          %lt3A_138 = arith.constant 0 : i32
          %lt3A_139 = arith.cmpi slt, %rem3A_135, %lt3A_138 : i32
          %lt3A_140 = arith.constant 0 : i32
          %lt3A_141 = arith.cmpi slt, %select_n3A_134, %lt3A_140 : i32
          %ne3A_142 = arith.xori %lt3A_139, %lt3A_141 : i1
          %and3A_143 = arith.andi %ne3A_142, %ne3A_137 : i1
          %add3A_144 = arith.addi %rem3A_135, %select_n3A_134 : i32
          %select_n3A_145 = arith.select %and3A_143, %add3A_144, %rem3A_135 : i32
          %mul3A_146 = arith.constant 16 : i32
          %mul3A_147 = arith.muli %select_n3A_145, %mul3A_146 : i32
          %mul3A_148 = arith.constant 32 : i32
          %mul3A_149 = arith.muli %select_n3A, %mul3A_148 : i32
          %add3A_150 = arith.constant 0 : i32
          %add3A_151 = arith.addi %mul3A_149, %add3A_150 : i32
          %get3A_152 = arith.index_cast %add3A_151 : i32 to index
          %get3A_153 = arith.index_cast %mul3A_147 : i32 to index
          %get3A_154 = tpu.vector_load %arg8[%get3A_152, %get3A_153] {strides = array<i32>} : memref<128x128xf32, #tpu.memory_space<vmem>>, vector<1x16xf32>,
          %get3A_155 = vector.shape_cast %get3A_154 : vector<1x16xf32> to vector<16xf32>
          %mul3A_156 = arith.constant 32 : i32
          %mul3A_157 = arith.muli %select_n3A, %mul3A_156 : i32
          %add3A_158 = arith.constant 1 : i32
          %add3A_159 = arith.addi %mul3A_157, %add3A_158 : i32
          %get3A_160 = arith.index_cast %add3A_159 : i32 to index
          %get3A_161 = arith.index_cast %mul3A_147 : i32 to index
          %get3A_162 = tpu.vector_load %arg8[%get3A_160, %get3A_161] {strides = array<i32>} : memref<128x128xf32, #tpu.memory_space<vmem>>, vector<1x16xf32>,
          %get3A_163 = vector.shape_cast %get3A_162 : vector<1x16xf32> to vector<16xf32>
          %mul3A_164 = arith.constant 32 : i32
          %mul3A_165 = arith.muli %select_n3A, %mul3A_164 : i32
          %add3A_166 = arith.constant 2 : i32
          %add3A_167 = arith.addi %mul3A_165, %add3A_166 : i32
          %get3A_168 = arith.index_cast %add3A_167 : i32 to index
          %get3A_169 = arith.index_cast %mul3A_147 : i32 to index
          %get3A_170 = tpu.vector_load %arg8[%get3A_168, %get3A_169] {strides = array<i32>} : memref<128x128xf32, #tpu.memory_space<vmem>>, vector<1x16xf32>,
          %get3A_171 = vector.shape_cast %get3A_170 : vector<1x16xf32> to vector<16xf32>
          %mul3A_172 = arith.constant 32 : i32
          %mul3A_173 = arith.muli %select_n3A, %mul3A_172 : i32
          %add3A_174 = arith.constant 3 : i32
          %add3A_175 = arith.addi %mul3A_173, %add3A_174 : i32
          %get3A_176 = arith.index_cast %add3A_175 : i32 to index
          %get3A_177 = arith.index_cast %mul3A_147 : i32 to index
          %get3A_178 = tpu.vector_load %arg8[%get3A_176, %get3A_177] {strides = array<i32>} : memref<128x128xf32, #tpu.memory_space<vmem>>, vector<1x16xf32>,
          %get3A_179 = vector.shape_cast %get3A_178 : vector<1x16xf32> to vector<16xf32>
          %mul3A_180 = arith.constant 32 : i32
          %mul3A_181 = arith.muli %select_n3A, %mul3A_180 : i32
          %add3A_182 = arith.constant 4 : i32
          %add3A_183 = arith.addi %mul3A_181, %add3A_182 : i32
          %get3A_184 = arith.index_cast %add3A_183 : i32 to index
          %get3A_185 = arith.index_cast %mul3A_147 : i32 to index
          %get3A_186 = tpu.vector_load %arg8[%get3A_184, %get3A_185] {strides = array<i32>} : memref<128x128xf32, #tpu.memory_space<vmem>>, vector<1x16xf32>,
          %get3A_187 = vector.shape_cast %get3A_186 : vector<1x16xf32> to vector<16xf32>
          %mul3A_188 = arith.constant 32 : i32
          %mul3A_189 = arith.muli %select_n3A, %mul3A_188 : i32
          %add3A_190 = arith.constant 5 : i32
          %add3A_191 = arith.addi %mul3A_189, %add3A_190 : i32
          %get3A_192 = arith.index_cast %add3A_191 : i32 to index
          %get3A_193 = arith.index_cast %mul3A_147 : i32 to index
          %get3A_194 = tpu.vector_load %arg8[%get3A_192, %get3A_193] {strides = array<i32>} : memref<128x128xf32, #tpu.memory_space<vmem>>, vector<1x16xf32>,
          %get3A_195 = vector.shape_cast %get3A_194 : vector<1x16xf32> to vector<16xf32>
          %mul3A_196 = arith.constant 32 : i32
          %mul3A_197 = arith.muli %select_n3A, %mul3A_196 : i32
          %add3A_198 = arith.constant 6 : i32
          %add3A_199 = arith.addi %mul3A_197, %add3A_198 : i32
          %get3A_200 = arith.index_cast %add3A_199 : i32 to index
          %get3A_201 = arith.index_cast %mul3A_147 : i32 to index
          %get3A_202 = tpu.vector_load %arg8[%get3A_200, %get3A_201] {strides = array<i32>} : memref<128x128xf32, #tpu.memory_space<vmem>>, vector<1x16xf32>,
          %get3A_203 = vector.shape_cast %get3A_202 : vector<1x16xf32> to vector<16xf32>
          %mul3A_204 = arith.constant 32 : i32
          %mul3A_205 = arith.muli %select_n3A, %mul3A_204 : i32
          %add3A_206 = arith.constant 7 : i32
          %add3A_207 = arith.addi %mul3A_205, %add3A_206 : i32
          %get3A_208 = arith.index_cast %add3A_207 : i32 to index
          %get3A_209 = arith.index_cast %mul3A_147 : i32 to index
          %get3A_210 = tpu.vector_load %arg8[%get3A_208, %get3A_209] {strides = array<i32>} : memref<128x128xf32, #tpu.memory_space<vmem>>, vector<1x16xf32>,
          %get3A_211 = vector.shape_cast %get3A_210 : vector<1x16xf32> to vector<16xf32>
          %mul3A_212 = arith.constant 32 : i32
          %mul3A_213 = arith.muli %select_n3A, %mul3A_212 : i32
          %add3A_214 = arith.constant 8 : i32
          %add3A_215 = arith.addi %mul3A_213, %add3A_214 : i32
          %get3A_216 = arith.index_cast %add3A_215 : i32 to index
          %get3A_217 = arith.index_cast %mul3A_147 : i32 to index
          %get3A_218 = tpu.vector_load %arg8[%get3A_216, %get3A_217] {strides = array<i32>} : memref<128x128xf32, #tpu.memory_space<vmem>>, vector<1x16xf32>,
          %get3A_219 = vector.shape_cast %get3A_218 : vector<1x16xf32> to vector<16xf32>
          %mul3A_220 = arith.constant 32 : i32
          %mul3A_221 = arith.muli %select_n3A, %mul3A_220 : i32
          %add3A_222 = arith.constant 9 : i32
          %add3A_223 = arith.addi %mul3A_221, %add3A_222 : i32
          %get3A_224 = arith.index_cast %add3A_223 : i32 to index
          %get3A_225 = arith.index_cast %mul3A_147 : i32 to index
          %get3A_226 = tpu.vector_load %arg8[%get3A_224, %get3A_225] {strides = array<i32>} : memref<128x128xf32, #tpu.memory_space<vmem>>, vector<1x16xf32>,
          %get3A_227 = vector.shape_cast %get3A_226 : vector<1x16xf32> to vector<16xf32>
          %mul3A_228 = arith.constant 32 : i32
          %mul3A_229 = arith.muli %select_n3A, %mul3A_228 : i32
          %add3A_230 = arith.constant 10 : i32
          %add3A_231 = arith.addi %mul3A_229, %add3A_230 : i32
          %get3A_232 = arith.index_cast %add3A_231 : i32 to index
          %get3A_233 = arith.index_cast %mul3A_147 : i32 to index
          %get3A_234 = tpu.vector_load %arg8[%get3A_232, %get3A_233] {strides = array<i32>} : memref<128x128xf32, #tpu.memory_space<vmem>>, vector<1x16xf32>,
          %get3A_235 = vector.shape_cast %get3A_234 : vector<1x16xf32> to vector<16xf32>
          %mul3A_236 = arith.constant 32 : i32
          %mul3A_237 = arith.muli %select_n3A, %mul3A_236 : i32
          %add3A_238 = arith.constant 11 : i32
          %add3A_239 = arith.addi %mul3A_237, %add3A_238 : i32
          %get3A_240 = arith.index_cast %add3A_239 : i32 to index
          %get3A_241 = arith.index_cast %mul3A_147 : i32 to index
          %get3A_242 = tpu.vector_load %arg8[%get3A_240, %get3A_241] {strides = array<i32>} : memref<128x128xf32, #tpu.memory_space<vmem>>, vector<1x16xf32>,
          %get3A_243 = vector.shape_cast %get3A_242 : vector<1x16xf32> to vector<16xf32>
          %mul3A_244 = arith.constant 32 : i32
          %mul3A_245 = arith.muli %select_n3A, %mul3A_244 : i32
          %add3A_246 = arith.constant 12 : i32
          %add3A_247 = arith.addi %mul3A_245, %add3A_246 : i32
          %get3A_248 = arith.index_cast %add3A_247 : i32 to index
          %get3A_249 = arith.index_cast %mul3A_147 : i32 to index
          %get3A_250 = tpu.vector_load %arg8[%get3A_248, %get3A_249] {strides = array<i32>} : memref<128x128xf32, #tpu.memory_space<vmem>>, vector<1x16xf32>,
          %get3A_251 = vector.shape_cast %get3A_250 : vector<1x16xf32> to vector<16xf32>
          %mul3A_252 = arith.constant 32 : i32
          %mul3A_253 = arith.muli %select_n3A, %mul3A_252 : i32
          %add3A_254 = arith.constant 13 : i32
          %add3A_255 = arith.addi %mul3A_253, %add3A_254 : i32
          %get3A_256 = arith.index_cast %add3A_255 : i32 to index
          %get3A_257 = arith.index_cast %mul3A_147 : i32 to index
          %get3A_258 = tpu.vector_load %arg8[%get3A_256, %get3A_257] {strides = array<i32>} : memref<128x128xf32, #tpu.memory_space<vmem>>, vector<1x16xf32>,
          %get3A_259 = vector.shape_cast %get3A_258 : vector<1x16xf32> to vector<16xf32>
          %mul3A_260 = arith.constant 32 : i32
          %mul3A_261 = arith.muli %select_n3A, %mul3A_260 : i32
          %add3A_262 = arith.constant 14 : i32
          %add3A_263 = arith.addi %mul3A_261, %add3A_262 : i32
          %get3A_264 = arith.index_cast %add3A_263 : i32 to index
          %get3A_265 = arith.index_cast %mul3A_147 : i32 to index
          %get3A_266 = tpu.vector_load %arg8[%get3A_264, %get3A_265] {strides = array<i32>} : memref<128x128xf32, #tpu.memory_space<vmem>>, vector<1x16xf32>,
          %get3A_267 = vector.shape_cast %get3A_266 : vector<1x16xf32> to vector<16xf32>
          %mul3A_268 = arith.constant 32 : i32
          %mul3A_269 = arith.muli %select_n3A, %mul3A_268 : i32
          %add3A_270 = arith.constant 15 : i32
          %add3A_271 = arith.addi %mul3A_269, %add3A_270 : i32
          %get3A_272 = arith.index_cast %add3A_271 : i32 to index
          %get3A_273 = arith.index_cast %mul3A_147 : i32 to index
          %get3A_274 = tpu.vector_load %arg8[%get3A_272, %get3A_273] {strides = array<i32>} : memref<128x128xf32, #tpu.memory_space<vmem>>, vector<1x16xf32>,
          %get3A_275 = vector.shape_cast %get3A_274 : vector<1x16xf32> to vector<16xf32>
          %mul3A_276 = arith.constant 32 : i32
          %mul3A_277 = arith.muli %select_n3A, %mul3A_276 : i32
          %add3A_278 = arith.constant 16 : i32
          %add3A_279 = arith.addi %mul3A_277, %add3A_278 : i32
          %get3A_280 = arith.index_cast %add3A_279 : i32 to index
          %get3A_281 = arith.index_cast %mul3A_147 : i32 to index
          %get3A_282 = tpu.vector_load %arg8[%get3A_280, %get3A_281] {strides = array<i32>} : memref<128x128xf32, #tpu.memory_space<vmem>>, vector<1x16xf32>,
          %get3A_283 = vector.shape_cast %get3A_282 : vector<1x16xf32> to vector<16xf32>
          %mul3A_284 = arith.constant 32 : i32
          %mul3A_285 = arith.muli %select_n3A, %mul3A_284 : i32
          %add3A_286 = arith.constant 17 : i32
          %add3A_287 = arith.addi %mul3A_285, %add3A_286 : i32
          %get3A_288 = arith.index_cast %add3A_287 : i32 to index
          %get3A_289 = arith.index_cast %mul3A_147 : i32 to index
          %get3A_290 = tpu.vector_load %arg8[%get3A_288, %get3A_289] {strides = array<i32>} : memref<128x128xf32, #tpu.memory_space<vmem>>, vector<1x16xf32>,
          %get3A_291 = vector.shape_cast %get3A_290 : vector<1x16xf32> to vector<16xf32>
          %mul3A_292 = arith.constant 32 : i32
          %mul3A_293 = arith.muli %select_n3A, %mul3A_292 : i32
          %add3A_294 = arith.constant 18 : i32
          %add3A_295 = arith.addi %mul3A_293, %add3A_294 : i32
          %get3A_296 = arith.index_cast %add3A_295 : i32 to index
          %get3A_297 = arith.index_cast %mul3A_147 : i32 to index
          %get3A_298 = tpu.vector_load %arg8[%get3A_296, %get3A_297] {strides = array<i32>} : memref<128x128xf32, #tpu.memory_space<vmem>>, vector<1x16xf32>,
          %get3A_299 = vector.shape_cast %get3A_298 : vector<1x16xf32> to vector<16xf32>
          %mul3A_300 = arith.constant 32 : i32
          %mul3A_301 = arith.muli %select_n3A, %mul3A_300 : i32
          %add3A_302 = arith.constant 19 : i32
          %add3A_303 = arith.addi %mul3A_301, %add3A_302 : i32
          %get3A_304 = arith.index_cast %add3A_303 : i32 to index
          %get3A_305 = arith.index_cast %mul3A_147 : i32 to index
          %get3A_306 = tpu.vector_load %arg8[%get3A_304, %get3A_305] {strides = array<i32>} : memref<128x128xf32, #tpu.memory_space<vmem>>, vector<1x16xf32>,
          %get3A_307 = vector.shape_cast %get3A_306 : vector<1x16xf32> to vector<16xf32>
          %mul3A_308 = arith.constant 32 : i32
          %mul3A_309 = arith.muli %select_n3A, %mul3A_308 : i32
          %add3A_310 = arith.constant 20 : i32
          %add3A_311 = arith.addi %mul3A_309, %add3A_310 : i32
          %get3A_312 = arith.index_cast %add3A_311 : i32 to index
          %get3A_313 = arith.index_cast %mul3A_147 : i32 to index
          %get3A_314 = tpu.vector_load %arg8[%get3A_312, %get3A_313] {strides = array<i32>} : memref<128x128xf32, #tpu.memory_space<vmem>>, vector<1x16xf32>,
          %get3A_315 = vector.shape_cast %get3A_314 : vector<1x16xf32> to vector<16xf32>
          %mul3A_316 = arith.constant 32 : i32
          %mul3A_317 = arith.muli %select_n3A, %mul3A_316 : i32
          %add3A_318 = arith.constant 21 : i32
          %add3A_319 = arith.addi %mul3A_317, %add3A_318 : i32
          %get3A_320 = arith.index_cast %add3A_319 : i32 to index
          %get3A_321 = arith.index_cast %mul3A_147 : i32 to index
          %get3A_322 = tpu.vector_load %arg8[%get3A_320, %get3A_321] {strides = array<i32>} : memref<128x128xf32, #tpu.memory_space<vmem>>, vector<1x16xf32>,
          %get3A_323 = vector.shape_cast %get3A_322 : vector<1x16xf32> to vector<16xf32>
          %mul3A_324 = arith.constant 32 : i32
          %mul3A_325 = arith.muli %select_n3A, %mul3A_324 : i32
          %add3A_326 = arith.constant 22 : i32
          %add3A_327 = arith.addi %mul3A_325, %add3A_326 : i32
          %get3A_328 = arith.index_cast %add3A_327 : i32 to index
          %get3A_329 = arith.index_cast %mul3A_147 : i32 to index
          %get3A_330 = tpu.vector_load %arg8[%get3A_328, %get3A_329] {strides = array<i32>} : memref<128x128xf32, #tpu.memory_space<vmem>>, vector<1x16xf32>,
          %get3A_331 = vector.shape_cast %get3A_330 : vector<1x16xf32> to vector<16xf32>
          %mul3A_332 = arith.constant 32 : i32
          %mul3A_333 = arith.muli %select_n3A, %mul3A_332 : i32
          %add3A_334 = arith.constant 23 : i32
          %add3A_335 = arith.addi %mul3A_333, %add3A_334 : i32
          %get3A_336 = arith.index_cast %add3A_335 : i32 to index
          %get3A_337 = arith.index_cast %mul3A_147 : i32 to index
          %get3A_338 = tpu.vector_load %arg8[%get3A_336, %get3A_337] {strides = array<i32>} : memref<128x128xf32, #tpu.memory_space<vmem>>, vector<1x16xf32>,
          %get3A_339 = vector.shape_cast %get3A_338 : vector<1x16xf32> to vector<16xf32>
          %mul3A_340 = arith.constant 32 : i32
          %mul3A_341 = arith.muli %select_n3A, %mul3A_340 : i32
          %add3A_342 = arith.constant 24 : i32
          %add3A_343 = arith.addi %mul3A_341, %add3A_342 : i32
          %get3A_344 = arith.index_cast %add3A_343 : i32 to index
          %get3A_345 = arith.index_cast %mul3A_147 : i32 to index
          %get3A_346 = tpu.vector_load %arg8[%get3A_344, %get3A_345] {strides = array<i32>} : memref<128x128xf32, #tpu.memory_space<vmem>>, vector<1x16xf32>,
          %get3A_347 = vector.shape_cast %get3A_346 : vector<1x16xf32> to vector<16xf32>
          %mul3A_348 = arith.constant 32 : i32
          %mul3A_349 = arith.muli %select_n3A, %mul3A_348 : i32
          %add3A_350 = arith.constant 25 : i32
          %add3A_351 = arith.addi %mul3A_349, %add3A_350 : i32
          %get3A_352 = arith.index_cast %add3A_351 : i32 to index
          %get3A_353 = arith.index_cast %mul3A_147 : i32 to index
          %get3A_354 = tpu.vector_load %arg8[%get3A_352, %get3A_353] {strides = array<i32>} : memref<128x128xf32, #tpu.memory_space<vmem>>, vector<1x16xf32>,
          %get3A_355 = vector.shape_cast %get3A_354 : vector<1x16xf32> to vector<16xf32>
          %mul3A_356 = arith.constant 32 : i32
          %mul3A_357 = arith.muli %select_n3A, %mul3A_356 : i32
          %add3A_358 = arith.constant 26 : i32
          %add3A_359 = arith.addi %mul3A_357, %add3A_358 : i32
          %get3A_360 = arith.index_cast %add3A_359 : i32 to index
          %get3A_361 = arith.index_cast %mul3A_147 : i32 to index
          %get3A_362 = tpu.vector_load %arg8[%get3A_360, %get3A_361] {strides = array<i32>} : memref<128x128xf32, #tpu.memory_space<vmem>>, vector<1x16xf32>,
          %get3A_363 = vector.shape_cast %get3A_362 : vector<1x16xf32> to vector<16xf32>
          %mul3A_364 = arith.constant 32 : i32
          %mul3A_365 = arith.muli %select_n3A, %mul3A_364 : i32
          %add3A_366 = arith.constant 27 : i32
          %add3A_367 = arith.addi %mul3A_365, %add3A_366 : i32
          %get3A_368 = arith.index_cast %add3A_367 : i32 to index
          %get3A_369 = arith.index_cast %mul3A_147 : i32 to index
          %get3A_370 = tpu.vector_load %arg8[%get3A_368, %get3A_369] {strides = array<i32>} : memref<128x128xf32, #tpu.memory_space<vmem>>, vector<1x16xf32>,
          %get3A_371 = vector.shape_cast %get3A_370 : vector<1x16xf32> to vector<16xf32>
          %mul3A_372 = arith.constant 32 : i32
          %mul3A_373 = arith.muli %select_n3A, %mul3A_372 : i32
          %add3A_374 = arith.constant 28 : i32
          %add3A_375 = arith.addi %mul3A_373, %add3A_374 : i32
          %get3A_376 = arith.index_cast %add3A_375 : i32 to index
          %get3A_377 = arith.index_cast %mul3A_147 : i32 to index
          %get3A_378 = tpu.vector_load %arg8[%get3A_376, %get3A_377] {strides = array<i32>} : memref<128x128xf32, #tpu.memory_space<vmem>>, vector<1x16xf32>,
          %get3A_379 = vector.shape_cast %get3A_378 : vector<1x16xf32> to vector<16xf32>
          %mul3A_380 = arith.constant 32 : i32
          %mul3A_381 = arith.muli %select_n3A, %mul3A_380 : i32
          %add3A_382 = arith.constant 29 : i32
          %add3A_383 = arith.addi %mul3A_381, %add3A_382 : i32
          %get3A_384 = arith.index_cast %add3A_383 : i32 to index
          %get3A_385 = arith.index_cast %mul3A_147 : i32 to index
          %get3A_386 = tpu.vector_load %arg8[%get3A_384, %get3A_385] {strides = array<i32>} : memref<128x128xf32, #tpu.memory_space<vmem>>, vector<1x16xf32>,
          %get3A_387 = vector.shape_cast %get3A_386 : vector<1x16xf32> to vector<16xf32>
          %mul3A_388 = arith.constant 32 : i32
          %mul3A_389 = arith.muli %select_n3A, %mul3A_388 : i32
          %add3A_390 = arith.constant 30 : i32
          %add3A_391 = arith.addi %mul3A_389, %add3A_390 : i32
          %get3A_392 = arith.index_cast %add3A_391 : i32 to index
          %get3A_393 = arith.index_cast %mul3A_147 : i32 to index
          %get3A_394 = tpu.vector_load %arg8[%get3A_392, %get3A_393] {strides = array<i32>} : memref<128x128xf32, #tpu.memory_space<vmem>>, vector<1x16xf32>,
          %get3A_395 = vector.shape_cast %get3A_394 : vector<1x16xf32> to vector<16xf32>
          %mul3A_396 = arith.constant 32 : i32
          %mul3A_397 = arith.muli %select_n3A, %mul3A_396 : i32
          %add3A_398 = arith.constant 31 : i32
          %add3A_399 = arith.addi %mul3A_397, %add3A_398 : i32
          %get3A_400 = arith.index_cast %add3A_399 : i32 to index
          %get3A_401 = arith.index_cast %mul3A_147 : i32 to index
          %get3A_402 = tpu.vector_load %arg8[%get3A_400, %get3A_401] {strides = array<i32>} : memref<128x128xf32, #tpu.memory_space<vmem>>, vector<1x16xf32>,
          %get3A_403 = vector.shape_cast %get3A_402 : vector<1x16xf32> to vector<16xf32>
          %min3A = arith.minimumf %get3A_155, %get3A_163 : vector<16xf32>
          %max3A = arith.maximumf %get3A_155, %get3A_163 : vector<16xf32>
          %min3A_404 = arith.minimumf %get3A_171, %get3A_179 : vector<16xf32>
          %max3A_405 = arith.maximumf %get3A_171, %get3A_179 : vector<16xf32>
          %min3A_406 = arith.minimumf %min3A, %min3A_404 : vector<16xf32>
          %max3A_407 = arith.maximumf %min3A, %min3A_404 : vector<16xf32>
          %min3A_408 = arith.minimumf %max3A, %max3A_405 : vector<16xf32>
          %max3A_409 = arith.maximumf %max3A, %max3A_405 : vector<16xf32>
          %min3A_410 = arith.minimumf %min3A_408, %max3A_407 : vector<16xf32>
          %max3A_411 = arith.maximumf %min3A_408, %max3A_407 : vector<16xf32>
          %min3A_412 = arith.minimumf %get3A_187, %get3A_195 : vector<16xf32>
          %max3A_413 = arith.maximumf %get3A_187, %get3A_195 : vector<16xf32>
          %min3A_414 = arith.minimumf %get3A_203, %get3A_211 : vector<16xf32>
          %max3A_415 = arith.maximumf %get3A_203, %get3A_211 : vector<16xf32>
          %min3A_416 = arith.minimumf %min3A_412, %min3A_414 : vector<16xf32>
          %max3A_417 = arith.maximumf %min3A_412, %min3A_414 : vector<16xf32>
          %min3A_418 = arith.minimumf %max3A_413, %max3A_415 : vector<16xf32>
          %max3A_419 = arith.maximumf %max3A_413, %max3A_415 : vector<16xf32>
          %min3A_420 = arith.minimumf %min3A_418, %max3A_417 : vector<16xf32>
          %max3A_421 = arith.maximumf %min3A_418, %max3A_417 : vector<16xf32>
          %min3A_422 = arith.minimumf %min3A_406, %min3A_416 : vector<16xf32>
          %max3A_423 = arith.maximumf %min3A_406, %min3A_416 : vector<16xf32>
          %min3A_424 = arith.minimumf %max3A_411, %max3A_421 : vector<16xf32>
          %max3A_425 = arith.maximumf %max3A_411, %max3A_421 : vector<16xf32>
          %min3A_426 = arith.minimumf %min3A_424, %max3A_423 : vector<16xf32>
          %max3A_427 = arith.maximumf %min3A_424, %max3A_423 : vector<16xf32>
          %min3A_428 = arith.minimumf %min3A_410, %min3A_420 : vector<16xf32>
          %max3A_429 = arith.maximumf %min3A_410, %min3A_420 : vector<16xf32>
          %min3A_430 = arith.minimumf %max3A_409, %max3A_419 : vector<16xf32>
          %max3A_431 = arith.maximumf %max3A_409, %max3A_419 : vector<16xf32>
          %min3A_432 = arith.minimumf %min3A_430, %max3A_429 : vector<16xf32>
          %max3A_433 = arith.maximumf %min3A_430, %max3A_429 : vector<16xf32>
          %min3A_434 = arith.minimumf %min3A_428, %min3A_426 : vector<16xf32>
          %max3A_435 = arith.maximumf %min3A_428, %min3A_426 : vector<16xf32>
          %min3A_436 = arith.minimumf %min3A_432, %max3A_427 : vector<16xf32>
          %max3A_437 = arith.maximumf %min3A_432, %max3A_427 : vector<16xf32>
          %min3A_438 = arith.minimumf %max3A_433, %max3A_425 : vector<16xf32>
          %max3A_439 = arith.maximumf %max3A_433, %max3A_425 : vector<16xf32>
          %min3A_440 = arith.minimumf %get3A_219, %get3A_227 : vector<16xf32>
          %max3A_441 = arith.maximumf %get3A_219, %get3A_227 : vector<16xf32>
          %min3A_442 = arith.minimumf %get3A_235, %get3A_243 : vector<16xf32>
          %max3A_443 = arith.maximumf %get3A_235, %get3A_243 : vector<16xf32>
          %min3A_444 = arith.minimumf %min3A_440, %min3A_442 : vector<16xf32>
          %max3A_445 = arith.maximumf %min3A_440, %min3A_442 : vector<16xf32>
          %min3A_446 = arith.minimumf %max3A_441, %max3A_443 : vector<16xf32>
          %max3A_447 = arith.maximumf %max3A_441, %max3A_443 : vector<16xf32>
          %min3A_448 = arith.minimumf %min3A_446, %max3A_445 : vector<16xf32>
          %max3A_449 = arith.maximumf %min3A_446, %max3A_445 : vector<16xf32>
          %min3A_450 = arith.minimumf %get3A_251, %get3A_259 : vector<16xf32>
          %max3A_451 = arith.maximumf %get3A_251, %get3A_259 : vector<16xf32>
          %min3A_452 = arith.minimumf %get3A_267, %get3A_275 : vector<16xf32>
          %max3A_453 = arith.maximumf %get3A_267, %get3A_275 : vector<16xf32>
          %min3A_454 = arith.minimumf %min3A_450, %min3A_452 : vector<16xf32>
          %max3A_455 = arith.maximumf %min3A_450, %min3A_452 : vector<16xf32>
          %min3A_456 = arith.minimumf %max3A_451, %max3A_453 : vector<16xf32>
          %max3A_457 = arith.maximumf %max3A_451, %max3A_453 : vector<16xf32>
          %min3A_458 = arith.minimumf %min3A_456, %max3A_455 : vector<16xf32>
          %max3A_459 = arith.maximumf %min3A_456, %max3A_455 : vector<16xf32>
          %min3A_460 = arith.minimumf %min3A_444, %min3A_454 : vector<16xf32>
          %max3A_461 = arith.maximumf %min3A_444, %min3A_454 : vector<16xf32>
          %min3A_462 = arith.minimumf %max3A_449, %max3A_459 : vector<16xf32>
          %max3A_463 = arith.maximumf %max3A_449, %max3A_459 : vector<16xf32>
          %min3A_464 = arith.minimumf %min3A_462, %max3A_461 : vector<16xf32>
          %max3A_465 = arith.maximumf %min3A_462, %max3A_461 : vector<16xf32>
          %min3A_466 = arith.minimumf %min3A_448, %min3A_458 : vector<16xf32>
          %max3A_467 = arith.maximumf %min3A_448, %min3A_458 : vector<16xf32>
          %min3A_468 = arith.minimumf %max3A_447, %max3A_457 : vector<16xf32>
          %max3A_469 = arith.maximumf %max3A_447, %max3A_457 : vector<16xf32>
          %min3A_470 = arith.minimumf %min3A_468, %max3A_467 : vector<16xf32>
          %max3A_471 = arith.maximumf %min3A_468, %max3A_467 : vector<16xf32>
          %min3A_472 = arith.minimumf %min3A_466, %min3A_464 : vector<16xf32>
          %max3A_473 = arith.maximumf %min3A_466, %min3A_464 : vector<16xf32>
          %min3A_474 = arith.minimumf %min3A_470, %max3A_465 : vector<16xf32>
          %max3A_475 = arith.maximumf %min3A_470, %max3A_465 : vector<16xf32>
          %min3A_476 = arith.minimumf %max3A_471, %max3A_463 : vector<16xf32>
          %max3A_477 = arith.maximumf %max3A_471, %max3A_463 : vector<16xf32>
          %min3A_478 = arith.minimumf %min3A_422, %min3A_460 : vector<16xf32>
          %max3A_479 = arith.maximumf %min3A_422, %min3A_460 : vector<16xf32>
          %min3A_480 = arith.minimumf %max3A_437, %max3A_475 : vector<16xf32>
          %max3A_481 = arith.maximumf %max3A_437, %max3A_475 : vector<16xf32>
          %min3A_482 = arith.minimumf %min3A_480, %max3A_479 : vector<16xf32>
          %max3A_483 = arith.maximumf %min3A_480, %max3A_479 : vector<16xf32>
          %min3A_484 = arith.minimumf %max3A_435, %max3A_473 : vector<16xf32>
          %max3A_485 = arith.maximumf %max3A_435, %max3A_473 : vector<16xf32>
          %min3A_486 = arith.minimumf %max3A_439, %max3A_477 : vector<16xf32>
          %max3A_487 = arith.maximumf %max3A_439, %max3A_477 : vector<16xf32>
          %min3A_488 = arith.minimumf %min3A_486, %max3A_485 : vector<16xf32>
          %max3A_489 = arith.maximumf %min3A_486, %max3A_485 : vector<16xf32>
          %min3A_490 = arith.minimumf %min3A_484, %min3A_482 : vector<16xf32>
          %max3A_491 = arith.maximumf %min3A_484, %min3A_482 : vector<16xf32>
          %min3A_492 = arith.minimumf %min3A_488, %max3A_483 : vector<16xf32>
          %max3A_493 = arith.maximumf %min3A_488, %max3A_483 : vector<16xf32>
          %min3A_494 = arith.minimumf %max3A_489, %max3A_481 : vector<16xf32>
          %max3A_495 = arith.maximumf %max3A_489, %max3A_481 : vector<16xf32>
          %min3A_496 = arith.minimumf %min3A_434, %min3A_472 : vector<16xf32>
          %max3A_497 = arith.maximumf %min3A_434, %min3A_472 : vector<16xf32>
          %min3A_498 = arith.minimumf %min3A_438, %min3A_476 : vector<16xf32>
          %max3A_499 = arith.maximumf %min3A_438, %min3A_476 : vector<16xf32>
          %min3A_500 = arith.minimumf %min3A_498, %max3A_497 : vector<16xf32>
          %max3A_501 = arith.maximumf %min3A_498, %max3A_497 : vector<16xf32>
          %min3A_502 = arith.minimumf %min3A_436, %min3A_474 : vector<16xf32>
          %max3A_503 = arith.maximumf %min3A_436, %min3A_474 : vector<16xf32>
          %min3A_504 = arith.minimumf %max3A_431, %max3A_469 : vector<16xf32>
          %max3A_505 = arith.maximumf %max3A_431, %max3A_469 : vector<16xf32>
          %min3A_506 = arith.minimumf %min3A_504, %max3A_503 : vector<16xf32>
          %max3A_507 = arith.maximumf %min3A_504, %max3A_503 : vector<16xf32>
          %min3A_508 = arith.minimumf %min3A_502, %min3A_500 : vector<16xf32>
          %max3A_509 = arith.maximumf %min3A_502, %min3A_500 : vector<16xf32>
          %min3A_510 = arith.minimumf %min3A_506, %max3A_501 : vector<16xf32>
          %max3A_511 = arith.maximumf %min3A_506, %max3A_501 : vector<16xf32>
          %min3A_512 = arith.minimumf %max3A_507, %max3A_499 : vector<16xf32>
          %max3A_513 = arith.maximumf %max3A_507, %max3A_499 : vector<16xf32>
          %min3A_514 = arith.minimumf %min3A_496, %min3A_490 : vector<16xf32>
          %max3A_515 = arith.maximumf %min3A_496, %min3A_490 : vector<16xf32>
          %min3A_516 = arith.minimumf %min3A_508, %max3A_491 : vector<16xf32>
          %max3A_517 = arith.maximumf %min3A_508, %max3A_491 : vector<16xf32>
          %min3A_518 = arith.minimumf %max3A_509, %min3A_492 : vector<16xf32>
          %max3A_519 = arith.maximumf %max3A_509, %min3A_492 : vector<16xf32>
          %min3A_520 = arith.minimumf %min3A_510, %max3A_493 : vector<16xf32>
          %max3A_521 = arith.maximumf %min3A_510, %max3A_493 : vector<16xf32>
          %min3A_522 = arith.minimumf %max3A_511, %min3A_494 : vector<16xf32>
          %max3A_523 = arith.maximumf %max3A_511, %min3A_494 : vector<16xf32>
          %min3A_524 = arith.minimumf %min3A_512, %max3A_495 : vector<16xf32>
          %max3A_525 = arith.maximumf %min3A_512, %max3A_495 : vector<16xf32>
          %min3A_526 = arith.minimumf %max3A_513, %max3A_487 : vector<16xf32>
          %max3A_527 = arith.maximumf %max3A_513, %max3A_487 : vector<16xf32>
          %min3A_528 = arith.minimumf %get3A_283, %get3A_291 : vector<16xf32>
          %max3A_529 = arith.maximumf %get3A_283, %get3A_291 : vector<16xf32>
          %min3A_530 = arith.minimumf %get3A_299, %get3A_307 : vector<16xf32>
          %max3A_531 = arith.maximumf %get3A_299, %get3A_307 : vector<16xf32>
          %min3A_532 = arith.minimumf %min3A_528, %min3A_530 : vector<16xf32>
          %max3A_533 = arith.maximumf %min3A_528, %min3A_530 : vector<16xf32>
          %min3A_534 = arith.minimumf %max3A_529, %max3A_531 : vector<16xf32>
          %max3A_535 = arith.maximumf %max3A_529, %max3A_531 : vector<16xf32>
          %min3A_536 = arith.minimumf %min3A_534, %max3A_533 : vector<16xf32>
          %max3A_537 = arith.maximumf %min3A_534, %max3A_533 : vector<16xf32>
          %min3A_538 = arith.minimumf %get3A_315, %get3A_323 : vector<16xf32>
          %max3A_539 = arith.maximumf %get3A_315, %get3A_323 : vector<16xf32>
          %min3A_540 = arith.minimumf %get3A_331, %get3A_339 : vector<16xf32>
          %max3A_541 = arith.maximumf %get3A_331, %get3A_339 : vector<16xf32>
          %min3A_542 = arith.minimumf %min3A_538, %min3A_540 : vector<16xf32>
          %max3A_543 = arith.maximumf %min3A_538, %min3A_540 : vector<16xf32>
          %min3A_544 = arith.minimumf %max3A_539, %max3A_541 : vector<16xf32>
          %max3A_545 = arith.maximumf %max3A_539, %max3A_541 : vector<16xf32>
          %min3A_546 = arith.minimumf %min3A_544, %max3A_543 : vector<16xf32>
          %max3A_547 = arith.maximumf %min3A_544, %max3A_543 : vector<16xf32>
          %min3A_548 = arith.minimumf %min3A_532, %min3A_542 : vector<16xf32>
          %max3A_549 = arith.maximumf %min3A_532, %min3A_542 : vector<16xf32>
          %min3A_550 = arith.minimumf %max3A_537, %max3A_547 : vector<16xf32>
          %max3A_551 = arith.maximumf %max3A_537, %max3A_547 : vector<16xf32>
          %min3A_552 = arith.minimumf %min3A_550, %max3A_549 : vector<16xf32>
          %max3A_553 = arith.maximumf %min3A_550, %max3A_549 : vector<16xf32>
          %min3A_554 = arith.minimumf %min3A_536, %min3A_546 : vector<16xf32>
          %max3A_555 = arith.maximumf %min3A_536, %min3A_546 : vector<16xf32>
          %min3A_556 = arith.minimumf %max3A_535, %max3A_545 : vector<16xf32>
          %max3A_557 = arith.maximumf %max3A_535, %max3A_545 : vector<16xf32>
          %min3A_558 = arith.minimumf %min3A_556, %max3A_555 : vector<16xf32>
          %max3A_559 = arith.maximumf %min3A_556, %max3A_555 : vector<16xf32>
          %min3A_560 = arith.minimumf %min3A_554, %min3A_552 : vector<16xf32>
          %max3A_561 = arith.maximumf %min3A_554, %min3A_552 : vector<16xf32>
          %min3A_562 = arith.minimumf %min3A_558, %max3A_553 : vector<16xf32>
          %max3A_563 = arith.maximumf %min3A_558, %max3A_553 : vector<16xf32>
          %min3A_564 = arith.minimumf %max3A_559, %max3A_551 : vector<16xf32>
          %max3A_565 = arith.maximumf %max3A_559, %max3A_551 : vector<16xf32>
          %min3A_566 = arith.minimumf %get3A_347, %get3A_355 : vector<16xf32>
          %max3A_567 = arith.maximumf %get3A_347, %get3A_355 : vector<16xf32>
          %min3A_568 = arith.minimumf %get3A_363, %get3A_371 : vector<16xf32>
          %max3A_569 = arith.maximumf %get3A_363, %get3A_371 : vector<16xf32>
          %min3A_570 = arith.minimumf %min3A_566, %min3A_568 : vector<16xf32>
          %max3A_571 = arith.maximumf %min3A_566, %min3A_568 : vector<16xf32>
          %min3A_572 = arith.minimumf %max3A_567, %max3A_569 : vector<16xf32>
          %max3A_573 = arith.maximumf %max3A_567, %max3A_569 : vector<16xf32>
          %min3A_574 = arith.minimumf %min3A_572, %max3A_571 : vector<16xf32>
          %max3A_575 = arith.maximumf %min3A_572, %max3A_571 : vector<16xf32>
          %min3A_576 = arith.minimumf %get3A_379, %get3A_387 : vector<16xf32>
          %max3A_577 = arith.maximumf %get3A_379, %get3A_387 : vector<16xf32>
          %min3A_578 = arith.minimumf %get3A_395, %get3A_403 : vector<16xf32>
          %max3A_579 = arith.maximumf %get3A_395, %get3A_403 : vector<16xf32>
          %min3A_580 = arith.minimumf %min3A_576, %min3A_578 : vector<16xf32>
          %max3A_581 = arith.maximumf %min3A_576, %min3A_578 : vector<16xf32>
          %min3A_582 = arith.minimumf %max3A_577, %max3A_579 : vector<16xf32>
          %max3A_583 = arith.maximumf %max3A_577, %max3A_579 : vector<16xf32>
          %min3A_584 = arith.minimumf %min3A_582, %max3A_581 : vector<16xf32>
          %max3A_585 = arith.maximumf %min3A_582, %max3A_581 : vector<16xf32>
          %min3A_586 = arith.minimumf %min3A_570, %min3A_580 : vector<16xf32>
          %max3A_587 = arith.maximumf %min3A_570, %min3A_580 : vector<16xf32>
          %min3A_588 = arith.minimumf %max3A_575, %max3A_585 : vector<16xf32>
          %max3A_589 = arith.maximumf %max3A_575, %max3A_585 : vector<16xf32>
          %min3A_590 = arith.minimumf %min3A_588, %max3A_587 : vector<16xf32>
          %max3A_591 = arith.maximumf %min3A_588, %max3A_587 : vector<16xf32>
          %min3A_592 = arith.minimumf %min3A_574, %min3A_584 : vector<16xf32>
          %max3A_593 = arith.maximumf %min3A_574, %min3A_584 : vector<16xf32>
          %min3A_594 = arith.minimumf %max3A_573, %max3A_583 : vector<16xf32>
          %max3A_595 = arith.maximumf %max3A_573, %max3A_583 : vector<16xf32>
          %min3A_596 = arith.minimumf %min3A_594, %max3A_593 : vector<16xf32>
          %max3A_597 = arith.maximumf %min3A_594, %max3A_593 : vector<16xf32>
          %min3A_598 = arith.minimumf %min3A_592, %min3A_590 : vector<16xf32>
          %max3A_599 = arith.maximumf %min3A_592, %min3A_590 : vector<16xf32>
          %min3A_600 = arith.minimumf %min3A_596, %max3A_591 : vector<16xf32>
          %max3A_601 = arith.maximumf %min3A_596, %max3A_591 : vector<16xf32>
          %min3A_602 = arith.minimumf %max3A_597, %max3A_589 : vector<16xf32>
          %max3A_603 = arith.maximumf %max3A_597, %max3A_589 : vector<16xf32>
          %min3A_604 = arith.minimumf %min3A_548, %min3A_586 : vector<16xf32>
          %max3A_605 = arith.maximumf %min3A_548, %min3A_586 : vector<16xf32>
          %min3A_606 = arith.minimumf %max3A_563, %max3A_601 : vector<16xf32>
          %max3A_607 = arith.maximumf %max3A_563, %max3A_601 : vector<16xf32>
          %min3A_608 = arith.minimumf %min3A_606, %max3A_605 : vector<16xf32>
          %max3A_609 = arith.maximumf %min3A_606, %max3A_605 : vector<16xf32>
          %min3A_610 = arith.minimumf %max3A_561, %max3A_599 : vector<16xf32>
          %max3A_611 = arith.maximumf %max3A_561, %max3A_599 : vector<16xf32>
          %min3A_612 = arith.minimumf %max3A_565, %max3A_603 : vector<16xf32>
          %max3A_613 = arith.maximumf %max3A_565, %max3A_603 : vector<16xf32>
          %min3A_614 = arith.minimumf %min3A_612, %max3A_611 : vector<16xf32>
          %max3A_615 = arith.maximumf %min3A_612, %max3A_611 : vector<16xf32>
          %min3A_616 = arith.minimumf %min3A_610, %min3A_608 : vector<16xf32>
          %max3A_617 = arith.maximumf %min3A_610, %min3A_608 : vector<16xf32>
          %min3A_618 = arith.minimumf %min3A_614, %max3A_609 : vector<16xf32>
          %max3A_619 = arith.maximumf %min3A_614, %max3A_609 : vector<16xf32>
          %min3A_620 = arith.minimumf %max3A_615, %max3A_607 : vector<16xf32>
          %max3A_621 = arith.maximumf %max3A_615, %max3A_607 : vector<16xf32>
          %min3A_622 = arith.minimumf %min3A_560, %min3A_598 : vector<16xf32>
          %max3A_623 = arith.maximumf %min3A_560, %min3A_598 : vector<16xf32>
          %min3A_624 = arith.minimumf %min3A_564, %min3A_602 : vector<16xf32>
          %max3A_625 = arith.maximumf %min3A_564, %min3A_602 : vector<16xf32>
          %min3A_626 = arith.minimumf %min3A_624, %max3A_623 : vector<16xf32>
          %max3A_627 = arith.maximumf %min3A_624, %max3A_623 : vector<16xf32>
          %min3A_628 = arith.minimumf %min3A_562, %min3A_600 : vector<16xf32>
          %max3A_629 = arith.maximumf %min3A_562, %min3A_600 : vector<16xf32>
          %min3A_630 = arith.minimumf %max3A_557, %max3A_595 : vector<16xf32>
          %max3A_631 = arith.maximumf %max3A_557, %max3A_595 : vector<16xf32>
          %min3A_632 = arith.minimumf %min3A_630, %max3A_629 : vector<16xf32>
          %max3A_633 = arith.maximumf %min3A_630, %max3A_629 : vector<16xf32>
          %min3A_634 = arith.minimumf %min3A_628, %min3A_626 : vector<16xf32>
          %max3A_635 = arith.maximumf %min3A_628, %min3A_626 : vector<16xf32>
          %min3A_636 = arith.minimumf %min3A_632, %max3A_627 : vector<16xf32>
          %max3A_637 = arith.maximumf %min3A_632, %max3A_627 : vector<16xf32>
          %min3A_638 = arith.minimumf %max3A_633, %max3A_625 : vector<16xf32>
          %max3A_639 = arith.maximumf %max3A_633, %max3A_625 : vector<16xf32>
          %min3A_640 = arith.minimumf %min3A_622, %min3A_616 : vector<16xf32>
          %max3A_641 = arith.maximumf %min3A_622, %min3A_616 : vector<16xf32>
          %min3A_642 = arith.minimumf %min3A_634, %max3A_617 : vector<16xf32>
          %max3A_643 = arith.maximumf %min3A_634, %max3A_617 : vector<16xf32>
          %min3A_644 = arith.minimumf %max3A_635, %min3A_618 : vector<16xf32>
          %max3A_645 = arith.maximumf %max3A_635, %min3A_618 : vector<16xf32>
          %min3A_646 = arith.minimumf %min3A_636, %max3A_619 : vector<16xf32>
          %max3A_647 = arith.maximumf %min3A_636, %max3A_619 : vector<16xf32>
          %min3A_648 = arith.minimumf %max3A_637, %min3A_620 : vector<16xf32>
          %max3A_649 = arith.maximumf %max3A_637, %min3A_620 : vector<16xf32>
          %min3A_650 = arith.minimumf %min3A_638, %max3A_621 : vector<16xf32>
          %max3A_651 = arith.maximumf %min3A_638, %max3A_621 : vector<16xf32>
          %min3A_652 = arith.minimumf %max3A_639, %max3A_613 : vector<16xf32>
          %max3A_653 = arith.maximumf %max3A_639, %max3A_613 : vector<16xf32>
          %max3A_654 = arith.maximumf %min3A_478, %min3A_604 : vector<16xf32>
          %min3A_655 = arith.minimumf %max3A_521, %max3A_647 : vector<16xf32>
          %max3A_656 = arith.maximumf %max3A_521, %max3A_647 : vector<16xf32>
          %max3A_657 = arith.maximumf %min3A_655, %max3A_654 : vector<16xf32>
          %max3A_658 = arith.maximumf %max3A_517, %max3A_643 : vector<16xf32>
          %min3A_659 = arith.minimumf %max3A_525, %max3A_651 : vector<16xf32>
          %min3A_660 = arith.minimumf %min3A_659, %max3A_658 : vector<16xf32>
          %max3A_661 = arith.maximumf %min3A_659, %max3A_658 : vector<16xf32>
          %max3A_662 = arith.maximumf %min3A_660, %max3A_657 : vector<16xf32>
          %min3A_663 = arith.minimumf %max3A_661, %max3A_656 : vector<16xf32>
          %max3A_664 = arith.maximumf %max3A_515, %max3A_641 : vector<16xf32>
          %min3A_665 = arith.minimumf %max3A_523, %max3A_649 : vector<16xf32>
          %max3A_666 = arith.maximumf %min3A_665, %max3A_664 : vector<16xf32>
          %max3A_667 = arith.maximumf %max3A_519, %max3A_645 : vector<16xf32>
          %min3A_668 = arith.minimumf %max3A_527, %max3A_653 : vector<16xf32>
          %min3A_669 = arith.minimumf %min3A_668, %max3A_667 : vector<16xf32>
          %min3A_670 = arith.minimumf %min3A_669, %max3A_666 : vector<16xf32>
          %max3A_671 = arith.maximumf %min3A_669, %max3A_666 : vector<16xf32>
          %min3A_672 = arith.minimumf %min3A_670, %max3A_662 : vector<16xf32>
          %max3A_673 = arith.maximumf %min3A_670, %max3A_662 : vector<16xf32>
          %min3A_674 = arith.minimumf %max3A_671, %min3A_663 : vector<16xf32>
          %max3A_675 = arith.maximumf %min3A_514, %min3A_640 : vector<16xf32>
          %min3A_676 = arith.minimumf %min3A_522, %min3A_648 : vector<16xf32>
          %max3A_677 = arith.maximumf %min3A_676, %max3A_675 : vector<16xf32>
          %max3A_678 = arith.maximumf %min3A_518, %min3A_644 : vector<16xf32>
          %min3A_679 = arith.minimumf %min3A_526, %min3A_652 : vector<16xf32>
          %min3A_680 = arith.minimumf %min3A_679, %max3A_678 : vector<16xf32>
          %min3A_681 = arith.minimumf %min3A_680, %max3A_677 : vector<16xf32>
          %max3A_682 = arith.maximumf %min3A_680, %max3A_677 : vector<16xf32>
          %max3A_683 = arith.maximumf %min3A_516, %min3A_642 : vector<16xf32>
          %min3A_684 = arith.minimumf %min3A_524, %min3A_650 : vector<16xf32>
          %min3A_685 = arith.minimumf %min3A_684, %max3A_683 : vector<16xf32>
          %max3A_686 = arith.maximumf %min3A_684, %max3A_683 : vector<16xf32>
          %min3A_687 = arith.minimumf %min3A_520, %min3A_646 : vector<16xf32>
          %max3A_688 = arith.maximumf %min3A_520, %min3A_646 : vector<16xf32>
          %min3A_689 = arith.minimumf %max3A_505, %max3A_631 : vector<16xf32>
          %min3A_690 = arith.minimumf %min3A_689, %max3A_688 : vector<16xf32>
          %max3A_691 = arith.maximumf %min3A_687, %min3A_685 : vector<16xf32>
          %min3A_692 = arith.minimumf %min3A_690, %max3A_686 : vector<16xf32>
          %max3A_693 = arith.maximumf %max3A_691, %min3A_681 : vector<16xf32>
          %min3A_694 = arith.minimumf %min3A_692, %max3A_682 : vector<16xf32>
          %max3A_695 = arith.maximumf %min3A_692, %max3A_682 : vector<16xf32>
          %max3A_696 = arith.maximumf %max3A_693, %min3A_672 : vector<16xf32>
          %min3A_697 = arith.minimumf %max3A_695, %min3A_674 : vector<16xf32>
          %add3A_698 = arith.addf %max3A_696, %min3A_694 : vector<16xf32>
          %add3A_699 = arith.addf %add3A_698, %max3A_673 : vector<16xf32>
          %add3A_700 = arith.addf %add3A_699, %min3A_697 : vector<16xf32>
          %mul3A_701 = arith.constant 2.500000e-01 : f32
          %mul3A_702 = vector.broadcast %mul3A_701 : f32 to vector<16xf32>
          %mul3A_703 = arith.mulf %add3A_700, %mul3A_702 : vector<16xf32>
          %mul3A_704 = arith.constant 4 : i32
          %mul3A_705 = arith.muli %add3A_74, %mul3A_704 : i32
          %add3A_706 = arith.addi %mul3A_705, %select_n3A : i32
          %swap3A_707 = arith.index_cast %add3A_706 : i32 to index
          %swap3A_708 = arith.index_cast %mul3A_147 : i32 to index
          %swap3A_709 = tpu.vector_load %arg10[%swap3A_707, %swap3A_708] {strides = array<i32>} : memref<320x128xf32, #tpu.memory_space<vmem>>, vector<1x16xf32>,
          %swap3A_710 = vector.shape_cast %swap3A_709 : vector<1x16xf32> to vector<16xf32>
          %swap3A_711 = vector.shape_cast %mul3A_703 : vector<16xf32> to vector<1x16xf32>
          tpu.vector_store %arg10[%swap3A_707, %swap3A_708], %swap3A_711 {strides = array<i32>} : memref<320x128xf32, #tpu.memory_space<vmem>>, vector<1x16xf32>,
        }
        %scan3A_89 = arith.constant 32 : i32
        %mul3A_90 = arith.constant 2 : i32
        %mul3A_91 = arith.muli %scan3A_71, %mul3A_90 : i32
        %add3A_92 = arith.constant 1 : i32
        %add3A_93 = arith.addi %mul3A_91, %add3A_92 : i32
        %add3A_94 = arith.constant 2 : i32
        %add3A_95 = arith.addi %add3A_93, %add3A_94 : i32
        %sub3A_96 = arith.constant 1 : i32
        %sub3A_97 = arith.subi %add3A_95, %sub3A_96 : i32
        %lt3A_98 = arith.constant 78 : i32
        %lt3A_99 = arith.cmpi slt, %sub3A_97, %lt3A_98 : i32
        %convert_element_type3A_100 = arith.extui %lt3A_99 : i1 to i32
        %cond3A_101 = arith.constant 0 : i32
        %cond3A_102 = arith.cmpi ne, %convert_element_type3A_100, %cond3A_101 : i32
        scf.if %cond3A_102 {
          %add3A_112 = arith.constant 2 : i32
          %add3A_113 = arith.addi %add3A_93, %add3A_112 : i32
          %sub3A_114 = arith.constant 1 : i32
          %sub3A_115 = arith.subi %add3A_113, %sub3A_114 : i32
          %mul3A_116 = arith.constant 128 : i32
          %mul3A_117 = arith.muli %sub3A_115, %mul3A_116 : i32
          %add3A_118 = arith.constant 0 : i32
          %add3A_119 = arith.addi %mul3A_117, %add3A_118 : i32
          %get3A_120 = arith.index_cast %add3A_119 : i32 to index
          %get3A_121 = tpu.vector_load %arg5[%get3A_120] {strides = array<i32>} : memref<10240xi32, #tpu.memory_space<vmem>>, vector<16xi32>,
          %get3A_122 = vector.shape_cast %get3A_121 : vector<16xi32> to vector<16xi32>
          %swap3A_123 = arith.constant 0 : index
          %swap3A_124 = tpu.vector_load %arg6[%swap3A_123] {strides = array<i32>} : memref<128xi32, #tpu.memory_space<vmem>>, vector<16xi32>,
          %swap3A_125 = vector.shape_cast %swap3A_124 : vector<16xi32> to vector<16xi32>
          %swap3A_126 = vector.shape_cast %get3A_122 : vector<16xi32> to vector<16xi32>
          tpu.vector_store %arg6[%swap3A_123], %swap3A_126 {strides = array<i32>} : memref<128xi32, #tpu.memory_space<vmem>>, vector<16xi32>,
          %mul3A_127 = arith.constant 128 : i32
          %mul3A_128 = arith.muli %sub3A_115, %mul3A_127 : i32
          %add3A_129 = arith.constant 16 : i32
          %add3A_130 = arith.addi %mul3A_128, %add3A_129 : i32
          %get3A_131 = arith.index_cast %add3A_130 : i32 to index
          %get3A_132 = tpu.vector_load %arg5[%get3A_131] {strides = array<i32>} : memref<10240xi32, #tpu.memory_space<vmem>>, vector<16xi32>,
          %get3A_133 = vector.shape_cast %get3A_132 : vector<16xi32> to vector<16xi32>
          %swap3A_134 = arith.constant 16 : index
          %swap3A_135 = tpu.vector_load %arg6[%swap3A_134] {strides = array<i32>} : memref<128xi32, #tpu.memory_space<vmem>>, vector<16xi32>,
          %swap3A_136 = vector.shape_cast %swap3A_135 : vector<16xi32> to vector<16xi32>
          %swap3A_137 = vector.shape_cast %get3A_133 : vector<16xi32> to vector<16xi32>
          tpu.vector_store %arg6[%swap3A_134], %swap3A_137 {strides = array<i32>} : memref<128xi32, #tpu.memory_space<vmem>>, vector<16xi32>,
          %mul3A_138 = arith.constant 128 : i32
          %mul3A_139 = arith.muli %sub3A_115, %mul3A_138 : i32
          %add3A_140 = arith.constant 32 : i32
          %add3A_141 = arith.addi %mul3A_139, %add3A_140 : i32
          %get3A_142 = arith.index_cast %add3A_141 : i32 to index
          %get3A_143 = tpu.vector_load %arg5[%get3A_142] {strides = array<i32>} : memref<10240xi32, #tpu.memory_space<vmem>>, vector<16xi32>,
          %get3A_144 = vector.shape_cast %get3A_143 : vector<16xi32> to vector<16xi32>
          %swap3A_145 = arith.constant 32 : index
          %swap3A_146 = tpu.vector_load %arg6[%swap3A_145] {strides = array<i32>} : memref<128xi32, #tpu.memory_space<vmem>>, vector<16xi32>,
          %swap3A_147 = vector.shape_cast %swap3A_146 : vector<16xi32> to vector<16xi32>
          %swap3A_148 = vector.shape_cast %get3A_144 : vector<16xi32> to vector<16xi32>
          tpu.vector_store %arg6[%swap3A_145], %swap3A_148 {strides = array<i32>} : memref<128xi32, #tpu.memory_space<vmem>>, vector<16xi32>,
          %mul3A_149 = arith.constant 128 : i32
          %mul3A_150 = arith.muli %sub3A_115, %mul3A_149 : i32
          %add3A_151 = arith.constant 48 : i32
          %add3A_152 = arith.addi %mul3A_150, %add3A_151 : i32
          %get3A_153 = arith.index_cast %add3A_152 : i32 to index
          %get3A_154 = tpu.vector_load %arg5[%get3A_153] {strides = array<i32>} : memref<10240xi32, #tpu.memory_space<vmem>>, vector<16xi32>,
          %get3A_155 = vector.shape_cast %get3A_154 : vector<16xi32> to vector<16xi32>
          %swap3A_156 = arith.constant 48 : index
          %swap3A_157 = tpu.vector_load %arg6[%swap3A_156] {strides = array<i32>} : memref<128xi32, #tpu.memory_space<vmem>>, vector<16xi32>,
          %swap3A_158 = vector.shape_cast %swap3A_157 : vector<16xi32> to vector<16xi32>
          %swap3A_159 = vector.shape_cast %get3A_155 : vector<16xi32> to vector<16xi32>
          tpu.vector_store %arg6[%swap3A_156], %swap3A_159 {strides = array<i32>} : memref<128xi32, #tpu.memory_space<vmem>>, vector<16xi32>,
          %mul3A_160 = arith.constant 128 : i32
          %mul3A_161 = arith.muli %sub3A_115, %mul3A_160 : i32
          %add3A_162 = arith.constant 64 : i32
          %add3A_163 = arith.addi %mul3A_161, %add3A_162 : i32
          %get3A_164 = arith.index_cast %add3A_163 : i32 to index
          %get3A_165 = tpu.vector_load %arg5[%get3A_164] {strides = array<i32>} : memref<10240xi32, #tpu.memory_space<vmem>>, vector<16xi32>,
          %get3A_166 = vector.shape_cast %get3A_165 : vector<16xi32> to vector<16xi32>
          %swap3A_167 = arith.constant 64 : index
          %swap3A_168 = tpu.vector_load %arg6[%swap3A_167] {strides = array<i32>} : memref<128xi32, #tpu.memory_space<vmem>>, vector<16xi32>,
          %swap3A_169 = vector.shape_cast %swap3A_168 : vector<16xi32> to vector<16xi32>
          %swap3A_170 = vector.shape_cast %get3A_166 : vector<16xi32> to vector<16xi32>
          tpu.vector_store %arg6[%swap3A_167], %swap3A_170 {strides = array<i32>} : memref<128xi32, #tpu.memory_space<vmem>>, vector<16xi32>,
          %mul3A_171 = arith.constant 128 : i32
          %mul3A_172 = arith.muli %sub3A_115, %mul3A_171 : i32
          %add3A_173 = arith.constant 80 : i32
          %add3A_174 = arith.addi %mul3A_172, %add3A_173 : i32
          %get3A_175 = arith.index_cast %add3A_174 : i32 to index
          %get3A_176 = tpu.vector_load %arg5[%get3A_175] {strides = array<i32>} : memref<10240xi32, #tpu.memory_space<vmem>>, vector<16xi32>,
          %get3A_177 = vector.shape_cast %get3A_176 : vector<16xi32> to vector<16xi32>
          %swap3A_178 = arith.constant 80 : index
          %swap3A_179 = tpu.vector_load %arg6[%swap3A_178] {strides = array<i32>} : memref<128xi32, #tpu.memory_space<vmem>>, vector<16xi32>,
          %swap3A_180 = vector.shape_cast %swap3A_179 : vector<16xi32> to vector<16xi32>
          %swap3A_181 = vector.shape_cast %get3A_177 : vector<16xi32> to vector<16xi32>
          tpu.vector_store %arg6[%swap3A_178], %swap3A_181 {strides = array<i32>} : memref<128xi32, #tpu.memory_space<vmem>>, vector<16xi32>,
          %mul3A_182 = arith.constant 128 : i32
          %mul3A_183 = arith.muli %sub3A_115, %mul3A_182 : i32
          %add3A_184 = arith.constant 96 : i32
          %add3A_185 = arith.addi %mul3A_183, %add3A_184 : i32
          %get3A_186 = arith.index_cast %add3A_185 : i32 to index
          %get3A_187 = tpu.vector_load %arg5[%get3A_186] {strides = array<i32>} : memref<10240xi32, #tpu.memory_space<vmem>>, vector<16xi32>,
          %get3A_188 = vector.shape_cast %get3A_187 : vector<16xi32> to vector<16xi32>
          %swap3A_189 = arith.constant 96 : index
          %swap3A_190 = tpu.vector_load %arg6[%swap3A_189] {strides = array<i32>} : memref<128xi32, #tpu.memory_space<vmem>>, vector<16xi32>,
          %swap3A_191 = vector.shape_cast %swap3A_190 : vector<16xi32> to vector<16xi32>
          %swap3A_192 = vector.shape_cast %get3A_188 : vector<16xi32> to vector<16xi32>
          tpu.vector_store %arg6[%swap3A_189], %swap3A_192 {strides = array<i32>} : memref<128xi32, #tpu.memory_space<vmem>>, vector<16xi32>,
          %mul3A_193 = arith.constant 128 : i32
          %mul3A_194 = arith.muli %sub3A_115, %mul3A_193 : i32
          %add3A_195 = arith.constant 112 : i32
          %add3A_196 = arith.addi %mul3A_194, %add3A_195 : i32
          %get3A_197 = arith.index_cast %add3A_196 : i32 to index
          %get3A_198 = tpu.vector_load %arg5[%get3A_197] {strides = array<i32>} : memref<10240xi32, #tpu.memory_space<vmem>>, vector<16xi32>,
          %get3A_199 = vector.shape_cast %get3A_198 : vector<16xi32> to vector<16xi32>
          %swap3A_200 = arith.constant 112 : index
          %swap3A_201 = tpu.vector_load %arg6[%swap3A_200] {strides = array<i32>} : memref<128xi32, #tpu.memory_space<vmem>>, vector<16xi32>,
          %swap3A_202 = vector.shape_cast %swap3A_201 : vector<16xi32> to vector<16xi32>
          %swap3A_203 = vector.shape_cast %get3A_199 : vector<16xi32> to vector<16xi32>
          tpu.vector_store %arg6[%swap3A_200], %swap3A_203 {strides = array<i32>} : memref<128xi32, #tpu.memory_space<vmem>>, vector<16xi32>,
          %dma_start3A_204 = arith.constant 0 : i32
          %dma_start3A_205 = arith.constant 0 : i32
          %dma_start3A_206 = tpu.memref_slice %arg2[%dma_start3A_204, %dma_start3A_205] : memref<10000x128xf32, #tpu.memory_space<hbm>> -> memref<10000x128xf32, #tpu.memory_space<hbm>>
          tpu.enqueue_indirect_dma source(%dma_start3A_206 : memref<10000x128xf32, #tpu.memory_space<hbm>>) target(%arg8 : memref<128x128xf32, #tpu.memory_space<vmem>>) offsets(%arg6 : memref<128xi32, #tpu.memory_space<vmem>>) semaphore(%arg11 : memref<!tpu.dma_semaphore, #tpu.memory_space<semaphore_mem>>)
        } else {
        }
        %dma_wait3A_103 = arith.constant 0 : i32
        %dma_wait3A_104 = arith.constant 0 : i32
        %dma_wait3A_105 = tpu.memref_slice %arg2[%dma_wait3A_103, %dma_wait3A_104] : memref<10000x128xf32, #tpu.memory_space<hbm>> -> memref<10000x128xf32, #tpu.memory_space<hbm>>
        tpu.wait_indirect_dma semaphore(%arg12 : memref<!tpu.dma_semaphore, #tpu.memory_space<semaphore_mem>>) src(%dma_wait3A_105 : memref<10000x128xf32, #tpu.memory_space<hbm>>) dst(%arg9 : memref<128x128xf32, #tpu.memory_space<vmem>>)
        %scan3A_106 = arith.constant 0 : i32
        %scan3A_107 = arith.constant 0 : i32
        %scan3A_108 = arith.constant 32 : i32
        %scan3A_109 = arith.addi %scan3A_107, %scan3A_108 : i32
        %scan3A_110 = arith.constant 1 : i32
        scf.for %scan3A_112 = %scan3A_107 to %scan3A_109 step %scan3A_110  : i32 {
          %jit3A = arith.constant 8 : i32
          %div3A = arith.divsi %scan3A_112, %jit3A : i32
          %sign3A = arith.constant 0 : i32
          %sign3A_113 = arith.cmpi sgt, %scan3A_112, %sign3A : i32
          %sign3A_114 = arith.extui %sign3A_113 : i1 to i32
          %sign3A_115 = arith.constant 0 : i32
          %sign3A_116 = arith.cmpi slt, %scan3A_112, %sign3A_115 : i32
          %sign3A_117 = arith.extui %sign3A_116 : i1 to i32
          %sign3A_118 = arith.subi %sign3A_114, %sign3A_117 : i32
          %sign3A_119 = arith.constant 0 : i32
          %sign3A_120 = arith.cmpi sgt, %jit3A, %sign3A_119 : i32
          %sign3A_121 = arith.extui %sign3A_120 : i1 to i32
          %sign3A_122 = arith.constant 0 : i32
          %sign3A_123 = arith.cmpi slt, %jit3A, %sign3A_122 : i32
          %sign3A_124 = arith.extui %sign3A_123 : i1 to i32
          %sign3A_125 = arith.subi %sign3A_121, %sign3A_124 : i32
          %ne3A = arith.cmpi ne, %sign3A_118, %sign3A_125 : i32
          %rem3A = arith.remsi %scan3A_112, %jit3A : i32
          %ne3A_126 = arith.constant 0 : i32
          %ne3A_127 = arith.cmpi ne, %rem3A, %ne3A_126 : i32
          %and3A = arith.andi %ne3A, %ne3A_127 : i1
          %sub3A_128 = arith.constant 1 : i32
          %sub3A_129 = arith.subi %div3A, %sub3A_128 : i32
          %select_n3A = arith.select %and3A, %sub3A_129, %div3A : i32
          %jit3A_130 = arith.constant 8 : i32
          %eq3A_131 = arith.constant 0 : i32
          %eq3A_132 = arith.cmpi eq, %jit3A_130, %eq3A_131 : i32
          %jit3A_133 = arith.constant 1 : i32
          %select_n3A_134 = arith.select %eq3A_132, %jit3A_133, %jit3A_130 : i32
          %rem3A_135 = arith.remsi %scan3A_112, %select_n3A_134 : i32
          %ne3A_136 = arith.constant 0 : i32
          %ne3A_137 = arith.cmpi ne, %rem3A_135, %ne3A_136 : i32
          %lt3A_138 = arith.constant 0 : i32
          %lt3A_139 = arith.cmpi slt, %rem3A_135, %lt3A_138 : i32
          %lt3A_140 = arith.constant 0 : i32
          %lt3A_141 = arith.cmpi slt, %select_n3A_134, %lt3A_140 : i32
          %ne3A_142 = arith.xori %lt3A_139, %lt3A_141 : i1
          %and3A_143 = arith.andi %ne3A_142, %ne3A_137 : i1
          %add3A_144 = arith.addi %rem3A_135, %select_n3A_134 : i32
          %select_n3A_145 = arith.select %and3A_143, %add3A_144, %rem3A_135 : i32
          %mul3A_146 = arith.constant 16 : i32
          %mul3A_147 = arith.muli %select_n3A_145, %mul3A_146 : i32
          %mul3A_148 = arith.constant 32 : i32
          %mul3A_149 = arith.muli %select_n3A, %mul3A_148 : i32
          %add3A_150 = arith.constant 0 : i32
          %add3A_151 = arith.addi %mul3A_149, %add3A_150 : i32
          %get3A_152 = arith.index_cast %add3A_151 : i32 to index
          %get3A_153 = arith.index_cast %mul3A_147 : i32 to index
          %get3A_154 = tpu.vector_load %arg9[%get3A_152, %get3A_153] {strides = array<i32>} : memref<128x128xf32, #tpu.memory_space<vmem>>, vector<1x16xf32>,
          %get3A_155 = vector.shape_cast %get3A_154 : vector<1x16xf32> to vector<16xf32>
          %mul3A_156 = arith.constant 32 : i32
          %mul3A_157 = arith.muli %select_n3A, %mul3A_156 : i32
          %add3A_158 = arith.constant 1 : i32
          %add3A_159 = arith.addi %mul3A_157, %add3A_158 : i32
          %get3A_160 = arith.index_cast %add3A_159 : i32 to index
          %get3A_161 = arith.index_cast %mul3A_147 : i32 to index
          %get3A_162 = tpu.vector_load %arg9[%get3A_160, %get3A_161] {strides = array<i32>} : memref<128x128xf32, #tpu.memory_space<vmem>>, vector<1x16xf32>,
          %get3A_163 = vector.shape_cast %get3A_162 : vector<1x16xf32> to vector<16xf32>
          %mul3A_164 = arith.constant 32 : i32
          %mul3A_165 = arith.muli %select_n3A, %mul3A_164 : i32
          %add3A_166 = arith.constant 2 : i32
          %add3A_167 = arith.addi %mul3A_165, %add3A_166 : i32
          %get3A_168 = arith.index_cast %add3A_167 : i32 to index
          %get3A_169 = arith.index_cast %mul3A_147 : i32 to index
          %get3A_170 = tpu.vector_load %arg9[%get3A_168, %get3A_169] {strides = array<i32>} : memref<128x128xf32, #tpu.memory_space<vmem>>, vector<1x16xf32>,
          %get3A_171 = vector.shape_cast %get3A_170 : vector<1x16xf32> to vector<16xf32>
          %mul3A_172 = arith.constant 32 : i32
          %mul3A_173 = arith.muli %select_n3A, %mul3A_172 : i32
          %add3A_174 = arith.constant 3 : i32
          %add3A_175 = arith.addi %mul3A_173, %add3A_174 : i32
          %get3A_176 = arith.index_cast %add3A_175 : i32 to index
          %get3A_177 = arith.index_cast %mul3A_147 : i32 to index
          %get3A_178 = tpu.vector_load %arg9[%get3A_176, %get3A_177] {strides = array<i32>} : memref<128x128xf32, #tpu.memory_space<vmem>>, vector<1x16xf32>,
          %get3A_179 = vector.shape_cast %get3A_178 : vector<1x16xf32> to vector<16xf32>
          %mul3A_180 = arith.constant 32 : i32
          %mul3A_181 = arith.muli %select_n3A, %mul3A_180 : i32
          %add3A_182 = arith.constant 4 : i32
          %add3A_183 = arith.addi %mul3A_181, %add3A_182 : i32
          %get3A_184 = arith.index_cast %add3A_183 : i32 to index
          %get3A_185 = arith.index_cast %mul3A_147 : i32 to index
          %get3A_186 = tpu.vector_load %arg9[%get3A_184, %get3A_185] {strides = array<i32>} : memref<128x128xf32, #tpu.memory_space<vmem>>, vector<1x16xf32>,
          %get3A_187 = vector.shape_cast %get3A_186 : vector<1x16xf32> to vector<16xf32>
          %mul3A_188 = arith.constant 32 : i32
          %mul3A_189 = arith.muli %select_n3A, %mul3A_188 : i32
          %add3A_190 = arith.constant 5 : i32
          %add3A_191 = arith.addi %mul3A_189, %add3A_190 : i32
          %get3A_192 = arith.index_cast %add3A_191 : i32 to index
          %get3A_193 = arith.index_cast %mul3A_147 : i32 to index
          %get3A_194 = tpu.vector_load %arg9[%get3A_192, %get3A_193] {strides = array<i32>} : memref<128x128xf32, #tpu.memory_space<vmem>>, vector<1x16xf32>,
          %get3A_195 = vector.shape_cast %get3A_194 : vector<1x16xf32> to vector<16xf32>
          %mul3A_196 = arith.constant 32 : i32
          %mul3A_197 = arith.muli %select_n3A, %mul3A_196 : i32
          %add3A_198 = arith.constant 6 : i32
          %add3A_199 = arith.addi %mul3A_197, %add3A_198 : i32
          %get3A_200 = arith.index_cast %add3A_199 : i32 to index
          %get3A_201 = arith.index_cast %mul3A_147 : i32 to index
          %get3A_202 = tpu.vector_load %arg9[%get3A_200, %get3A_201] {strides = array<i32>} : memref<128x128xf32, #tpu.memory_space<vmem>>, vector<1x16xf32>,
          %get3A_203 = vector.shape_cast %get3A_202 : vector<1x16xf32> to vector<16xf32>
          %mul3A_204 = arith.constant 32 : i32
          %mul3A_205 = arith.muli %select_n3A, %mul3A_204 : i32
          %add3A_206 = arith.constant 7 : i32
          %add3A_207 = arith.addi %mul3A_205, %add3A_206 : i32
          %get3A_208 = arith.index_cast %add3A_207 : i32 to index
          %get3A_209 = arith.index_cast %mul3A_147 : i32 to index
          %get3A_210 = tpu.vector_load %arg9[%get3A_208, %get3A_209] {strides = array<i32>} : memref<128x128xf32, #tpu.memory_space<vmem>>, vector<1x16xf32>,
          %get3A_211 = vector.shape_cast %get3A_210 : vector<1x16xf32> to vector<16xf32>
          %mul3A_212 = arith.constant 32 : i32
          %mul3A_213 = arith.muli %select_n3A, %mul3A_212 : i32
          %add3A_214 = arith.constant 8 : i32
          %add3A_215 = arith.addi %mul3A_213, %add3A_214 : i32
          %get3A_216 = arith.index_cast %add3A_215 : i32 to index
          %get3A_217 = arith.index_cast %mul3A_147 : i32 to index
          %get3A_218 = tpu.vector_load %arg9[%get3A_216, %get3A_217] {strides = array<i32>} : memref<128x128xf32, #tpu.memory_space<vmem>>, vector<1x16xf32>,
          %get3A_219 = vector.shape_cast %get3A_218 : vector<1x16xf32> to vector<16xf32>
          %mul3A_220 = arith.constant 32 : i32
          %mul3A_221 = arith.muli %select_n3A, %mul3A_220 : i32
          %add3A_222 = arith.constant 9 : i32
          %add3A_223 = arith.addi %mul3A_221, %add3A_222 : i32
          %get3A_224 = arith.index_cast %add3A_223 : i32 to index
          %get3A_225 = arith.index_cast %mul3A_147 : i32 to index
          %get3A_226 = tpu.vector_load %arg9[%get3A_224, %get3A_225] {strides = array<i32>} : memref<128x128xf32, #tpu.memory_space<vmem>>, vector<1x16xf32>,
          %get3A_227 = vector.shape_cast %get3A_226 : vector<1x16xf32> to vector<16xf32>
          %mul3A_228 = arith.constant 32 : i32
          %mul3A_229 = arith.muli %select_n3A, %mul3A_228 : i32
          %add3A_230 = arith.constant 10 : i32
          %add3A_231 = arith.addi %mul3A_229, %add3A_230 : i32
          %get3A_232 = arith.index_cast %add3A_231 : i32 to index
          %get3A_233 = arith.index_cast %mul3A_147 : i32 to index
          %get3A_234 = tpu.vector_load %arg9[%get3A_232, %get3A_233] {strides = array<i32>} : memref<128x128xf32, #tpu.memory_space<vmem>>, vector<1x16xf32>,
          %get3A_235 = vector.shape_cast %get3A_234 : vector<1x16xf32> to vector<16xf32>
          %mul3A_236 = arith.constant 32 : i32
          %mul3A_237 = arith.muli %select_n3A, %mul3A_236 : i32
          %add3A_238 = arith.constant 11 : i32
          %add3A_239 = arith.addi %mul3A_237, %add3A_238 : i32
          %get3A_240 = arith.index_cast %add3A_239 : i32 to index
          %get3A_241 = arith.index_cast %mul3A_147 : i32 to index
          %get3A_242 = tpu.vector_load %arg9[%get3A_240, %get3A_241] {strides = array<i32>} : memref<128x128xf32, #tpu.memory_space<vmem>>, vector<1x16xf32>,
          %get3A_243 = vector.shape_cast %get3A_242 : vector<1x16xf32> to vector<16xf32>
          %mul3A_244 = arith.constant 32 : i32
          %mul3A_245 = arith.muli %select_n3A, %mul3A_244 : i32
          %add3A_246 = arith.constant 12 : i32
          %add3A_247 = arith.addi %mul3A_245, %add3A_246 : i32
          %get3A_248 = arith.index_cast %add3A_247 : i32 to index
          %get3A_249 = arith.index_cast %mul3A_147 : i32 to index
          %get3A_250 = tpu.vector_load %arg9[%get3A_248, %get3A_249] {strides = array<i32>} : memref<128x128xf32, #tpu.memory_space<vmem>>, vector<1x16xf32>,
          %get3A_251 = vector.shape_cast %get3A_250 : vector<1x16xf32> to vector<16xf32>
          %mul3A_252 = arith.constant 32 : i32
          %mul3A_253 = arith.muli %select_n3A, %mul3A_252 : i32
          %add3A_254 = arith.constant 13 : i32
          %add3A_255 = arith.addi %mul3A_253, %add3A_254 : i32
          %get3A_256 = arith.index_cast %add3A_255 : i32 to index
          %get3A_257 = arith.index_cast %mul3A_147 : i32 to index
          %get3A_258 = tpu.vector_load %arg9[%get3A_256, %get3A_257] {strides = array<i32>} : memref<128x128xf32, #tpu.memory_space<vmem>>, vector<1x16xf32>,
          %get3A_259 = vector.shape_cast %get3A_258 : vector<1x16xf32> to vector<16xf32>
          %mul3A_260 = arith.constant 32 : i32
          %mul3A_261 = arith.muli %select_n3A, %mul3A_260 : i32
          %add3A_262 = arith.constant 14 : i32
          %add3A_263 = arith.addi %mul3A_261, %add3A_262 : i32
          %get3A_264 = arith.index_cast %add3A_263 : i32 to index
          %get3A_265 = arith.index_cast %mul3A_147 : i32 to index
          %get3A_266 = tpu.vector_load %arg9[%get3A_264, %get3A_265] {strides = array<i32>} : memref<128x128xf32, #tpu.memory_space<vmem>>, vector<1x16xf32>,
          %get3A_267 = vector.shape_cast %get3A_266 : vector<1x16xf32> to vector<16xf32>
          %mul3A_268 = arith.constant 32 : i32
          %mul3A_269 = arith.muli %select_n3A, %mul3A_268 : i32
          %add3A_270 = arith.constant 15 : i32
          %add3A_271 = arith.addi %mul3A_269, %add3A_270 : i32
          %get3A_272 = arith.index_cast %add3A_271 : i32 to index
          %get3A_273 = arith.index_cast %mul3A_147 : i32 to index
          %get3A_274 = tpu.vector_load %arg9[%get3A_272, %get3A_273] {strides = array<i32>} : memref<128x128xf32, #tpu.memory_space<vmem>>, vector<1x16xf32>,
          %get3A_275 = vector.shape_cast %get3A_274 : vector<1x16xf32> to vector<16xf32>
          %mul3A_276 = arith.constant 32 : i32
          %mul3A_277 = arith.muli %select_n3A, %mul3A_276 : i32
          %add3A_278 = arith.constant 16 : i32
          %add3A_279 = arith.addi %mul3A_277, %add3A_278 : i32
          %get3A_280 = arith.index_cast %add3A_279 : i32 to index
          %get3A_281 = arith.index_cast %mul3A_147 : i32 to index
          %get3A_282 = tpu.vector_load %arg9[%get3A_280, %get3A_281] {strides = array<i32>} : memref<128x128xf32, #tpu.memory_space<vmem>>, vector<1x16xf32>,
          %get3A_283 = vector.shape_cast %get3A_282 : vector<1x16xf32> to vector<16xf32>
          %mul3A_284 = arith.constant 32 : i32
          %mul3A_285 = arith.muli %select_n3A, %mul3A_284 : i32
          %add3A_286 = arith.constant 17 : i32
          %add3A_287 = arith.addi %mul3A_285, %add3A_286 : i32
          %get3A_288 = arith.index_cast %add3A_287 : i32 to index
          %get3A_289 = arith.index_cast %mul3A_147 : i32 to index
          %get3A_290 = tpu.vector_load %arg9[%get3A_288, %get3A_289] {strides = array<i32>} : memref<128x128xf32, #tpu.memory_space<vmem>>, vector<1x16xf32>,
          %get3A_291 = vector.shape_cast %get3A_290 : vector<1x16xf32> to vector<16xf32>
          %mul3A_292 = arith.constant 32 : i32
          %mul3A_293 = arith.muli %select_n3A, %mul3A_292 : i32
          %add3A_294 = arith.constant 18 : i32
          %add3A_295 = arith.addi %mul3A_293, %add3A_294 : i32
          %get3A_296 = arith.index_cast %add3A_295 : i32 to index
          %get3A_297 = arith.index_cast %mul3A_147 : i32 to index
          %get3A_298 = tpu.vector_load %arg9[%get3A_296, %get3A_297] {strides = array<i32>} : memref<128x128xf32, #tpu.memory_space<vmem>>, vector<1x16xf32>,
          %get3A_299 = vector.shape_cast %get3A_298 : vector<1x16xf32> to vector<16xf32>
          %mul3A_300 = arith.constant 32 : i32
          %mul3A_301 = arith.muli %select_n3A, %mul3A_300 : i32
          %add3A_302 = arith.constant 19 : i32
          %add3A_303 = arith.addi %mul3A_301, %add3A_302 : i32
          %get3A_304 = arith.index_cast %add3A_303 : i32 to index
          %get3A_305 = arith.index_cast %mul3A_147 : i32 to index
          %get3A_306 = tpu.vector_load %arg9[%get3A_304, %get3A_305] {strides = array<i32>} : memref<128x128xf32, #tpu.memory_space<vmem>>, vector<1x16xf32>,
          %get3A_307 = vector.shape_cast %get3A_306 : vector<1x16xf32> to vector<16xf32>
          %mul3A_308 = arith.constant 32 : i32
          %mul3A_309 = arith.muli %select_n3A, %mul3A_308 : i32
          %add3A_310 = arith.constant 20 : i32
          %add3A_311 = arith.addi %mul3A_309, %add3A_310 : i32
          %get3A_312 = arith.index_cast %add3A_311 : i32 to index
          %get3A_313 = arith.index_cast %mul3A_147 : i32 to index
          %get3A_314 = tpu.vector_load %arg9[%get3A_312, %get3A_313] {strides = array<i32>} : memref<128x128xf32, #tpu.memory_space<vmem>>, vector<1x16xf32>,
          %get3A_315 = vector.shape_cast %get3A_314 : vector<1x16xf32> to vector<16xf32>
          %mul3A_316 = arith.constant 32 : i32
          %mul3A_317 = arith.muli %select_n3A, %mul3A_316 : i32
          %add3A_318 = arith.constant 21 : i32
          %add3A_319 = arith.addi %mul3A_317, %add3A_318 : i32
          %get3A_320 = arith.index_cast %add3A_319 : i32 to index
          %get3A_321 = arith.index_cast %mul3A_147 : i32 to index
          %get3A_322 = tpu.vector_load %arg9[%get3A_320, %get3A_321] {strides = array<i32>} : memref<128x128xf32, #tpu.memory_space<vmem>>, vector<1x16xf32>,
          %get3A_323 = vector.shape_cast %get3A_322 : vector<1x16xf32> to vector<16xf32>
          %mul3A_324 = arith.constant 32 : i32
          %mul3A_325 = arith.muli %select_n3A, %mul3A_324 : i32
          %add3A_326 = arith.constant 22 : i32
          %add3A_327 = arith.addi %mul3A_325, %add3A_326 : i32
          %get3A_328 = arith.index_cast %add3A_327 : i32 to index
          %get3A_329 = arith.index_cast %mul3A_147 : i32 to index
          %get3A_330 = tpu.vector_load %arg9[%get3A_328, %get3A_329] {strides = array<i32>} : memref<128x128xf32, #tpu.memory_space<vmem>>, vector<1x16xf32>,
          %get3A_331 = vector.shape_cast %get3A_330 : vector<1x16xf32> to vector<16xf32>
          %mul3A_332 = arith.constant 32 : i32
          %mul3A_333 = arith.muli %select_n3A, %mul3A_332 : i32
          %add3A_334 = arith.constant 23 : i32
          %add3A_335 = arith.addi %mul3A_333, %add3A_334 : i32
          %get3A_336 = arith.index_cast %add3A_335 : i32 to index
          %get3A_337 = arith.index_cast %mul3A_147 : i32 to index
          %get3A_338 = tpu.vector_load %arg9[%get3A_336, %get3A_337] {strides = array<i32>} : memref<128x128xf32, #tpu.memory_space<vmem>>, vector<1x16xf32>,
          %get3A_339 = vector.shape_cast %get3A_338 : vector<1x16xf32> to vector<16xf32>
          %mul3A_340 = arith.constant 32 : i32
          %mul3A_341 = arith.muli %select_n3A, %mul3A_340 : i32
          %add3A_342 = arith.constant 24 : i32
          %add3A_343 = arith.addi %mul3A_341, %add3A_342 : i32
          %get3A_344 = arith.index_cast %add3A_343 : i32 to index
          %get3A_345 = arith.index_cast %mul3A_147 : i32 to index
          %get3A_346 = tpu.vector_load %arg9[%get3A_344, %get3A_345] {strides = array<i32>} : memref<128x128xf32, #tpu.memory_space<vmem>>, vector<1x16xf32>,
          %get3A_347 = vector.shape_cast %get3A_346 : vector<1x16xf32> to vector<16xf32>
          %mul3A_348 = arith.constant 32 : i32
          %mul3A_349 = arith.muli %select_n3A, %mul3A_348 : i32
          %add3A_350 = arith.constant 25 : i32
          %add3A_351 = arith.addi %mul3A_349, %add3A_350 : i32
          %get3A_352 = arith.index_cast %add3A_351 : i32 to index
          %get3A_353 = arith.index_cast %mul3A_147 : i32 to index
          %get3A_354 = tpu.vector_load %arg9[%get3A_352, %get3A_353] {strides = array<i32>} : memref<128x128xf32, #tpu.memory_space<vmem>>, vector<1x16xf32>,
          %get3A_355 = vector.shape_cast %get3A_354 : vector<1x16xf32> to vector<16xf32>
          %mul3A_356 = arith.constant 32 : i32
          %mul3A_357 = arith.muli %select_n3A, %mul3A_356 : i32
          %add3A_358 = arith.constant 26 : i32
          %add3A_359 = arith.addi %mul3A_357, %add3A_358 : i32
          %get3A_360 = arith.index_cast %add3A_359 : i32 to index
          %get3A_361 = arith.index_cast %mul3A_147 : i32 to index
          %get3A_362 = tpu.vector_load %arg9[%get3A_360, %get3A_361] {strides = array<i32>} : memref<128x128xf32, #tpu.memory_space<vmem>>, vector<1x16xf32>,
          %get3A_363 = vector.shape_cast %get3A_362 : vector<1x16xf32> to vector<16xf32>
          %mul3A_364 = arith.constant 32 : i32
          %mul3A_365 = arith.muli %select_n3A, %mul3A_364 : i32
          %add3A_366 = arith.constant 27 : i32
          %add3A_367 = arith.addi %mul3A_365, %add3A_366 : i32
          %get3A_368 = arith.index_cast %add3A_367 : i32 to index
          %get3A_369 = arith.index_cast %mul3A_147 : i32 to index
          %get3A_370 = tpu.vector_load %arg9[%get3A_368, %get3A_369] {strides = array<i32>} : memref<128x128xf32, #tpu.memory_space<vmem>>, vector<1x16xf32>,
          %get3A_371 = vector.shape_cast %get3A_370 : vector<1x16xf32> to vector<16xf32>
          %mul3A_372 = arith.constant 32 : i32
          %mul3A_373 = arith.muli %select_n3A, %mul3A_372 : i32
          %add3A_374 = arith.constant 28 : i32
          %add3A_375 = arith.addi %mul3A_373, %add3A_374 : i32
          %get3A_376 = arith.index_cast %add3A_375 : i32 to index
          %get3A_377 = arith.index_cast %mul3A_147 : i32 to index
          %get3A_378 = tpu.vector_load %arg9[%get3A_376, %get3A_377] {strides = array<i32>} : memref<128x128xf32, #tpu.memory_space<vmem>>, vector<1x16xf32>,
          %get3A_379 = vector.shape_cast %get3A_378 : vector<1x16xf32> to vector<16xf32>
          %mul3A_380 = arith.constant 32 : i32
          %mul3A_381 = arith.muli %select_n3A, %mul3A_380 : i32
          %add3A_382 = arith.constant 29 : i32
          %add3A_383 = arith.addi %mul3A_381, %add3A_382 : i32
          %get3A_384 = arith.index_cast %add3A_383 : i32 to index
          %get3A_385 = arith.index_cast %mul3A_147 : i32 to index
          %get3A_386 = tpu.vector_load %arg9[%get3A_384, %get3A_385] {strides = array<i32>} : memref<128x128xf32, #tpu.memory_space<vmem>>, vector<1x16xf32>,
          %get3A_387 = vector.shape_cast %get3A_386 : vector<1x16xf32> to vector<16xf32>
          %mul3A_388 = arith.constant 32 : i32
          %mul3A_389 = arith.muli %select_n3A, %mul3A_388 : i32
          %add3A_390 = arith.constant 30 : i32
          %add3A_391 = arith.addi %mul3A_389, %add3A_390 : i32
          %get3A_392 = arith.index_cast %add3A_391 : i32 to index
          %get3A_393 = arith.index_cast %mul3A_147 : i32 to index
          %get3A_394 = tpu.vector_load %arg9[%get3A_392, %get3A_393] {strides = array<i32>} : memref<128x128xf32, #tpu.memory_space<vmem>>, vector<1x16xf32>,
          %get3A_395 = vector.shape_cast %get3A_394 : vector<1x16xf32> to vector<16xf32>
          %mul3A_396 = arith.constant 32 : i32
          %mul3A_397 = arith.muli %select_n3A, %mul3A_396 : i32
          %add3A_398 = arith.constant 31 : i32
          %add3A_399 = arith.addi %mul3A_397, %add3A_398 : i32
          %get3A_400 = arith.index_cast %add3A_399 : i32 to index
          %get3A_401 = arith.index_cast %mul3A_147 : i32 to index
          %get3A_402 = tpu.vector_load %arg9[%get3A_400, %get3A_401] {strides = array<i32>} : memref<128x128xf32, #tpu.memory_space<vmem>>, vector<1x16xf32>,
          %get3A_403 = vector.shape_cast %get3A_402 : vector<1x16xf32> to vector<16xf32>
          %min3A = arith.minimumf %get3A_155, %get3A_163 : vector<16xf32>
          %max3A = arith.maximumf %get3A_155, %get3A_163 : vector<16xf32>
          %min3A_404 = arith.minimumf %get3A_171, %get3A_179 : vector<16xf32>
          %max3A_405 = arith.maximumf %get3A_171, %get3A_179 : vector<16xf32>
          %min3A_406 = arith.minimumf %min3A, %min3A_404 : vector<16xf32>
          %max3A_407 = arith.maximumf %min3A, %min3A_404 : vector<16xf32>
          %min3A_408 = arith.minimumf %max3A, %max3A_405 : vector<16xf32>
          %max3A_409 = arith.maximumf %max3A, %max3A_405 : vector<16xf32>
          %min3A_410 = arith.minimumf %min3A_408, %max3A_407 : vector<16xf32>
          %max3A_411 = arith.maximumf %min3A_408, %max3A_407 : vector<16xf32>
          %min3A_412 = arith.minimumf %get3A_187, %get3A_195 : vector<16xf32>
          %max3A_413 = arith.maximumf %get3A_187, %get3A_195 : vector<16xf32>
          %min3A_414 = arith.minimumf %get3A_203, %get3A_211 : vector<16xf32>
          %max3A_415 = arith.maximumf %get3A_203, %get3A_211 : vector<16xf32>
          %min3A_416 = arith.minimumf %min3A_412, %min3A_414 : vector<16xf32>
          %max3A_417 = arith.maximumf %min3A_412, %min3A_414 : vector<16xf32>
          %min3A_418 = arith.minimumf %max3A_413, %max3A_415 : vector<16xf32>
          %max3A_419 = arith.maximumf %max3A_413, %max3A_415 : vector<16xf32>
          %min3A_420 = arith.minimumf %min3A_418, %max3A_417 : vector<16xf32>
          %max3A_421 = arith.maximumf %min3A_418, %max3A_417 : vector<16xf32>
          %min3A_422 = arith.minimumf %min3A_406, %min3A_416 : vector<16xf32>
          %max3A_423 = arith.maximumf %min3A_406, %min3A_416 : vector<16xf32>
          %min3A_424 = arith.minimumf %max3A_411, %max3A_421 : vector<16xf32>
          %max3A_425 = arith.maximumf %max3A_411, %max3A_421 : vector<16xf32>
          %min3A_426 = arith.minimumf %min3A_424, %max3A_423 : vector<16xf32>
          %max3A_427 = arith.maximumf %min3A_424, %max3A_423 : vector<16xf32>
          %min3A_428 = arith.minimumf %min3A_410, %min3A_420 : vector<16xf32>
          %max3A_429 = arith.maximumf %min3A_410, %min3A_420 : vector<16xf32>
          %min3A_430 = arith.minimumf %max3A_409, %max3A_419 : vector<16xf32>
          %max3A_431 = arith.maximumf %max3A_409, %max3A_419 : vector<16xf32>
          %min3A_432 = arith.minimumf %min3A_430, %max3A_429 : vector<16xf32>
          %max3A_433 = arith.maximumf %min3A_430, %max3A_429 : vector<16xf32>
          %min3A_434 = arith.minimumf %min3A_428, %min3A_426 : vector<16xf32>
          %max3A_435 = arith.maximumf %min3A_428, %min3A_426 : vector<16xf32>
          %min3A_436 = arith.minimumf %min3A_432, %max3A_427 : vector<16xf32>
          %max3A_437 = arith.maximumf %min3A_432, %max3A_427 : vector<16xf32>
          %min3A_438 = arith.minimumf %max3A_433, %max3A_425 : vector<16xf32>
          %max3A_439 = arith.maximumf %max3A_433, %max3A_425 : vector<16xf32>
          %min3A_440 = arith.minimumf %get3A_219, %get3A_227 : vector<16xf32>
          %max3A_441 = arith.maximumf %get3A_219, %get3A_227 : vector<16xf32>
          %min3A_442 = arith.minimumf %get3A_235, %get3A_243 : vector<16xf32>
          %max3A_443 = arith.maximumf %get3A_235, %get3A_243 : vector<16xf32>
          %min3A_444 = arith.minimumf %min3A_440, %min3A_442 : vector<16xf32>
          %max3A_445 = arith.maximumf %min3A_440, %min3A_442 : vector<16xf32>
          %min3A_446 = arith.minimumf %max3A_441, %max3A_443 : vector<16xf32>
          %max3A_447 = arith.maximumf %max3A_441, %max3A_443 : vector<16xf32>
          %min3A_448 = arith.minimumf %min3A_446, %max3A_445 : vector<16xf32>
          %max3A_449 = arith.maximumf %min3A_446, %max3A_445 : vector<16xf32>
          %min3A_450 = arith.minimumf %get3A_251, %get3A_259 : vector<16xf32>
          %max3A_451 = arith.maximumf %get3A_251, %get3A_259 : vector<16xf32>
          %min3A_452 = arith.minimumf %get3A_267, %get3A_275 : vector<16xf32>
          %max3A_453 = arith.maximumf %get3A_267, %get3A_275 : vector<16xf32>
          %min3A_454 = arith.minimumf %min3A_450, %min3A_452 : vector<16xf32>
          %max3A_455 = arith.maximumf %min3A_450, %min3A_452 : vector<16xf32>
          %min3A_456 = arith.minimumf %max3A_451, %max3A_453 : vector<16xf32>
          %max3A_457 = arith.maximumf %max3A_451, %max3A_453 : vector<16xf32>
          %min3A_458 = arith.minimumf %min3A_456, %max3A_455 : vector<16xf32>
          %max3A_459 = arith.maximumf %min3A_456, %max3A_455 : vector<16xf32>
          %min3A_460 = arith.minimumf %min3A_444, %min3A_454 : vector<16xf32>
          %max3A_461 = arith.maximumf %min3A_444, %min3A_454 : vector<16xf32>
          %min3A_462 = arith.minimumf %max3A_449, %max3A_459 : vector<16xf32>
          %max3A_463 = arith.maximumf %max3A_449, %max3A_459 : vector<16xf32>
          %min3A_464 = arith.minimumf %min3A_462, %max3A_461 : vector<16xf32>
          %max3A_465 = arith.maximumf %min3A_462, %max3A_461 : vector<16xf32>
          %min3A_466 = arith.minimumf %min3A_448, %min3A_458 : vector<16xf32>
          %max3A_467 = arith.maximumf %min3A_448, %min3A_458 : vector<16xf32>
          %min3A_468 = arith.minimumf %max3A_447, %max3A_457 : vector<16xf32>
          %max3A_469 = arith.maximumf %max3A_447, %max3A_457 : vector<16xf32>
          %min3A_470 = arith.minimumf %min3A_468, %max3A_467 : vector<16xf32>
          %max3A_471 = arith.maximumf %min3A_468, %max3A_467 : vector<16xf32>
          %min3A_472 = arith.minimumf %min3A_466, %min3A_464 : vector<16xf32>
          %max3A_473 = arith.maximumf %min3A_466, %min3A_464 : vector<16xf32>
          %min3A_474 = arith.minimumf %min3A_470, %max3A_465 : vector<16xf32>
          %max3A_475 = arith.maximumf %min3A_470, %max3A_465 : vector<16xf32>
          %min3A_476 = arith.minimumf %max3A_471, %max3A_463 : vector<16xf32>
          %max3A_477 = arith.maximumf %max3A_471, %max3A_463 : vector<16xf32>
          %min3A_478 = arith.minimumf %min3A_422, %min3A_460 : vector<16xf32>
          %max3A_479 = arith.maximumf %min3A_422, %min3A_460 : vector<16xf32>
          %min3A_480 = arith.minimumf %max3A_437, %max3A_475 : vector<16xf32>
          %max3A_481 = arith.maximumf %max3A_437, %max3A_475 : vector<16xf32>
          %min3A_482 = arith.minimumf %min3A_480, %max3A_479 : vector<16xf32>
          %max3A_483 = arith.maximumf %min3A_480, %max3A_479 : vector<16xf32>
          %min3A_484 = arith.minimumf %max3A_435, %max3A_473 : vector<16xf32>
          %max3A_485 = arith.maximumf %max3A_435, %max3A_473 : vector<16xf32>
          %min3A_486 = arith.minimumf %max3A_439, %max3A_477 : vector<16xf32>
          %max3A_487 = arith.maximumf %max3A_439, %max3A_477 : vector<16xf32>
          %min3A_488 = arith.minimumf %min3A_486, %max3A_485 : vector<16xf32>
          %max3A_489 = arith.maximumf %min3A_486, %max3A_485 : vector<16xf32>
          %min3A_490 = arith.minimumf %min3A_484, %min3A_482 : vector<16xf32>
          %max3A_491 = arith.maximumf %min3A_484, %min3A_482 : vector<16xf32>
          %min3A_492 = arith.minimumf %min3A_488, %max3A_483 : vector<16xf32>
          %max3A_493 = arith.maximumf %min3A_488, %max3A_483 : vector<16xf32>
          %min3A_494 = arith.minimumf %max3A_489, %max3A_481 : vector<16xf32>
          %max3A_495 = arith.maximumf %max3A_489, %max3A_481 : vector<16xf32>
          %min3A_496 = arith.minimumf %min3A_434, %min3A_472 : vector<16xf32>
          %max3A_497 = arith.maximumf %min3A_434, %min3A_472 : vector<16xf32>
          %min3A_498 = arith.minimumf %min3A_438, %min3A_476 : vector<16xf32>
          %max3A_499 = arith.maximumf %min3A_438, %min3A_476 : vector<16xf32>
          %min3A_500 = arith.minimumf %min3A_498, %max3A_497 : vector<16xf32>
          %max3A_501 = arith.maximumf %min3A_498, %max3A_497 : vector<16xf32>
          %min3A_502 = arith.minimumf %min3A_436, %min3A_474 : vector<16xf32>
          %max3A_503 = arith.maximumf %min3A_436, %min3A_474 : vector<16xf32>
          %min3A_504 = arith.minimumf %max3A_431, %max3A_469 : vector<16xf32>
          %max3A_505 = arith.maximumf %max3A_431, %max3A_469 : vector<16xf32>
          %min3A_506 = arith.minimumf %min3A_504, %max3A_503 : vector<16xf32>
          %max3A_507 = arith.maximumf %min3A_504, %max3A_503 : vector<16xf32>
          %min3A_508 = arith.minimumf %min3A_502, %min3A_500 : vector<16xf32>
          %max3A_509 = arith.maximumf %min3A_502, %min3A_500 : vector<16xf32>
          %min3A_510 = arith.minimumf %min3A_506, %max3A_501 : vector<16xf32>
          %max3A_511 = arith.maximumf %min3A_506, %max3A_501 : vector<16xf32>
          %min3A_512 = arith.minimumf %max3A_507, %max3A_499 : vector<16xf32>
          %max3A_513 = arith.maximumf %max3A_507, %max3A_499 : vector<16xf32>
          %min3A_514 = arith.minimumf %min3A_496, %min3A_490 : vector<16xf32>
          %max3A_515 = arith.maximumf %min3A_496, %min3A_490 : vector<16xf32>
          %min3A_516 = arith.minimumf %min3A_508, %max3A_491 : vector<16xf32>
          %max3A_517 = arith.maximumf %min3A_508, %max3A_491 : vector<16xf32>
          %min3A_518 = arith.minimumf %max3A_509, %min3A_492 : vector<16xf32>
          %max3A_519 = arith.maximumf %max3A_509, %min3A_492 : vector<16xf32>
          %min3A_520 = arith.minimumf %min3A_510, %max3A_493 : vector<16xf32>
          %max3A_521 = arith.maximumf %min3A_510, %max3A_493 : vector<16xf32>
          %min3A_522 = arith.minimumf %max3A_511, %min3A_494 : vector<16xf32>
          %max3A_523 = arith.maximumf %max3A_511, %min3A_494 : vector<16xf32>
          %min3A_524 = arith.minimumf %min3A_512, %max3A_495 : vector<16xf32>
          %max3A_525 = arith.maximumf %min3A_512, %max3A_495 : vector<16xf32>
          %min3A_526 = arith.minimumf %max3A_513, %max3A_487 : vector<16xf32>
          %max3A_527 = arith.maximumf %max3A_513, %max3A_487 : vector<16xf32>
          %min3A_528 = arith.minimumf %get3A_283, %get3A_291 : vector<16xf32>
          %max3A_529 = arith.maximumf %get3A_283, %get3A_291 : vector<16xf32>
          %min3A_530 = arith.minimumf %get3A_299, %get3A_307 : vector<16xf32>
          %max3A_531 = arith.maximumf %get3A_299, %get3A_307 : vector<16xf32>
          %min3A_532 = arith.minimumf %min3A_528, %min3A_530 : vector<16xf32>
          %max3A_533 = arith.maximumf %min3A_528, %min3A_530 : vector<16xf32>
          %min3A_534 = arith.minimumf %max3A_529, %max3A_531 : vector<16xf32>
          %max3A_535 = arith.maximumf %max3A_529, %max3A_531 : vector<16xf32>
          %min3A_536 = arith.minimumf %min3A_534, %max3A_533 : vector<16xf32>
          %max3A_537 = arith.maximumf %min3A_534, %max3A_533 : vector<16xf32>
          %min3A_538 = arith.minimumf %get3A_315, %get3A_323 : vector<16xf32>
          %max3A_539 = arith.maximumf %get3A_315, %get3A_323 : vector<16xf32>
          %min3A_540 = arith.minimumf %get3A_331, %get3A_339 : vector<16xf32>
          %max3A_541 = arith.maximumf %get3A_331, %get3A_339 : vector<16xf32>
          %min3A_542 = arith.minimumf %min3A_538, %min3A_540 : vector<16xf32>
          %max3A_543 = arith.maximumf %min3A_538, %min3A_540 : vector<16xf32>
          %min3A_544 = arith.minimumf %max3A_539, %max3A_541 : vector<16xf32>
          %max3A_545 = arith.maximumf %max3A_539, %max3A_541 : vector<16xf32>
          %min3A_546 = arith.minimumf %min3A_544, %max3A_543 : vector<16xf32>
          %max3A_547 = arith.maximumf %min3A_544, %max3A_543 : vector<16xf32>
          %min3A_548 = arith.minimumf %min3A_532, %min3A_542 : vector<16xf32>
          %max3A_549 = arith.maximumf %min3A_532, %min3A_542 : vector<16xf32>
          %min3A_550 = arith.minimumf %max3A_537, %max3A_547 : vector<16xf32>
          %max3A_551 = arith.maximumf %max3A_537, %max3A_547 : vector<16xf32>
          %min3A_552 = arith.minimumf %min3A_550, %max3A_549 : vector<16xf32>
          %max3A_553 = arith.maximumf %min3A_550, %max3A_549 : vector<16xf32>
          %min3A_554 = arith.minimumf %min3A_536, %min3A_546 : vector<16xf32>
          %max3A_555 = arith.maximumf %min3A_536, %min3A_546 : vector<16xf32>
          %min3A_556 = arith.minimumf %max3A_535, %max3A_545 : vector<16xf32>
          %max3A_557 = arith.maximumf %max3A_535, %max3A_545 : vector<16xf32>
          %min3A_558 = arith.minimumf %min3A_556, %max3A_555 : vector<16xf32>
          %max3A_559 = arith.maximumf %min3A_556, %max3A_555 : vector<16xf32>
          %min3A_560 = arith.minimumf %min3A_554, %min3A_552 : vector<16xf32>
          %max3A_561 = arith.maximumf %min3A_554, %min3A_552 : vector<16xf32>
          %min3A_562 = arith.minimumf %min3A_558, %max3A_553 : vector<16xf32>
          %max3A_563 = arith.maximumf %min3A_558, %max3A_553 : vector<16xf32>
          %min3A_564 = arith.minimumf %max3A_559, %max3A_551 : vector<16xf32>
          %max3A_565 = arith.maximumf %max3A_559, %max3A_551 : vector<16xf32>
          %min3A_566 = arith.minimumf %get3A_347, %get3A_355 : vector<16xf32>
          %max3A_567 = arith.maximumf %get3A_347, %get3A_355 : vector<16xf32>
          %min3A_568 = arith.minimumf %get3A_363, %get3A_371 : vector<16xf32>
          %max3A_569 = arith.maximumf %get3A_363, %get3A_371 : vector<16xf32>
          %min3A_570 = arith.minimumf %min3A_566, %min3A_568 : vector<16xf32>
          %max3A_571 = arith.maximumf %min3A_566, %min3A_568 : vector<16xf32>
          %min3A_572 = arith.minimumf %max3A_567, %max3A_569 : vector<16xf32>
          %max3A_573 = arith.maximumf %max3A_567, %max3A_569 : vector<16xf32>
          %min3A_574 = arith.minimumf %min3A_572, %max3A_571 : vector<16xf32>
          %max3A_575 = arith.maximumf %min3A_572, %max3A_571 : vector<16xf32>
          %min3A_576 = arith.minimumf %get3A_379, %get3A_387 : vector<16xf32>
          %max3A_577 = arith.maximumf %get3A_379, %get3A_387 : vector<16xf32>
          %min3A_578 = arith.minimumf %get3A_395, %get3A_403 : vector<16xf32>
          %max3A_579 = arith.maximumf %get3A_395, %get3A_403 : vector<16xf32>
          %min3A_580 = arith.minimumf %min3A_576, %min3A_578 : vector<16xf32>
          %max3A_581 = arith.maximumf %min3A_576, %min3A_578 : vector<16xf32>
          %min3A_582 = arith.minimumf %max3A_577, %max3A_579 : vector<16xf32>
          %max3A_583 = arith.maximumf %max3A_577, %max3A_579 : vector<16xf32>
          %min3A_584 = arith.minimumf %min3A_582, %max3A_581 : vector<16xf32>
          %max3A_585 = arith.maximumf %min3A_582, %max3A_581 : vector<16xf32>
          %min3A_586 = arith.minimumf %min3A_570, %min3A_580 : vector<16xf32>
          %max3A_587 = arith.maximumf %min3A_570, %min3A_580 : vector<16xf32>
          %min3A_588 = arith.minimumf %max3A_575, %max3A_585 : vector<16xf32>
          %max3A_589 = arith.maximumf %max3A_575, %max3A_585 : vector<16xf32>
          %min3A_590 = arith.minimumf %min3A_588, %max3A_587 : vector<16xf32>
          %max3A_591 = arith.maximumf %min3A_588, %max3A_587 : vector<16xf32>
          %min3A_592 = arith.minimumf %min3A_574, %min3A_584 : vector<16xf32>
          %max3A_593 = arith.maximumf %min3A_574, %min3A_584 : vector<16xf32>
          %min3A_594 = arith.minimumf %max3A_573, %max3A_583 : vector<16xf32>
          %max3A_595 = arith.maximumf %max3A_573, %max3A_583 : vector<16xf32>
          %min3A_596 = arith.minimumf %min3A_594, %max3A_593 : vector<16xf32>
          %max3A_597 = arith.maximumf %min3A_594, %max3A_593 : vector<16xf32>
          %min3A_598 = arith.minimumf %min3A_592, %min3A_590 : vector<16xf32>
          %max3A_599 = arith.maximumf %min3A_592, %min3A_590 : vector<16xf32>
          %min3A_600 = arith.minimumf %min3A_596, %max3A_591 : vector<16xf32>
          %max3A_601 = arith.maximumf %min3A_596, %max3A_591 : vector<16xf32>
          %min3A_602 = arith.minimumf %max3A_597, %max3A_589 : vector<16xf32>
          %max3A_603 = arith.maximumf %max3A_597, %max3A_589 : vector<16xf32>
          %min3A_604 = arith.minimumf %min3A_548, %min3A_586 : vector<16xf32>
          %max3A_605 = arith.maximumf %min3A_548, %min3A_586 : vector<16xf32>
          %min3A_606 = arith.minimumf %max3A_563, %max3A_601 : vector<16xf32>
          %max3A_607 = arith.maximumf %max3A_563, %max3A_601 : vector<16xf32>
          %min3A_608 = arith.minimumf %min3A_606, %max3A_605 : vector<16xf32>
          %max3A_609 = arith.maximumf %min3A_606, %max3A_605 : vector<16xf32>
          %min3A_610 = arith.minimumf %max3A_561, %max3A_599 : vector<16xf32>
          %max3A_611 = arith.maximumf %max3A_561, %max3A_599 : vector<16xf32>
          %min3A_612 = arith.minimumf %max3A_565, %max3A_603 : vector<16xf32>
          %max3A_613 = arith.maximumf %max3A_565, %max3A_603 : vector<16xf32>
          %min3A_614 = arith.minimumf %min3A_612, %max3A_611 : vector<16xf32>
          %max3A_615 = arith.maximumf %min3A_612, %max3A_611 : vector<16xf32>
          %min3A_616 = arith.minimumf %min3A_610, %min3A_608 : vector<16xf32>
          %max3A_617 = arith.maximumf %min3A_610, %min3A_608 : vector<16xf32>
          %min3A_618 = arith.minimumf %min3A_614, %max3A_609 : vector<16xf32>
          %max3A_619 = arith.maximumf %min3A_614, %max3A_609 : vector<16xf32>
          %min3A_620 = arith.minimumf %max3A_615, %max3A_607 : vector<16xf32>
          %max3A_621 = arith.maximumf %max3A_615, %max3A_607 : vector<16xf32>
          %min3A_622 = arith.minimumf %min3A_560, %min3A_598 : vector<16xf32>
          %max3A_623 = arith.maximumf %min3A_560, %min3A_598 : vector<16xf32>
          %min3A_624 = arith.minimumf %min3A_564, %min3A_602 : vector<16xf32>
          %max3A_625 = arith.maximumf %min3A_564, %min3A_602 : vector<16xf32>
          %min3A_626 = arith.minimumf %min3A_624, %max3A_623 : vector<16xf32>
          %max3A_627 = arith.maximumf %min3A_624, %max3A_623 : vector<16xf32>
          %min3A_628 = arith.minimumf %min3A_562, %min3A_600 : vector<16xf32>
          %max3A_629 = arith.maximumf %min3A_562, %min3A_600 : vector<16xf32>
          %min3A_630 = arith.minimumf %max3A_557, %max3A_595 : vector<16xf32>
          %max3A_631 = arith.maximumf %max3A_557, %max3A_595 : vector<16xf32>
          %min3A_632 = arith.minimumf %min3A_630, %max3A_629 : vector<16xf32>
          %max3A_633 = arith.maximumf %min3A_630, %max3A_629 : vector<16xf32>
          %min3A_634 = arith.minimumf %min3A_628, %min3A_626 : vector<16xf32>
          %max3A_635 = arith.maximumf %min3A_628, %min3A_626 : vector<16xf32>
          %min3A_636 = arith.minimumf %min3A_632, %max3A_627 : vector<16xf32>
          %max3A_637 = arith.maximumf %min3A_632, %max3A_627 : vector<16xf32>
          %min3A_638 = arith.minimumf %max3A_633, %max3A_625 : vector<16xf32>
          %max3A_639 = arith.maximumf %max3A_633, %max3A_625 : vector<16xf32>
          %min3A_640 = arith.minimumf %min3A_622, %min3A_616 : vector<16xf32>
          %max3A_641 = arith.maximumf %min3A_622, %min3A_616 : vector<16xf32>
          %min3A_642 = arith.minimumf %min3A_634, %max3A_617 : vector<16xf32>
          %max3A_643 = arith.maximumf %min3A_634, %max3A_617 : vector<16xf32>
          %min3A_644 = arith.minimumf %max3A_635, %min3A_618 : vector<16xf32>
          %max3A_645 = arith.maximumf %max3A_635, %min3A_618 : vector<16xf32>
          %min3A_646 = arith.minimumf %min3A_636, %max3A_619 : vector<16xf32>
          %max3A_647 = arith.maximumf %min3A_636, %max3A_619 : vector<16xf32>
          %min3A_648 = arith.minimumf %max3A_637, %min3A_620 : vector<16xf32>
          %max3A_649 = arith.maximumf %max3A_637, %min3A_620 : vector<16xf32>
          %min3A_650 = arith.minimumf %min3A_638, %max3A_621 : vector<16xf32>
          %max3A_651 = arith.maximumf %min3A_638, %max3A_621 : vector<16xf32>
          %min3A_652 = arith.minimumf %max3A_639, %max3A_613 : vector<16xf32>
          %max3A_653 = arith.maximumf %max3A_639, %max3A_613 : vector<16xf32>
          %max3A_654 = arith.maximumf %min3A_478, %min3A_604 : vector<16xf32>
          %min3A_655 = arith.minimumf %max3A_521, %max3A_647 : vector<16xf32>
          %max3A_656 = arith.maximumf %max3A_521, %max3A_647 : vector<16xf32>
          %max3A_657 = arith.maximumf %min3A_655, %max3A_654 : vector<16xf32>
          %max3A_658 = arith.maximumf %max3A_517, %max3A_643 : vector<16xf32>
          %min3A_659 = arith.minimumf %max3A_525, %max3A_651 : vector<16xf32>
          %min3A_660 = arith.minimumf %min3A_659, %max3A_658 : vector<16xf32>
          %max3A_661 = arith.maximumf %min3A_659, %max3A_658 : vector<16xf32>
          %max3A_662 = arith.maximumf %min3A_660, %max3A_657 : vector<16xf32>
          %min3A_663 = arith.minimumf %max3A_661, %max3A_656 : vector<16xf32>
          %max3A_664 = arith.maximumf %max3A_515, %max3A_641 : vector<16xf32>
          %min3A_665 = arith.minimumf %max3A_523, %max3A_649 : vector<16xf32>
          %max3A_666 = arith.maximumf %min3A_665, %max3A_664 : vector<16xf32>
          %max3A_667 = arith.maximumf %max3A_519, %max3A_645 : vector<16xf32>
          %min3A_668 = arith.minimumf %max3A_527, %max3A_653 : vector<16xf32>
          %min3A_669 = arith.minimumf %min3A_668, %max3A_667 : vector<16xf32>
          %min3A_670 = arith.minimumf %min3A_669, %max3A_666 : vector<16xf32>
          %max3A_671 = arith.maximumf %min3A_669, %max3A_666 : vector<16xf32>
          %min3A_672 = arith.minimumf %min3A_670, %max3A_662 : vector<16xf32>
          %max3A_673 = arith.maximumf %min3A_670, %max3A_662 : vector<16xf32>
          %min3A_674 = arith.minimumf %max3A_671, %min3A_663 : vector<16xf32>
          %max3A_675 = arith.maximumf %min3A_514, %min3A_640 : vector<16xf32>
          %min3A_676 = arith.minimumf %min3A_522, %min3A_648 : vector<16xf32>
          %max3A_677 = arith.maximumf %min3A_676, %max3A_675 : vector<16xf32>
          %max3A_678 = arith.maximumf %min3A_518, %min3A_644 : vector<16xf32>
          %min3A_679 = arith.minimumf %min3A_526, %min3A_652 : vector<16xf32>
          %min3A_680 = arith.minimumf %min3A_679, %max3A_678 : vector<16xf32>
          %min3A_681 = arith.minimumf %min3A_680, %max3A_677 : vector<16xf32>
          %max3A_682 = arith.maximumf %min3A_680, %max3A_677 : vector<16xf32>
          %max3A_683 = arith.maximumf %min3A_516, %min3A_642 : vector<16xf32>
          %min3A_684 = arith.minimumf %min3A_524, %min3A_650 : vector<16xf32>
          %min3A_685 = arith.minimumf %min3A_684, %max3A_683 : vector<16xf32>
          %max3A_686 = arith.maximumf %min3A_684, %max3A_683 : vector<16xf32>
          %min3A_687 = arith.minimumf %min3A_520, %min3A_646 : vector<16xf32>
          %max3A_688 = arith.maximumf %min3A_520, %min3A_646 : vector<16xf32>
          %min3A_689 = arith.minimumf %max3A_505, %max3A_631 : vector<16xf32>
          %min3A_690 = arith.minimumf %min3A_689, %max3A_688 : vector<16xf32>
          %max3A_691 = arith.maximumf %min3A_687, %min3A_685 : vector<16xf32>
          %min3A_692 = arith.minimumf %min3A_690, %max3A_686 : vector<16xf32>
          %max3A_693 = arith.maximumf %max3A_691, %min3A_681 : vector<16xf32>
          %min3A_694 = arith.minimumf %min3A_692, %max3A_682 : vector<16xf32>
          %max3A_695 = arith.maximumf %min3A_692, %max3A_682 : vector<16xf32>
          %max3A_696 = arith.maximumf %max3A_693, %min3A_672 : vector<16xf32>
          %min3A_697 = arith.minimumf %max3A_695, %min3A_674 : vector<16xf32>
          %add3A_698 = arith.addf %max3A_696, %min3A_694 : vector<16xf32>
          %add3A_699 = arith.addf %add3A_698, %max3A_673 : vector<16xf32>
          %add3A_700 = arith.addf %add3A_699, %min3A_697 : vector<16xf32>
          %mul3A_701 = arith.constant 2.500000e-01 : f32
          %mul3A_702 = vector.broadcast %mul3A_701 : f32 to vector<16xf32>
          %mul3A_703 = arith.mulf %add3A_700, %mul3A_702 : vector<16xf32>
          %mul3A_704 = arith.constant 4 : i32
          %mul3A_705 = arith.muli %add3A_93, %mul3A_704 : i32
          %add3A_706 = arith.addi %mul3A_705, %select_n3A : i32
          %swap3A_707 = arith.index_cast %add3A_706 : i32 to index
          %swap3A_708 = arith.index_cast %mul3A_147 : i32 to index
          %swap3A_709 = tpu.vector_load %arg10[%swap3A_707, %swap3A_708] {strides = array<i32>} : memref<320x128xf32, #tpu.memory_space<vmem>>, vector<1x16xf32>,
          %swap3A_710 = vector.shape_cast %swap3A_709 : vector<1x16xf32> to vector<16xf32>
          %swap3A_711 = vector.shape_cast %mul3A_703 : vector<16xf32> to vector<1x16xf32>
          tpu.vector_store %arg10[%swap3A_707, %swap3A_708], %swap3A_711 {strides = array<i32>} : memref<320x128xf32, #tpu.memory_space<vmem>>, vector<1x16xf32>,
        }
        %scan3A_111 = arith.constant 32 : i32
      }
      %scan3A_70 = arith.constant 39 : i32
      "tpu.region"() ({
        %run_scoped3A = tpu.sem_alloc : memref<!tpu.dma_semaphore, #tpu.memory_space<semaphore_mem>>
        %dma_start3A_71 = arith.constant 0 : i32
        %dma_start3A_72 = arith.constant 0 : i32
        %dma_start3A_73 = tpu.memref_slice %arg10[%dma_start3A_71, %dma_start3A_72] : memref<320x128xf32, #tpu.memory_space<vmem>> -> memref<312x128xf32, #tpu.memory_space<vmem>>
        %dma_start3A_74 = arith.constant 0 : i32
        %dma_start3A_75 = tpu.memref_slice %arg4[%mul3A_7, %dma_start3A_74] : memref<10112x128xf32, #tpu.memory_space<hbm>> -> memref<312x128xf32, #tpu.memory_space<hbm>>
        %dma_start3A_76 = arith.constant 0 : i32
        %dma_start3A_77 = tpu.memref_slice %arg4[%mul3A_7, %dma_start3A_76] : memref<10112x128xf32, #tpu.memory_space<hbm>> -> memref<312x128xf32, #tpu.memory_space<hbm>>
        %dma_start3A_78 = arith.constant 0 : i32
        %dma_start3A_79 = arith.constant 0 : i32
        %dma_start3A_80 = tpu.memref_slice %arg10[%dma_start3A_78, %dma_start3A_79] : memref<320x128xf32, #tpu.memory_space<vmem>> -> memref<312x128xf32, #tpu.memory_space<vmem>>
        tpu.enqueue_dma source(%dma_start3A_80 : memref<312x128xf32, #tpu.memory_space<vmem>>) target(%dma_start3A_77 : memref<312x128xf32, #tpu.memory_space<hbm>>) target_semaphore(%run_scoped3A : memref<!tpu.dma_semaphore, #tpu.memory_space<semaphore_mem>>)
        %dma_wait3A = arith.constant 0 : i32
        %dma_wait3A_81 = arith.constant 0 : i32
        %dma_wait3A_82 = tpu.memref_slice %arg10[%dma_wait3A, %dma_wait3A_81] : memref<320x128xf32, #tpu.memory_space<vmem>> -> memref<312x128xf32, #tpu.memory_space<vmem>>
        %dma_wait3A_83 = arith.constant 0 : i32
        %dma_wait3A_84 = tpu.memref_slice %arg4[%mul3A_7, %dma_wait3A_83] : memref<10112x128xf32, #tpu.memory_space<hbm>> -> memref<312x128xf32, #tpu.memory_space<hbm>>
        %dma_wait3A_85 = arith.constant 0 : i32
        %dma_wait3A_86 = tpu.memref_slice %arg4[%mul3A_7, %dma_wait3A_85] : memref<10112x128xf32, #tpu.memory_space<hbm>> -> memref<312x128xf32, #tpu.memory_space<hbm>>
        %dma_wait3A_87 = arith.constant 0 : i32
        %dma_wait3A_88 = arith.constant 0 : i32
        %dma_wait3A_89 = tpu.memref_slice %arg10[%dma_wait3A_87, %dma_wait3A_88] : memref<320x128xf32, #tpu.memory_space<vmem>> -> memref<312x128xf32, #tpu.memory_space<vmem>>
        tpu.wait_dma2 semaphore(%run_scoped3A : memref<!tpu.dma_semaphore, #tpu.memory_space<semaphore_mem>>) src(%dma_wait3A_89 : memref<312x128xf32, #tpu.memory_space<vmem>>) dst(%dma_wait3A_86 : memref<312x128xf32, #tpu.memory_space<hbm>>)
        tpu.yield
      }) : () -> ()
    } else {
    }
    %eq3A_2 = arith.constant 1 : i32
    %eq3A_3 = arith.cmpi eq, %arg0, %eq3A_2 : i32
    %convert_element_type3A_4 = arith.extui %eq3A_3 : i1 to i32
    %cond3A_5 = arith.constant 0 : i32
    %cond3A_6 = arith.cmpi ne, %convert_element_type3A_4, %cond3A_5 : i32
    scf.if %cond3A_6 {
      %mul3A = arith.constant 320 : i32
      %mul3A_7 = arith.muli %arg1, %mul3A : i32
      %add3A = arith.constant 4992 : i32
      %add3A_8 = arith.addi %add3A, %mul3A_7 : i32
      %mul3A_9 = arith.constant 32 : i32
      %mul3A_10 = arith.muli %add3A_8, %mul3A_9 : i32
      "tpu.region"() ({
        %run_scoped3A = tpu.sem_alloc : memref<!tpu.dma_semaphore, #tpu.memory_space<semaphore_mem>>
        %dma_start3A_72 = arith.constant 0 : i32
        %dma_start3A_73 = tpu.memref_slice %arg5[%dma_start3A_72] : memref<10240xi32, #tpu.memory_space<vmem>> -> memref<10240xi32, #tpu.memory_space<vmem>>
        %dma_start3A_74 = tpu.memref_slice %arg3[%mul3A_10] : memref<323584xi32, #tpu.memory_space<hbm>> -> memref<10240xi32, #tpu.memory_space<hbm>>
        %dma_start3A_75 = arith.constant 0 : i32
        %dma_start3A_76 = tpu.memref_slice %arg5[%dma_start3A_75] : memref<10240xi32, #tpu.memory_space<vmem>> -> memref<10240xi32, #tpu.memory_space<vmem>>
        %dma_start3A_77 = tpu.memref_slice %arg3[%mul3A_10] : memref<323584xi32, #tpu.memory_space<hbm>> -> memref<10240xi32, #tpu.memory_space<hbm>>
        tpu.enqueue_dma source(%dma_start3A_77 : memref<10240xi32, #tpu.memory_space<hbm>>) target(%dma_start3A_76 : memref<10240xi32, #tpu.memory_space<vmem>>) target_semaphore(%run_scoped3A : memref<!tpu.dma_semaphore, #tpu.memory_space<semaphore_mem>>)
        %dma_wait3A = arith.constant 0 : i32
        %dma_wait3A_78 = tpu.memref_slice %arg5[%dma_wait3A] : memref<10240xi32, #tpu.memory_space<vmem>> -> memref<10240xi32, #tpu.memory_space<vmem>>
        %dma_wait3A_79 = tpu.memref_slice %arg3[%mul3A_10] : memref<323584xi32, #tpu.memory_space<hbm>> -> memref<10240xi32, #tpu.memory_space<hbm>>
        %dma_wait3A_80 = arith.constant 0 : i32
        %dma_wait3A_81 = tpu.memref_slice %arg5[%dma_wait3A_80] : memref<10240xi32, #tpu.memory_space<vmem>> -> memref<10240xi32, #tpu.memory_space<vmem>>
        %dma_wait3A_82 = tpu.memref_slice %arg3[%mul3A_10] : memref<323584xi32, #tpu.memory_space<hbm>> -> memref<10240xi32, #tpu.memory_space<hbm>>
        tpu.wait_dma2 semaphore(%run_scoped3A : memref<!tpu.dma_semaphore, #tpu.memory_space<semaphore_mem>>) src(%dma_wait3A_82 : memref<10240xi32, #tpu.memory_space<hbm>>) dst(%dma_wait3A_81 : memref<10240xi32, #tpu.memory_space<vmem>>)
        tpu.yield
      }) : () -> ()
      %get3A = arith.constant 0 : index
      %get3A_11 = tpu.vector_load %arg5[%get3A] {strides = array<i32>} : memref<10240xi32, #tpu.memory_space<vmem>>, vector<16xi32>,
      %get3A_12 = vector.shape_cast %get3A_11 : vector<16xi32> to vector<16xi32>
      %swap3A = arith.constant 0 : index
      %swap3A_13 = tpu.vector_load %arg6[%swap3A] {strides = array<i32>} : memref<128xi32, #tpu.memory_space<vmem>>, vector<16xi32>,
      %swap3A_14 = vector.shape_cast %swap3A_13 : vector<16xi32> to vector<16xi32>
      %swap3A_15 = vector.shape_cast %get3A_12 : vector<16xi32> to vector<16xi32>
      tpu.vector_store %arg6[%swap3A], %swap3A_15 {strides = array<i32>} : memref<128xi32, #tpu.memory_space<vmem>>, vector<16xi32>,
      %get3A_16 = arith.constant 16 : index
      %get3A_17 = tpu.vector_load %arg5[%get3A_16] {strides = array<i32>} : memref<10240xi32, #tpu.memory_space<vmem>>, vector<16xi32>,
      %get3A_18 = vector.shape_cast %get3A_17 : vector<16xi32> to vector<16xi32>
      %swap3A_19 = arith.constant 16 : index
      %swap3A_20 = tpu.vector_load %arg6[%swap3A_19] {strides = array<i32>} : memref<128xi32, #tpu.memory_space<vmem>>, vector<16xi32>,
      %swap3A_21 = vector.shape_cast %swap3A_20 : vector<16xi32> to vector<16xi32>
      %swap3A_22 = vector.shape_cast %get3A_18 : vector<16xi32> to vector<16xi32>
      tpu.vector_store %arg6[%swap3A_19], %swap3A_22 {strides = array<i32>} : memref<128xi32, #tpu.memory_space<vmem>>, vector<16xi32>,
      %get3A_23 = arith.constant 32 : index
      %get3A_24 = tpu.vector_load %arg5[%get3A_23] {strides = array<i32>} : memref<10240xi32, #tpu.memory_space<vmem>>, vector<16xi32>,
      %get3A_25 = vector.shape_cast %get3A_24 : vector<16xi32> to vector<16xi32>
      %swap3A_26 = arith.constant 32 : index
      %swap3A_27 = tpu.vector_load %arg6[%swap3A_26] {strides = array<i32>} : memref<128xi32, #tpu.memory_space<vmem>>, vector<16xi32>,
      %swap3A_28 = vector.shape_cast %swap3A_27 : vector<16xi32> to vector<16xi32>
      %swap3A_29 = vector.shape_cast %get3A_25 : vector<16xi32> to vector<16xi32>
      tpu.vector_store %arg6[%swap3A_26], %swap3A_29 {strides = array<i32>} : memref<128xi32, #tpu.memory_space<vmem>>, vector<16xi32>,
      %get3A_30 = arith.constant 48 : index
      %get3A_31 = tpu.vector_load %arg5[%get3A_30] {strides = array<i32>} : memref<10240xi32, #tpu.memory_space<vmem>>, vector<16xi32>,
      %get3A_32 = vector.shape_cast %get3A_31 : vector<16xi32> to vector<16xi32>
      %swap3A_33 = arith.constant 48 : index
      %swap3A_34 = tpu.vector_load %arg6[%swap3A_33] {strides = array<i32>} : memref<128xi32, #tpu.memory_space<vmem>>, vector<16xi32>,
      %swap3A_35 = vector.shape_cast %swap3A_34 : vector<16xi32> to vector<16xi32>
      %swap3A_36 = vector.shape_cast %get3A_32 : vector<16xi32> to vector<16xi32>
      tpu.vector_store %arg6[%swap3A_33], %swap3A_36 {strides = array<i32>} : memref<128xi32, #tpu.memory_space<vmem>>, vector<16xi32>,
      %get3A_37 = arith.constant 64 : index
      %get3A_38 = tpu.vector_load %arg5[%get3A_37] {strides = array<i32>} : memref<10240xi32, #tpu.memory_space<vmem>>, vector<16xi32>,
      %get3A_39 = vector.shape_cast %get3A_38 : vector<16xi32> to vector<16xi32>
      %swap3A_40 = arith.constant 64 : index
      %swap3A_41 = tpu.vector_load %arg6[%swap3A_40] {strides = array<i32>} : memref<128xi32, #tpu.memory_space<vmem>>, vector<16xi32>,
      %swap3A_42 = vector.shape_cast %swap3A_41 : vector<16xi32> to vector<16xi32>
      %swap3A_43 = vector.shape_cast %get3A_39 : vector<16xi32> to vector<16xi32>
      tpu.vector_store %arg6[%swap3A_40], %swap3A_43 {strides = array<i32>} : memref<128xi32, #tpu.memory_space<vmem>>, vector<16xi32>,
      %get3A_44 = arith.constant 80 : index
      %get3A_45 = tpu.vector_load %arg5[%get3A_44] {strides = array<i32>} : memref<10240xi32, #tpu.memory_space<vmem>>, vector<16xi32>,
      %get3A_46 = vector.shape_cast %get3A_45 : vector<16xi32> to vector<16xi32>
      %swap3A_47 = arith.constant 80 : index
      %swap3A_48 = tpu.vector_load %arg6[%swap3A_47] {strides = array<i32>} : memref<128xi32, #tpu.memory_space<vmem>>, vector<16xi32>,
      %swap3A_49 = vector.shape_cast %swap3A_48 : vector<16xi32> to vector<16xi32>
      %swap3A_50 = vector.shape_cast %get3A_46 : vector<16xi32> to vector<16xi32>
      tpu.vector_store %arg6[%swap3A_47], %swap3A_50 {strides = array<i32>} : memref<128xi32, #tpu.memory_space<vmem>>, vector<16xi32>,
      %get3A_51 = arith.constant 96 : index
      %get3A_52 = tpu.vector_load %arg5[%get3A_51] {strides = array<i32>} : memref<10240xi32, #tpu.memory_space<vmem>>, vector<16xi32>,
      %get3A_53 = vector.shape_cast %get3A_52 : vector<16xi32> to vector<16xi32>
      %swap3A_54 = arith.constant 96 : index
      %swap3A_55 = tpu.vector_load %arg6[%swap3A_54] {strides = array<i32>} : memref<128xi32, #tpu.memory_space<vmem>>, vector<16xi32>,
      %swap3A_56 = vector.shape_cast %swap3A_55 : vector<16xi32> to vector<16xi32>
      %swap3A_57 = vector.shape_cast %get3A_53 : vector<16xi32> to vector<16xi32>
      tpu.vector_store %arg6[%swap3A_54], %swap3A_57 {strides = array<i32>} : memref<128xi32, #tpu.memory_space<vmem>>, vector<16xi32>,
      %get3A_58 = arith.constant 112 : index
      %get3A_59 = tpu.vector_load %arg5[%get3A_58] {strides = array<i32>} : memref<10240xi32, #tpu.memory_space<vmem>>, vector<16xi32>,
      %get3A_60 = vector.shape_cast %get3A_59 : vector<16xi32> to vector<16xi32>
      %swap3A_61 = arith.constant 112 : index
      %swap3A_62 = tpu.vector_load %arg6[%swap3A_61] {strides = array<i32>} : memref<128xi32, #tpu.memory_space<vmem>>, vector<16xi32>,
      %swap3A_63 = vector.shape_cast %swap3A_62 : vector<16xi32> to vector<16xi32>
      %swap3A_64 = vector.shape_cast %get3A_60 : vector<16xi32> to vector<16xi32>
      tpu.vector_store %arg6[%swap3A_61], %swap3A_64 {strides = array<i32>} : memref<128xi32, #tpu.memory_space<vmem>>, vector<16xi32>,
      %dma_start3A = arith.constant 0 : i32
      %dma_start3A_65 = arith.constant 0 : i32
      %dma_start3A_66 = tpu.memref_slice %arg2[%dma_start3A, %dma_start3A_65] : memref<10000x128xf32, #tpu.memory_space<hbm>> -> memref<10000x128xf32, #tpu.memory_space<hbm>>
      tpu.enqueue_indirect_dma source(%dma_start3A_66 : memref<10000x128xf32, #tpu.memory_space<hbm>>) target(%arg8 : memref<128x128xf32, #tpu.memory_space<vmem>>) offsets(%arg6 : memref<128xi32, #tpu.memory_space<vmem>>) semaphore(%arg11 : memref<!tpu.dma_semaphore, #tpu.memory_space<semaphore_mem>>)
      %scan3A = arith.constant 0 : i32
      %scan3A_67 = arith.constant 0 : i32
      %scan3A_68 = arith.constant 40 : i32
      %scan3A_69 = arith.addi %scan3A_67, %scan3A_68 : i32
      %scan3A_70 = arith.constant 1 : i32
      scf.for %scan3A_72 = %scan3A_67 to %scan3A_69 step %scan3A_70  : i32 {
        %mul3A_73 = arith.constant 2 : i32
        %mul3A_74 = arith.muli %scan3A_72, %mul3A_73 : i32
        %add3A_75 = arith.constant 0 : i32
        %add3A_76 = arith.addi %mul3A_74, %add3A_75 : i32
        %add3A_77 = arith.constant 2 : i32
        %add3A_78 = arith.addi %add3A_76, %add3A_77 : i32
        %sub3A = arith.constant 1 : i32
        %sub3A_79 = arith.subi %add3A_78, %sub3A : i32
        %lt3A = arith.constant 80 : i32
        %lt3A_80 = arith.cmpi slt, %sub3A_79, %lt3A : i32
        %convert_element_type3A_81 = arith.extui %lt3A_80 : i1 to i32
        %cond3A_82 = arith.constant 0 : i32
        %cond3A_83 = arith.cmpi ne, %convert_element_type3A_81, %cond3A_82 : i32
        scf.if %cond3A_83 {
          %add3A_114 = arith.constant 2 : i32
          %add3A_115 = arith.addi %add3A_76, %add3A_114 : i32
          %sub3A_116 = arith.constant 1 : i32
          %sub3A_117 = arith.subi %add3A_115, %sub3A_116 : i32
          %mul3A_118 = arith.constant 128 : i32
          %mul3A_119 = arith.muli %sub3A_117, %mul3A_118 : i32
          %add3A_120 = arith.constant 0 : i32
          %add3A_121 = arith.addi %mul3A_119, %add3A_120 : i32
          %get3A_122 = arith.index_cast %add3A_121 : i32 to index
          %get3A_123 = tpu.vector_load %arg5[%get3A_122] {strides = array<i32>} : memref<10240xi32, #tpu.memory_space<vmem>>, vector<16xi32>,
          %get3A_124 = vector.shape_cast %get3A_123 : vector<16xi32> to vector<16xi32>
          %swap3A_125 = arith.constant 0 : index
          %swap3A_126 = tpu.vector_load %arg7[%swap3A_125] {strides = array<i32>} : memref<128xi32, #tpu.memory_space<vmem>>, vector<16xi32>,
          %swap3A_127 = vector.shape_cast %swap3A_126 : vector<16xi32> to vector<16xi32>
          %swap3A_128 = vector.shape_cast %get3A_124 : vector<16xi32> to vector<16xi32>
          tpu.vector_store %arg7[%swap3A_125], %swap3A_128 {strides = array<i32>} : memref<128xi32, #tpu.memory_space<vmem>>, vector<16xi32>,
          %mul3A_129 = arith.constant 128 : i32
          %mul3A_130 = arith.muli %sub3A_117, %mul3A_129 : i32
          %add3A_131 = arith.constant 16 : i32
          %add3A_132 = arith.addi %mul3A_130, %add3A_131 : i32
          %get3A_133 = arith.index_cast %add3A_132 : i32 to index
          %get3A_134 = tpu.vector_load %arg5[%get3A_133] {strides = array<i32>} : memref<10240xi32, #tpu.memory_space<vmem>>, vector<16xi32>,
          %get3A_135 = vector.shape_cast %get3A_134 : vector<16xi32> to vector<16xi32>
          %swap3A_136 = arith.constant 16 : index
          %swap3A_137 = tpu.vector_load %arg7[%swap3A_136] {strides = array<i32>} : memref<128xi32, #tpu.memory_space<vmem>>, vector<16xi32>,
          %swap3A_138 = vector.shape_cast %swap3A_137 : vector<16xi32> to vector<16xi32>
          %swap3A_139 = vector.shape_cast %get3A_135 : vector<16xi32> to vector<16xi32>
          tpu.vector_store %arg7[%swap3A_136], %swap3A_139 {strides = array<i32>} : memref<128xi32, #tpu.memory_space<vmem>>, vector<16xi32>,
          %mul3A_140 = arith.constant 128 : i32
          %mul3A_141 = arith.muli %sub3A_117, %mul3A_140 : i32
          %add3A_142 = arith.constant 32 : i32
          %add3A_143 = arith.addi %mul3A_141, %add3A_142 : i32
          %get3A_144 = arith.index_cast %add3A_143 : i32 to index
          %get3A_145 = tpu.vector_load %arg5[%get3A_144] {strides = array<i32>} : memref<10240xi32, #tpu.memory_space<vmem>>, vector<16xi32>,
          %get3A_146 = vector.shape_cast %get3A_145 : vector<16xi32> to vector<16xi32>
          %swap3A_147 = arith.constant 32 : index
          %swap3A_148 = tpu.vector_load %arg7[%swap3A_147] {strides = array<i32>} : memref<128xi32, #tpu.memory_space<vmem>>, vector<16xi32>,
          %swap3A_149 = vector.shape_cast %swap3A_148 : vector<16xi32> to vector<16xi32>
          %swap3A_150 = vector.shape_cast %get3A_146 : vector<16xi32> to vector<16xi32>
          tpu.vector_store %arg7[%swap3A_147], %swap3A_150 {strides = array<i32>} : memref<128xi32, #tpu.memory_space<vmem>>, vector<16xi32>,
          %mul3A_151 = arith.constant 128 : i32
          %mul3A_152 = arith.muli %sub3A_117, %mul3A_151 : i32
          %add3A_153 = arith.constant 48 : i32
          %add3A_154 = arith.addi %mul3A_152, %add3A_153 : i32
          %get3A_155 = arith.index_cast %add3A_154 : i32 to index
          %get3A_156 = tpu.vector_load %arg5[%get3A_155] {strides = array<i32>} : memref<10240xi32, #tpu.memory_space<vmem>>, vector<16xi32>,
          %get3A_157 = vector.shape_cast %get3A_156 : vector<16xi32> to vector<16xi32>
          %swap3A_158 = arith.constant 48 : index
          %swap3A_159 = tpu.vector_load %arg7[%swap3A_158] {strides = array<i32>} : memref<128xi32, #tpu.memory_space<vmem>>, vector<16xi32>,
          %swap3A_160 = vector.shape_cast %swap3A_159 : vector<16xi32> to vector<16xi32>
          %swap3A_161 = vector.shape_cast %get3A_157 : vector<16xi32> to vector<16xi32>
          tpu.vector_store %arg7[%swap3A_158], %swap3A_161 {strides = array<i32>} : memref<128xi32, #tpu.memory_space<vmem>>, vector<16xi32>,
          %mul3A_162 = arith.constant 128 : i32
          %mul3A_163 = arith.muli %sub3A_117, %mul3A_162 : i32
          %add3A_164 = arith.constant 64 : i32
          %add3A_165 = arith.addi %mul3A_163, %add3A_164 : i32
          %get3A_166 = arith.index_cast %add3A_165 : i32 to index
          %get3A_167 = tpu.vector_load %arg5[%get3A_166] {strides = array<i32>} : memref<10240xi32, #tpu.memory_space<vmem>>, vector<16xi32>,
          %get3A_168 = vector.shape_cast %get3A_167 : vector<16xi32> to vector<16xi32>
          %swap3A_169 = arith.constant 64 : index
          %swap3A_170 = tpu.vector_load %arg7[%swap3A_169] {strides = array<i32>} : memref<128xi32, #tpu.memory_space<vmem>>, vector<16xi32>,
          %swap3A_171 = vector.shape_cast %swap3A_170 : vector<16xi32> to vector<16xi32>
          %swap3A_172 = vector.shape_cast %get3A_168 : vector<16xi32> to vector<16xi32>
          tpu.vector_store %arg7[%swap3A_169], %swap3A_172 {strides = array<i32>} : memref<128xi32, #tpu.memory_space<vmem>>, vector<16xi32>,
          %mul3A_173 = arith.constant 128 : i32
          %mul3A_174 = arith.muli %sub3A_117, %mul3A_173 : i32
          %add3A_175 = arith.constant 80 : i32
          %add3A_176 = arith.addi %mul3A_174, %add3A_175 : i32
          %get3A_177 = arith.index_cast %add3A_176 : i32 to index
          %get3A_178 = tpu.vector_load %arg5[%get3A_177] {strides = array<i32>} : memref<10240xi32, #tpu.memory_space<vmem>>, vector<16xi32>,
          %get3A_179 = vector.shape_cast %get3A_178 : vector<16xi32> to vector<16xi32>
          %swap3A_180 = arith.constant 80 : index
          %swap3A_181 = tpu.vector_load %arg7[%swap3A_180] {strides = array<i32>} : memref<128xi32, #tpu.memory_space<vmem>>, vector<16xi32>,
          %swap3A_182 = vector.shape_cast %swap3A_181 : vector<16xi32> to vector<16xi32>
          %swap3A_183 = vector.shape_cast %get3A_179 : vector<16xi32> to vector<16xi32>
          tpu.vector_store %arg7[%swap3A_180], %swap3A_183 {strides = array<i32>} : memref<128xi32, #tpu.memory_space<vmem>>, vector<16xi32>,
          %mul3A_184 = arith.constant 128 : i32
          %mul3A_185 = arith.muli %sub3A_117, %mul3A_184 : i32
          %add3A_186 = arith.constant 96 : i32
          %add3A_187 = arith.addi %mul3A_185, %add3A_186 : i32
          %get3A_188 = arith.index_cast %add3A_187 : i32 to index
          %get3A_189 = tpu.vector_load %arg5[%get3A_188] {strides = array<i32>} : memref<10240xi32, #tpu.memory_space<vmem>>, vector<16xi32>,
          %get3A_190 = vector.shape_cast %get3A_189 : vector<16xi32> to vector<16xi32>
          %swap3A_191 = arith.constant 96 : index
          %swap3A_192 = tpu.vector_load %arg7[%swap3A_191] {strides = array<i32>} : memref<128xi32, #tpu.memory_space<vmem>>, vector<16xi32>,
          %swap3A_193 = vector.shape_cast %swap3A_192 : vector<16xi32> to vector<16xi32>
          %swap3A_194 = vector.shape_cast %get3A_190 : vector<16xi32> to vector<16xi32>
          tpu.vector_store %arg7[%swap3A_191], %swap3A_194 {strides = array<i32>} : memref<128xi32, #tpu.memory_space<vmem>>, vector<16xi32>,
          %mul3A_195 = arith.constant 128 : i32
          %mul3A_196 = arith.muli %sub3A_117, %mul3A_195 : i32
          %add3A_197 = arith.constant 112 : i32
          %add3A_198 = arith.addi %mul3A_196, %add3A_197 : i32
          %get3A_199 = arith.index_cast %add3A_198 : i32 to index
          %get3A_200 = tpu.vector_load %arg5[%get3A_199] {strides = array<i32>} : memref<10240xi32, #tpu.memory_space<vmem>>, vector<16xi32>,
          %get3A_201 = vector.shape_cast %get3A_200 : vector<16xi32> to vector<16xi32>
          %swap3A_202 = arith.constant 112 : index
          %swap3A_203 = tpu.vector_load %arg7[%swap3A_202] {strides = array<i32>} : memref<128xi32, #tpu.memory_space<vmem>>, vector<16xi32>,
          %swap3A_204 = vector.shape_cast %swap3A_203 : vector<16xi32> to vector<16xi32>
          %swap3A_205 = vector.shape_cast %get3A_201 : vector<16xi32> to vector<16xi32>
          tpu.vector_store %arg7[%swap3A_202], %swap3A_205 {strides = array<i32>} : memref<128xi32, #tpu.memory_space<vmem>>, vector<16xi32>,
          %dma_start3A_206 = arith.constant 0 : i32
          %dma_start3A_207 = arith.constant 0 : i32
          %dma_start3A_208 = tpu.memref_slice %arg2[%dma_start3A_206, %dma_start3A_207] : memref<10000x128xf32, #tpu.memory_space<hbm>> -> memref<10000x128xf32, #tpu.memory_space<hbm>>
          tpu.enqueue_indirect_dma source(%dma_start3A_208 : memref<10000x128xf32, #tpu.memory_space<hbm>>) target(%arg9 : memref<128x128xf32, #tpu.memory_space<vmem>>) offsets(%arg7 : memref<128xi32, #tpu.memory_space<vmem>>) semaphore(%arg12 : memref<!tpu.dma_semaphore, #tpu.memory_space<semaphore_mem>>)
        } else {
        }
        %dma_wait3A = arith.constant 0 : i32
        %dma_wait3A_84 = arith.constant 0 : i32
        %dma_wait3A_85 = tpu.memref_slice %arg2[%dma_wait3A, %dma_wait3A_84] : memref<10000x128xf32, #tpu.memory_space<hbm>> -> memref<10000x128xf32, #tpu.memory_space<hbm>>
        tpu.wait_indirect_dma semaphore(%arg11 : memref<!tpu.dma_semaphore, #tpu.memory_space<semaphore_mem>>) src(%dma_wait3A_85 : memref<10000x128xf32, #tpu.memory_space<hbm>>) dst(%arg8 : memref<128x128xf32, #tpu.memory_space<vmem>>)
        %scan3A_86 = arith.constant 0 : i32
        %scan3A_87 = arith.constant 0 : i32
        %scan3A_88 = arith.constant 32 : i32
        %scan3A_89 = arith.addi %scan3A_87, %scan3A_88 : i32
        %scan3A_90 = arith.constant 1 : i32
        scf.for %scan3A_114 = %scan3A_87 to %scan3A_89 step %scan3A_90  : i32 {
          %jit3A = arith.constant 8 : i32
          %div3A = arith.divsi %scan3A_114, %jit3A : i32
          %sign3A = arith.constant 0 : i32
          %sign3A_115 = arith.cmpi sgt, %scan3A_114, %sign3A : i32
          %sign3A_116 = arith.extui %sign3A_115 : i1 to i32
          %sign3A_117 = arith.constant 0 : i32
          %sign3A_118 = arith.cmpi slt, %scan3A_114, %sign3A_117 : i32
          %sign3A_119 = arith.extui %sign3A_118 : i1 to i32
          %sign3A_120 = arith.subi %sign3A_116, %sign3A_119 : i32
          %sign3A_121 = arith.constant 0 : i32
          %sign3A_122 = arith.cmpi sgt, %jit3A, %sign3A_121 : i32
          %sign3A_123 = arith.extui %sign3A_122 : i1 to i32
          %sign3A_124 = arith.constant 0 : i32
          %sign3A_125 = arith.cmpi slt, %jit3A, %sign3A_124 : i32
          %sign3A_126 = arith.extui %sign3A_125 : i1 to i32
          %sign3A_127 = arith.subi %sign3A_123, %sign3A_126 : i32
          %ne3A = arith.cmpi ne, %sign3A_120, %sign3A_127 : i32
          %rem3A = arith.remsi %scan3A_114, %jit3A : i32
          %ne3A_128 = arith.constant 0 : i32
          %ne3A_129 = arith.cmpi ne, %rem3A, %ne3A_128 : i32
          %and3A = arith.andi %ne3A, %ne3A_129 : i1
          %sub3A_130 = arith.constant 1 : i32
          %sub3A_131 = arith.subi %div3A, %sub3A_130 : i32
          %select_n3A = arith.select %and3A, %sub3A_131, %div3A : i32
          %jit3A_132 = arith.constant 8 : i32
          %eq3A_133 = arith.constant 0 : i32
          %eq3A_134 = arith.cmpi eq, %jit3A_132, %eq3A_133 : i32
          %jit3A_135 = arith.constant 1 : i32
          %select_n3A_136 = arith.select %eq3A_134, %jit3A_135, %jit3A_132 : i32
          %rem3A_137 = arith.remsi %scan3A_114, %select_n3A_136 : i32
          %ne3A_138 = arith.constant 0 : i32
          %ne3A_139 = arith.cmpi ne, %rem3A_137, %ne3A_138 : i32
          %lt3A_140 = arith.constant 0 : i32
          %lt3A_141 = arith.cmpi slt, %rem3A_137, %lt3A_140 : i32
          %lt3A_142 = arith.constant 0 : i32
          %lt3A_143 = arith.cmpi slt, %select_n3A_136, %lt3A_142 : i32
          %ne3A_144 = arith.xori %lt3A_141, %lt3A_143 : i1
          %and3A_145 = arith.andi %ne3A_144, %ne3A_139 : i1
          %add3A_146 = arith.addi %rem3A_137, %select_n3A_136 : i32
          %select_n3A_147 = arith.select %and3A_145, %add3A_146, %rem3A_137 : i32
          %mul3A_148 = arith.constant 16 : i32
          %mul3A_149 = arith.muli %select_n3A_147, %mul3A_148 : i32
          %mul3A_150 = arith.constant 32 : i32
          %mul3A_151 = arith.muli %select_n3A, %mul3A_150 : i32
          %add3A_152 = arith.constant 0 : i32
          %add3A_153 = arith.addi %mul3A_151, %add3A_152 : i32
          %get3A_154 = arith.index_cast %add3A_153 : i32 to index
          %get3A_155 = arith.index_cast %mul3A_149 : i32 to index
          %get3A_156 = tpu.vector_load %arg8[%get3A_154, %get3A_155] {strides = array<i32>} : memref<128x128xf32, #tpu.memory_space<vmem>>, vector<1x16xf32>,
          %get3A_157 = vector.shape_cast %get3A_156 : vector<1x16xf32> to vector<16xf32>
          %mul3A_158 = arith.constant 32 : i32
          %mul3A_159 = arith.muli %select_n3A, %mul3A_158 : i32
          %add3A_160 = arith.constant 1 : i32
          %add3A_161 = arith.addi %mul3A_159, %add3A_160 : i32
          %get3A_162 = arith.index_cast %add3A_161 : i32 to index
          %get3A_163 = arith.index_cast %mul3A_149 : i32 to index
          %get3A_164 = tpu.vector_load %arg8[%get3A_162, %get3A_163] {strides = array<i32>} : memref<128x128xf32, #tpu.memory_space<vmem>>, vector<1x16xf32>,
          %get3A_165 = vector.shape_cast %get3A_164 : vector<1x16xf32> to vector<16xf32>
          %mul3A_166 = arith.constant 32 : i32
          %mul3A_167 = arith.muli %select_n3A, %mul3A_166 : i32
          %add3A_168 = arith.constant 2 : i32
          %add3A_169 = arith.addi %mul3A_167, %add3A_168 : i32
          %get3A_170 = arith.index_cast %add3A_169 : i32 to index
          %get3A_171 = arith.index_cast %mul3A_149 : i32 to index
          %get3A_172 = tpu.vector_load %arg8[%get3A_170, %get3A_171] {strides = array<i32>} : memref<128x128xf32, #tpu.memory_space<vmem>>, vector<1x16xf32>,
          %get3A_173 = vector.shape_cast %get3A_172 : vector<1x16xf32> to vector<16xf32>
          %mul3A_174 = arith.constant 32 : i32
          %mul3A_175 = arith.muli %select_n3A, %mul3A_174 : i32
          %add3A_176 = arith.constant 3 : i32
          %add3A_177 = arith.addi %mul3A_175, %add3A_176 : i32
          %get3A_178 = arith.index_cast %add3A_177 : i32 to index
          %get3A_179 = arith.index_cast %mul3A_149 : i32 to index
          %get3A_180 = tpu.vector_load %arg8[%get3A_178, %get3A_179] {strides = array<i32>} : memref<128x128xf32, #tpu.memory_space<vmem>>, vector<1x16xf32>,
          %get3A_181 = vector.shape_cast %get3A_180 : vector<1x16xf32> to vector<16xf32>
          %mul3A_182 = arith.constant 32 : i32
          %mul3A_183 = arith.muli %select_n3A, %mul3A_182 : i32
          %add3A_184 = arith.constant 4 : i32
          %add3A_185 = arith.addi %mul3A_183, %add3A_184 : i32
          %get3A_186 = arith.index_cast %add3A_185 : i32 to index
          %get3A_187 = arith.index_cast %mul3A_149 : i32 to index
          %get3A_188 = tpu.vector_load %arg8[%get3A_186, %get3A_187] {strides = array<i32>} : memref<128x128xf32, #tpu.memory_space<vmem>>, vector<1x16xf32>,
          %get3A_189 = vector.shape_cast %get3A_188 : vector<1x16xf32> to vector<16xf32>
          %mul3A_190 = arith.constant 32 : i32
          %mul3A_191 = arith.muli %select_n3A, %mul3A_190 : i32
          %add3A_192 = arith.constant 5 : i32
          %add3A_193 = arith.addi %mul3A_191, %add3A_192 : i32
          %get3A_194 = arith.index_cast %add3A_193 : i32 to index
          %get3A_195 = arith.index_cast %mul3A_149 : i32 to index
          %get3A_196 = tpu.vector_load %arg8[%get3A_194, %get3A_195] {strides = array<i32>} : memref<128x128xf32, #tpu.memory_space<vmem>>, vector<1x16xf32>,
          %get3A_197 = vector.shape_cast %get3A_196 : vector<1x16xf32> to vector<16xf32>
          %mul3A_198 = arith.constant 32 : i32
          %mul3A_199 = arith.muli %select_n3A, %mul3A_198 : i32
          %add3A_200 = arith.constant 6 : i32
          %add3A_201 = arith.addi %mul3A_199, %add3A_200 : i32
          %get3A_202 = arith.index_cast %add3A_201 : i32 to index
          %get3A_203 = arith.index_cast %mul3A_149 : i32 to index
          %get3A_204 = tpu.vector_load %arg8[%get3A_202, %get3A_203] {strides = array<i32>} : memref<128x128xf32, #tpu.memory_space<vmem>>, vector<1x16xf32>,
          %get3A_205 = vector.shape_cast %get3A_204 : vector<1x16xf32> to vector<16xf32>
          %mul3A_206 = arith.constant 32 : i32
          %mul3A_207 = arith.muli %select_n3A, %mul3A_206 : i32
          %add3A_208 = arith.constant 7 : i32
          %add3A_209 = arith.addi %mul3A_207, %add3A_208 : i32
          %get3A_210 = arith.index_cast %add3A_209 : i32 to index
          %get3A_211 = arith.index_cast %mul3A_149 : i32 to index
          %get3A_212 = tpu.vector_load %arg8[%get3A_210, %get3A_211] {strides = array<i32>} : memref<128x128xf32, #tpu.memory_space<vmem>>, vector<1x16xf32>,
          %get3A_213 = vector.shape_cast %get3A_212 : vector<1x16xf32> to vector<16xf32>
          %mul3A_214 = arith.constant 32 : i32
          %mul3A_215 = arith.muli %select_n3A, %mul3A_214 : i32
          %add3A_216 = arith.constant 8 : i32
          %add3A_217 = arith.addi %mul3A_215, %add3A_216 : i32
          %get3A_218 = arith.index_cast %add3A_217 : i32 to index
          %get3A_219 = arith.index_cast %mul3A_149 : i32 to index
          %get3A_220 = tpu.vector_load %arg8[%get3A_218, %get3A_219] {strides = array<i32>} : memref<128x128xf32, #tpu.memory_space<vmem>>, vector<1x16xf32>,
          %get3A_221 = vector.shape_cast %get3A_220 : vector<1x16xf32> to vector<16xf32>
          %mul3A_222 = arith.constant 32 : i32
          %mul3A_223 = arith.muli %select_n3A, %mul3A_222 : i32
          %add3A_224 = arith.constant 9 : i32
          %add3A_225 = arith.addi %mul3A_223, %add3A_224 : i32
          %get3A_226 = arith.index_cast %add3A_225 : i32 to index
          %get3A_227 = arith.index_cast %mul3A_149 : i32 to index
          %get3A_228 = tpu.vector_load %arg8[%get3A_226, %get3A_227] {strides = array<i32>} : memref<128x128xf32, #tpu.memory_space<vmem>>, vector<1x16xf32>,
          %get3A_229 = vector.shape_cast %get3A_228 : vector<1x16xf32> to vector<16xf32>
          %mul3A_230 = arith.constant 32 : i32
          %mul3A_231 = arith.muli %select_n3A, %mul3A_230 : i32
          %add3A_232 = arith.constant 10 : i32
          %add3A_233 = arith.addi %mul3A_231, %add3A_232 : i32
          %get3A_234 = arith.index_cast %add3A_233 : i32 to index
          %get3A_235 = arith.index_cast %mul3A_149 : i32 to index
          %get3A_236 = tpu.vector_load %arg8[%get3A_234, %get3A_235] {strides = array<i32>} : memref<128x128xf32, #tpu.memory_space<vmem>>, vector<1x16xf32>,
          %get3A_237 = vector.shape_cast %get3A_236 : vector<1x16xf32> to vector<16xf32>
          %mul3A_238 = arith.constant 32 : i32
          %mul3A_239 = arith.muli %select_n3A, %mul3A_238 : i32
          %add3A_240 = arith.constant 11 : i32
          %add3A_241 = arith.addi %mul3A_239, %add3A_240 : i32
          %get3A_242 = arith.index_cast %add3A_241 : i32 to index
          %get3A_243 = arith.index_cast %mul3A_149 : i32 to index
          %get3A_244 = tpu.vector_load %arg8[%get3A_242, %get3A_243] {strides = array<i32>} : memref<128x128xf32, #tpu.memory_space<vmem>>, vector<1x16xf32>,
          %get3A_245 = vector.shape_cast %get3A_244 : vector<1x16xf32> to vector<16xf32>
          %mul3A_246 = arith.constant 32 : i32
          %mul3A_247 = arith.muli %select_n3A, %mul3A_246 : i32
          %add3A_248 = arith.constant 12 : i32
          %add3A_249 = arith.addi %mul3A_247, %add3A_248 : i32
          %get3A_250 = arith.index_cast %add3A_249 : i32 to index
          %get3A_251 = arith.index_cast %mul3A_149 : i32 to index
          %get3A_252 = tpu.vector_load %arg8[%get3A_250, %get3A_251] {strides = array<i32>} : memref<128x128xf32, #tpu.memory_space<vmem>>, vector<1x16xf32>,
          %get3A_253 = vector.shape_cast %get3A_252 : vector<1x16xf32> to vector<16xf32>
          %mul3A_254 = arith.constant 32 : i32
          %mul3A_255 = arith.muli %select_n3A, %mul3A_254 : i32
          %add3A_256 = arith.constant 13 : i32
          %add3A_257 = arith.addi %mul3A_255, %add3A_256 : i32
          %get3A_258 = arith.index_cast %add3A_257 : i32 to index
          %get3A_259 = arith.index_cast %mul3A_149 : i32 to index
          %get3A_260 = tpu.vector_load %arg8[%get3A_258, %get3A_259] {strides = array<i32>} : memref<128x128xf32, #tpu.memory_space<vmem>>, vector<1x16xf32>,
          %get3A_261 = vector.shape_cast %get3A_260 : vector<1x16xf32> to vector<16xf32>
          %mul3A_262 = arith.constant 32 : i32
          %mul3A_263 = arith.muli %select_n3A, %mul3A_262 : i32
          %add3A_264 = arith.constant 14 : i32
          %add3A_265 = arith.addi %mul3A_263, %add3A_264 : i32
          %get3A_266 = arith.index_cast %add3A_265 : i32 to index
          %get3A_267 = arith.index_cast %mul3A_149 : i32 to index
          %get3A_268 = tpu.vector_load %arg8[%get3A_266, %get3A_267] {strides = array<i32>} : memref<128x128xf32, #tpu.memory_space<vmem>>, vector<1x16xf32>,
          %get3A_269 = vector.shape_cast %get3A_268 : vector<1x16xf32> to vector<16xf32>
          %mul3A_270 = arith.constant 32 : i32
          %mul3A_271 = arith.muli %select_n3A, %mul3A_270 : i32
          %add3A_272 = arith.constant 15 : i32
          %add3A_273 = arith.addi %mul3A_271, %add3A_272 : i32
          %get3A_274 = arith.index_cast %add3A_273 : i32 to index
          %get3A_275 = arith.index_cast %mul3A_149 : i32 to index
          %get3A_276 = tpu.vector_load %arg8[%get3A_274, %get3A_275] {strides = array<i32>} : memref<128x128xf32, #tpu.memory_space<vmem>>, vector<1x16xf32>,
          %get3A_277 = vector.shape_cast %get3A_276 : vector<1x16xf32> to vector<16xf32>
          %mul3A_278 = arith.constant 32 : i32
          %mul3A_279 = arith.muli %select_n3A, %mul3A_278 : i32
          %add3A_280 = arith.constant 16 : i32
          %add3A_281 = arith.addi %mul3A_279, %add3A_280 : i32
          %get3A_282 = arith.index_cast %add3A_281 : i32 to index
          %get3A_283 = arith.index_cast %mul3A_149 : i32 to index
          %get3A_284 = tpu.vector_load %arg8[%get3A_282, %get3A_283] {strides = array<i32>} : memref<128x128xf32, #tpu.memory_space<vmem>>, vector<1x16xf32>,
          %get3A_285 = vector.shape_cast %get3A_284 : vector<1x16xf32> to vector<16xf32>
          %mul3A_286 = arith.constant 32 : i32
          %mul3A_287 = arith.muli %select_n3A, %mul3A_286 : i32
          %add3A_288 = arith.constant 17 : i32
          %add3A_289 = arith.addi %mul3A_287, %add3A_288 : i32
          %get3A_290 = arith.index_cast %add3A_289 : i32 to index
          %get3A_291 = arith.index_cast %mul3A_149 : i32 to index
          %get3A_292 = tpu.vector_load %arg8[%get3A_290, %get3A_291] {strides = array<i32>} : memref<128x128xf32, #tpu.memory_space<vmem>>, vector<1x16xf32>,
          %get3A_293 = vector.shape_cast %get3A_292 : vector<1x16xf32> to vector<16xf32>
          %mul3A_294 = arith.constant 32 : i32
          %mul3A_295 = arith.muli %select_n3A, %mul3A_294 : i32
          %add3A_296 = arith.constant 18 : i32
          %add3A_297 = arith.addi %mul3A_295, %add3A_296 : i32
          %get3A_298 = arith.index_cast %add3A_297 : i32 to index
          %get3A_299 = arith.index_cast %mul3A_149 : i32 to index
          %get3A_300 = tpu.vector_load %arg8[%get3A_298, %get3A_299] {strides = array<i32>} : memref<128x128xf32, #tpu.memory_space<vmem>>, vector<1x16xf32>,
          %get3A_301 = vector.shape_cast %get3A_300 : vector<1x16xf32> to vector<16xf32>
          %mul3A_302 = arith.constant 32 : i32
          %mul3A_303 = arith.muli %select_n3A, %mul3A_302 : i32
          %add3A_304 = arith.constant 19 : i32
          %add3A_305 = arith.addi %mul3A_303, %add3A_304 : i32
          %get3A_306 = arith.index_cast %add3A_305 : i32 to index
          %get3A_307 = arith.index_cast %mul3A_149 : i32 to index
          %get3A_308 = tpu.vector_load %arg8[%get3A_306, %get3A_307] {strides = array<i32>} : memref<128x128xf32, #tpu.memory_space<vmem>>, vector<1x16xf32>,
          %get3A_309 = vector.shape_cast %get3A_308 : vector<1x16xf32> to vector<16xf32>
          %mul3A_310 = arith.constant 32 : i32
          %mul3A_311 = arith.muli %select_n3A, %mul3A_310 : i32
          %add3A_312 = arith.constant 20 : i32
          %add3A_313 = arith.addi %mul3A_311, %add3A_312 : i32
          %get3A_314 = arith.index_cast %add3A_313 : i32 to index
          %get3A_315 = arith.index_cast %mul3A_149 : i32 to index
          %get3A_316 = tpu.vector_load %arg8[%get3A_314, %get3A_315] {strides = array<i32>} : memref<128x128xf32, #tpu.memory_space<vmem>>, vector<1x16xf32>,
          %get3A_317 = vector.shape_cast %get3A_316 : vector<1x16xf32> to vector<16xf32>
          %mul3A_318 = arith.constant 32 : i32
          %mul3A_319 = arith.muli %select_n3A, %mul3A_318 : i32
          %add3A_320 = arith.constant 21 : i32
          %add3A_321 = arith.addi %mul3A_319, %add3A_320 : i32
          %get3A_322 = arith.index_cast %add3A_321 : i32 to index
          %get3A_323 = arith.index_cast %mul3A_149 : i32 to index
          %get3A_324 = tpu.vector_load %arg8[%get3A_322, %get3A_323] {strides = array<i32>} : memref<128x128xf32, #tpu.memory_space<vmem>>, vector<1x16xf32>,
          %get3A_325 = vector.shape_cast %get3A_324 : vector<1x16xf32> to vector<16xf32>
          %mul3A_326 = arith.constant 32 : i32
          %mul3A_327 = arith.muli %select_n3A, %mul3A_326 : i32
          %add3A_328 = arith.constant 22 : i32
          %add3A_329 = arith.addi %mul3A_327, %add3A_328 : i32
          %get3A_330 = arith.index_cast %add3A_329 : i32 to index
          %get3A_331 = arith.index_cast %mul3A_149 : i32 to index
          %get3A_332 = tpu.vector_load %arg8[%get3A_330, %get3A_331] {strides = array<i32>} : memref<128x128xf32, #tpu.memory_space<vmem>>, vector<1x16xf32>,
          %get3A_333 = vector.shape_cast %get3A_332 : vector<1x16xf32> to vector<16xf32>
          %mul3A_334 = arith.constant 32 : i32
          %mul3A_335 = arith.muli %select_n3A, %mul3A_334 : i32
          %add3A_336 = arith.constant 23 : i32
          %add3A_337 = arith.addi %mul3A_335, %add3A_336 : i32
          %get3A_338 = arith.index_cast %add3A_337 : i32 to index
          %get3A_339 = arith.index_cast %mul3A_149 : i32 to index
          %get3A_340 = tpu.vector_load %arg8[%get3A_338, %get3A_339] {strides = array<i32>} : memref<128x128xf32, #tpu.memory_space<vmem>>, vector<1x16xf32>,
          %get3A_341 = vector.shape_cast %get3A_340 : vector<1x16xf32> to vector<16xf32>
          %mul3A_342 = arith.constant 32 : i32
          %mul3A_343 = arith.muli %select_n3A, %mul3A_342 : i32
          %add3A_344 = arith.constant 24 : i32
          %add3A_345 = arith.addi %mul3A_343, %add3A_344 : i32
          %get3A_346 = arith.index_cast %add3A_345 : i32 to index
          %get3A_347 = arith.index_cast %mul3A_149 : i32 to index
          %get3A_348 = tpu.vector_load %arg8[%get3A_346, %get3A_347] {strides = array<i32>} : memref<128x128xf32, #tpu.memory_space<vmem>>, vector<1x16xf32>,
          %get3A_349 = vector.shape_cast %get3A_348 : vector<1x16xf32> to vector<16xf32>
          %mul3A_350 = arith.constant 32 : i32
          %mul3A_351 = arith.muli %select_n3A, %mul3A_350 : i32
          %add3A_352 = arith.constant 25 : i32
          %add3A_353 = arith.addi %mul3A_351, %add3A_352 : i32
          %get3A_354 = arith.index_cast %add3A_353 : i32 to index
          %get3A_355 = arith.index_cast %mul3A_149 : i32 to index
          %get3A_356 = tpu.vector_load %arg8[%get3A_354, %get3A_355] {strides = array<i32>} : memref<128x128xf32, #tpu.memory_space<vmem>>, vector<1x16xf32>,
          %get3A_357 = vector.shape_cast %get3A_356 : vector<1x16xf32> to vector<16xf32>
          %mul3A_358 = arith.constant 32 : i32
          %mul3A_359 = arith.muli %select_n3A, %mul3A_358 : i32
          %add3A_360 = arith.constant 26 : i32
          %add3A_361 = arith.addi %mul3A_359, %add3A_360 : i32
          %get3A_362 = arith.index_cast %add3A_361 : i32 to index
          %get3A_363 = arith.index_cast %mul3A_149 : i32 to index
          %get3A_364 = tpu.vector_load %arg8[%get3A_362, %get3A_363] {strides = array<i32>} : memref<128x128xf32, #tpu.memory_space<vmem>>, vector<1x16xf32>,
          %get3A_365 = vector.shape_cast %get3A_364 : vector<1x16xf32> to vector<16xf32>
          %mul3A_366 = arith.constant 32 : i32
          %mul3A_367 = arith.muli %select_n3A, %mul3A_366 : i32
          %add3A_368 = arith.constant 27 : i32
          %add3A_369 = arith.addi %mul3A_367, %add3A_368 : i32
          %get3A_370 = arith.index_cast %add3A_369 : i32 to index
          %get3A_371 = arith.index_cast %mul3A_149 : i32 to index
          %get3A_372 = tpu.vector_load %arg8[%get3A_370, %get3A_371] {strides = array<i32>} : memref<128x128xf32, #tpu.memory_space<vmem>>, vector<1x16xf32>,
          %get3A_373 = vector.shape_cast %get3A_372 : vector<1x16xf32> to vector<16xf32>
          %mul3A_374 = arith.constant 32 : i32
          %mul3A_375 = arith.muli %select_n3A, %mul3A_374 : i32
          %add3A_376 = arith.constant 28 : i32
          %add3A_377 = arith.addi %mul3A_375, %add3A_376 : i32
          %get3A_378 = arith.index_cast %add3A_377 : i32 to index
          %get3A_379 = arith.index_cast %mul3A_149 : i32 to index
          %get3A_380 = tpu.vector_load %arg8[%get3A_378, %get3A_379] {strides = array<i32>} : memref<128x128xf32, #tpu.memory_space<vmem>>, vector<1x16xf32>,
          %get3A_381 = vector.shape_cast %get3A_380 : vector<1x16xf32> to vector<16xf32>
          %mul3A_382 = arith.constant 32 : i32
          %mul3A_383 = arith.muli %select_n3A, %mul3A_382 : i32
          %add3A_384 = arith.constant 29 : i32
          %add3A_385 = arith.addi %mul3A_383, %add3A_384 : i32
          %get3A_386 = arith.index_cast %add3A_385 : i32 to index
          %get3A_387 = arith.index_cast %mul3A_149 : i32 to index
          %get3A_388 = tpu.vector_load %arg8[%get3A_386, %get3A_387] {strides = array<i32>} : memref<128x128xf32, #tpu.memory_space<vmem>>, vector<1x16xf32>,
          %get3A_389 = vector.shape_cast %get3A_388 : vector<1x16xf32> to vector<16xf32>
          %mul3A_390 = arith.constant 32 : i32
          %mul3A_391 = arith.muli %select_n3A, %mul3A_390 : i32
          %add3A_392 = arith.constant 30 : i32
          %add3A_393 = arith.addi %mul3A_391, %add3A_392 : i32
          %get3A_394 = arith.index_cast %add3A_393 : i32 to index
          %get3A_395 = arith.index_cast %mul3A_149 : i32 to index
          %get3A_396 = tpu.vector_load %arg8[%get3A_394, %get3A_395] {strides = array<i32>} : memref<128x128xf32, #tpu.memory_space<vmem>>, vector<1x16xf32>,
          %get3A_397 = vector.shape_cast %get3A_396 : vector<1x16xf32> to vector<16xf32>
          %mul3A_398 = arith.constant 32 : i32
          %mul3A_399 = arith.muli %select_n3A, %mul3A_398 : i32
          %add3A_400 = arith.constant 31 : i32
          %add3A_401 = arith.addi %mul3A_399, %add3A_400 : i32
          %get3A_402 = arith.index_cast %add3A_401 : i32 to index
          %get3A_403 = arith.index_cast %mul3A_149 : i32 to index
          %get3A_404 = tpu.vector_load %arg8[%get3A_402, %get3A_403] {strides = array<i32>} : memref<128x128xf32, #tpu.memory_space<vmem>>, vector<1x16xf32>,
          %get3A_405 = vector.shape_cast %get3A_404 : vector<1x16xf32> to vector<16xf32>
          %min3A = arith.minimumf %get3A_157, %get3A_165 : vector<16xf32>
          %max3A = arith.maximumf %get3A_157, %get3A_165 : vector<16xf32>
          %min3A_406 = arith.minimumf %get3A_173, %get3A_181 : vector<16xf32>
          %max3A_407 = arith.maximumf %get3A_173, %get3A_181 : vector<16xf32>
          %min3A_408 = arith.minimumf %min3A, %min3A_406 : vector<16xf32>
          %max3A_409 = arith.maximumf %min3A, %min3A_406 : vector<16xf32>
          %min3A_410 = arith.minimumf %max3A, %max3A_407 : vector<16xf32>
          %max3A_411 = arith.maximumf %max3A, %max3A_407 : vector<16xf32>
          %min3A_412 = arith.minimumf %min3A_410, %max3A_409 : vector<16xf32>
          %max3A_413 = arith.maximumf %min3A_410, %max3A_409 : vector<16xf32>
          %min3A_414 = arith.minimumf %get3A_189, %get3A_197 : vector<16xf32>
          %max3A_415 = arith.maximumf %get3A_189, %get3A_197 : vector<16xf32>
          %min3A_416 = arith.minimumf %get3A_205, %get3A_213 : vector<16xf32>
          %max3A_417 = arith.maximumf %get3A_205, %get3A_213 : vector<16xf32>
          %min3A_418 = arith.minimumf %min3A_414, %min3A_416 : vector<16xf32>
          %max3A_419 = arith.maximumf %min3A_414, %min3A_416 : vector<16xf32>
          %min3A_420 = arith.minimumf %max3A_415, %max3A_417 : vector<16xf32>
          %max3A_421 = arith.maximumf %max3A_415, %max3A_417 : vector<16xf32>
          %min3A_422 = arith.minimumf %min3A_420, %max3A_419 : vector<16xf32>
          %max3A_423 = arith.maximumf %min3A_420, %max3A_419 : vector<16xf32>
          %min3A_424 = arith.minimumf %min3A_408, %min3A_418 : vector<16xf32>
          %max3A_425 = arith.maximumf %min3A_408, %min3A_418 : vector<16xf32>
          %min3A_426 = arith.minimumf %max3A_413, %max3A_423 : vector<16xf32>
          %max3A_427 = arith.maximumf %max3A_413, %max3A_423 : vector<16xf32>
          %min3A_428 = arith.minimumf %min3A_426, %max3A_425 : vector<16xf32>
          %max3A_429 = arith.maximumf %min3A_426, %max3A_425 : vector<16xf32>
          %min3A_430 = arith.minimumf %min3A_412, %min3A_422 : vector<16xf32>
          %max3A_431 = arith.maximumf %min3A_412, %min3A_422 : vector<16xf32>
          %min3A_432 = arith.minimumf %max3A_411, %max3A_421 : vector<16xf32>
          %max3A_433 = arith.maximumf %max3A_411, %max3A_421 : vector<16xf32>
          %min3A_434 = arith.minimumf %min3A_432, %max3A_431 : vector<16xf32>
          %max3A_435 = arith.maximumf %min3A_432, %max3A_431 : vector<16xf32>
          %min3A_436 = arith.minimumf %min3A_430, %min3A_428 : vector<16xf32>
          %max3A_437 = arith.maximumf %min3A_430, %min3A_428 : vector<16xf32>
          %min3A_438 = arith.minimumf %min3A_434, %max3A_429 : vector<16xf32>
          %max3A_439 = arith.maximumf %min3A_434, %max3A_429 : vector<16xf32>
          %min3A_440 = arith.minimumf %max3A_435, %max3A_427 : vector<16xf32>
          %max3A_441 = arith.maximumf %max3A_435, %max3A_427 : vector<16xf32>
          %min3A_442 = arith.minimumf %get3A_221, %get3A_229 : vector<16xf32>
          %max3A_443 = arith.maximumf %get3A_221, %get3A_229 : vector<16xf32>
          %min3A_444 = arith.minimumf %get3A_237, %get3A_245 : vector<16xf32>
          %max3A_445 = arith.maximumf %get3A_237, %get3A_245 : vector<16xf32>
          %min3A_446 = arith.minimumf %min3A_442, %min3A_444 : vector<16xf32>
          %max3A_447 = arith.maximumf %min3A_442, %min3A_444 : vector<16xf32>
          %min3A_448 = arith.minimumf %max3A_443, %max3A_445 : vector<16xf32>
          %max3A_449 = arith.maximumf %max3A_443, %max3A_445 : vector<16xf32>
          %min3A_450 = arith.minimumf %min3A_448, %max3A_447 : vector<16xf32>
          %max3A_451 = arith.maximumf %min3A_448, %max3A_447 : vector<16xf32>
          %min3A_452 = arith.minimumf %get3A_253, %get3A_261 : vector<16xf32>
          %max3A_453 = arith.maximumf %get3A_253, %get3A_261 : vector<16xf32>
          %min3A_454 = arith.minimumf %get3A_269, %get3A_277 : vector<16xf32>
          %max3A_455 = arith.maximumf %get3A_269, %get3A_277 : vector<16xf32>
          %min3A_456 = arith.minimumf %min3A_452, %min3A_454 : vector<16xf32>
          %max3A_457 = arith.maximumf %min3A_452, %min3A_454 : vector<16xf32>
          %min3A_458 = arith.minimumf %max3A_453, %max3A_455 : vector<16xf32>
          %max3A_459 = arith.maximumf %max3A_453, %max3A_455 : vector<16xf32>
          %min3A_460 = arith.minimumf %min3A_458, %max3A_457 : vector<16xf32>
          %max3A_461 = arith.maximumf %min3A_458, %max3A_457 : vector<16xf32>
          %min3A_462 = arith.minimumf %min3A_446, %min3A_456 : vector<16xf32>
          %max3A_463 = arith.maximumf %min3A_446, %min3A_456 : vector<16xf32>
          %min3A_464 = arith.minimumf %max3A_451, %max3A_461 : vector<16xf32>
          %max3A_465 = arith.maximumf %max3A_451, %max3A_461 : vector<16xf32>
          %min3A_466 = arith.minimumf %min3A_464, %max3A_463 : vector<16xf32>
          %max3A_467 = arith.maximumf %min3A_464, %max3A_463 : vector<16xf32>
          %min3A_468 = arith.minimumf %min3A_450, %min3A_460 : vector<16xf32>
          %max3A_469 = arith.maximumf %min3A_450, %min3A_460 : vector<16xf32>
          %min3A_470 = arith.minimumf %max3A_449, %max3A_459 : vector<16xf32>
          %max3A_471 = arith.maximumf %max3A_449, %max3A_459 : vector<16xf32>
          %min3A_472 = arith.minimumf %min3A_470, %max3A_469 : vector<16xf32>
          %max3A_473 = arith.maximumf %min3A_470, %max3A_469 : vector<16xf32>
          %min3A_474 = arith.minimumf %min3A_468, %min3A_466 : vector<16xf32>
          %max3A_475 = arith.maximumf %min3A_468, %min3A_466 : vector<16xf32>
          %min3A_476 = arith.minimumf %min3A_472, %max3A_467 : vector<16xf32>
          %max3A_477 = arith.maximumf %min3A_472, %max3A_467 : vector<16xf32>
          %min3A_478 = arith.minimumf %max3A_473, %max3A_465 : vector<16xf32>
          %max3A_479 = arith.maximumf %max3A_473, %max3A_465 : vector<16xf32>
          %min3A_480 = arith.minimumf %min3A_424, %min3A_462 : vector<16xf32>
          %max3A_481 = arith.maximumf %min3A_424, %min3A_462 : vector<16xf32>
          %min3A_482 = arith.minimumf %max3A_439, %max3A_477 : vector<16xf32>
          %max3A_483 = arith.maximumf %max3A_439, %max3A_477 : vector<16xf32>
          %min3A_484 = arith.minimumf %min3A_482, %max3A_481 : vector<16xf32>
          %max3A_485 = arith.maximumf %min3A_482, %max3A_481 : vector<16xf32>
          %min3A_486 = arith.minimumf %max3A_437, %max3A_475 : vector<16xf32>
          %max3A_487 = arith.maximumf %max3A_437, %max3A_475 : vector<16xf32>
          %min3A_488 = arith.minimumf %max3A_441, %max3A_479 : vector<16xf32>
          %max3A_489 = arith.maximumf %max3A_441, %max3A_479 : vector<16xf32>
          %min3A_490 = arith.minimumf %min3A_488, %max3A_487 : vector<16xf32>
          %max3A_491 = arith.maximumf %min3A_488, %max3A_487 : vector<16xf32>
          %min3A_492 = arith.minimumf %min3A_486, %min3A_484 : vector<16xf32>
          %max3A_493 = arith.maximumf %min3A_486, %min3A_484 : vector<16xf32>
          %min3A_494 = arith.minimumf %min3A_490, %max3A_485 : vector<16xf32>
          %max3A_495 = arith.maximumf %min3A_490, %max3A_485 : vector<16xf32>
          %min3A_496 = arith.minimumf %max3A_491, %max3A_483 : vector<16xf32>
          %max3A_497 = arith.maximumf %max3A_491, %max3A_483 : vector<16xf32>
          %min3A_498 = arith.minimumf %min3A_436, %min3A_474 : vector<16xf32>
          %max3A_499 = arith.maximumf %min3A_436, %min3A_474 : vector<16xf32>
          %min3A_500 = arith.minimumf %min3A_440, %min3A_478 : vector<16xf32>
          %max3A_501 = arith.maximumf %min3A_440, %min3A_478 : vector<16xf32>
          %min3A_502 = arith.minimumf %min3A_500, %max3A_499 : vector<16xf32>
          %max3A_503 = arith.maximumf %min3A_500, %max3A_499 : vector<16xf32>
          %min3A_504 = arith.minimumf %min3A_438, %min3A_476 : vector<16xf32>
          %max3A_505 = arith.maximumf %min3A_438, %min3A_476 : vector<16xf32>
          %min3A_506 = arith.minimumf %max3A_433, %max3A_471 : vector<16xf32>
          %max3A_507 = arith.maximumf %max3A_433, %max3A_471 : vector<16xf32>
          %min3A_508 = arith.minimumf %min3A_506, %max3A_505 : vector<16xf32>
          %max3A_509 = arith.maximumf %min3A_506, %max3A_505 : vector<16xf32>
          %min3A_510 = arith.minimumf %min3A_504, %min3A_502 : vector<16xf32>
          %max3A_511 = arith.maximumf %min3A_504, %min3A_502 : vector<16xf32>
          %min3A_512 = arith.minimumf %min3A_508, %max3A_503 : vector<16xf32>
          %max3A_513 = arith.maximumf %min3A_508, %max3A_503 : vector<16xf32>
          %min3A_514 = arith.minimumf %max3A_509, %max3A_501 : vector<16xf32>
          %max3A_515 = arith.maximumf %max3A_509, %max3A_501 : vector<16xf32>
          %min3A_516 = arith.minimumf %min3A_498, %min3A_492 : vector<16xf32>
          %max3A_517 = arith.maximumf %min3A_498, %min3A_492 : vector<16xf32>
          %min3A_518 = arith.minimumf %min3A_510, %max3A_493 : vector<16xf32>
          %max3A_519 = arith.maximumf %min3A_510, %max3A_493 : vector<16xf32>
          %min3A_520 = arith.minimumf %max3A_511, %min3A_494 : vector<16xf32>
          %max3A_521 = arith.maximumf %max3A_511, %min3A_494 : vector<16xf32>
          %min3A_522 = arith.minimumf %min3A_512, %max3A_495 : vector<16xf32>
          %max3A_523 = arith.maximumf %min3A_512, %max3A_495 : vector<16xf32>
          %min3A_524 = arith.minimumf %max3A_513, %min3A_496 : vector<16xf32>
          %max3A_525 = arith.maximumf %max3A_513, %min3A_496 : vector<16xf32>
          %min3A_526 = arith.minimumf %min3A_514, %max3A_497 : vector<16xf32>
          %max3A_527 = arith.maximumf %min3A_514, %max3A_497 : vector<16xf32>
          %min3A_528 = arith.minimumf %max3A_515, %max3A_489 : vector<16xf32>
          %max3A_529 = arith.maximumf %max3A_515, %max3A_489 : vector<16xf32>
          %min3A_530 = arith.minimumf %get3A_285, %get3A_293 : vector<16xf32>
          %max3A_531 = arith.maximumf %get3A_285, %get3A_293 : vector<16xf32>
          %min3A_532 = arith.minimumf %get3A_301, %get3A_309 : vector<16xf32>
          %max3A_533 = arith.maximumf %get3A_301, %get3A_309 : vector<16xf32>
          %min3A_534 = arith.minimumf %min3A_530, %min3A_532 : vector<16xf32>
          %max3A_535 = arith.maximumf %min3A_530, %min3A_532 : vector<16xf32>
          %min3A_536 = arith.minimumf %max3A_531, %max3A_533 : vector<16xf32>
          %max3A_537 = arith.maximumf %max3A_531, %max3A_533 : vector<16xf32>
          %min3A_538 = arith.minimumf %min3A_536, %max3A_535 : vector<16xf32>
          %max3A_539 = arith.maximumf %min3A_536, %max3A_535 : vector<16xf32>
          %min3A_540 = arith.minimumf %get3A_317, %get3A_325 : vector<16xf32>
          %max3A_541 = arith.maximumf %get3A_317, %get3A_325 : vector<16xf32>
          %min3A_542 = arith.minimumf %get3A_333, %get3A_341 : vector<16xf32>
          %max3A_543 = arith.maximumf %get3A_333, %get3A_341 : vector<16xf32>
          %min3A_544 = arith.minimumf %min3A_540, %min3A_542 : vector<16xf32>
          %max3A_545 = arith.maximumf %min3A_540, %min3A_542 : vector<16xf32>
          %min3A_546 = arith.minimumf %max3A_541, %max3A_543 : vector<16xf32>
          %max3A_547 = arith.maximumf %max3A_541, %max3A_543 : vector<16xf32>
          %min3A_548 = arith.minimumf %min3A_546, %max3A_545 : vector<16xf32>
          %max3A_549 = arith.maximumf %min3A_546, %max3A_545 : vector<16xf32>
          %min3A_550 = arith.minimumf %min3A_534, %min3A_544 : vector<16xf32>
          %max3A_551 = arith.maximumf %min3A_534, %min3A_544 : vector<16xf32>
          %min3A_552 = arith.minimumf %max3A_539, %max3A_549 : vector<16xf32>
          %max3A_553 = arith.maximumf %max3A_539, %max3A_549 : vector<16xf32>
          %min3A_554 = arith.minimumf %min3A_552, %max3A_551 : vector<16xf32>
          %max3A_555 = arith.maximumf %min3A_552, %max3A_551 : vector<16xf32>
          %min3A_556 = arith.minimumf %min3A_538, %min3A_548 : vector<16xf32>
          %max3A_557 = arith.maximumf %min3A_538, %min3A_548 : vector<16xf32>
          %min3A_558 = arith.minimumf %max3A_537, %max3A_547 : vector<16xf32>
          %max3A_559 = arith.maximumf %max3A_537, %max3A_547 : vector<16xf32>
          %min3A_560 = arith.minimumf %min3A_558, %max3A_557 : vector<16xf32>
          %max3A_561 = arith.maximumf %min3A_558, %max3A_557 : vector<16xf32>
          %min3A_562 = arith.minimumf %min3A_556, %min3A_554 : vector<16xf32>
          %max3A_563 = arith.maximumf %min3A_556, %min3A_554 : vector<16xf32>
          %min3A_564 = arith.minimumf %min3A_560, %max3A_555 : vector<16xf32>
          %max3A_565 = arith.maximumf %min3A_560, %max3A_555 : vector<16xf32>
          %min3A_566 = arith.minimumf %max3A_561, %max3A_553 : vector<16xf32>
          %max3A_567 = arith.maximumf %max3A_561, %max3A_553 : vector<16xf32>
          %min3A_568 = arith.minimumf %get3A_349, %get3A_357 : vector<16xf32>
          %max3A_569 = arith.maximumf %get3A_349, %get3A_357 : vector<16xf32>
          %min3A_570 = arith.minimumf %get3A_365, %get3A_373 : vector<16xf32>
          %max3A_571 = arith.maximumf %get3A_365, %get3A_373 : vector<16xf32>
          %min3A_572 = arith.minimumf %min3A_568, %min3A_570 : vector<16xf32>
          %max3A_573 = arith.maximumf %min3A_568, %min3A_570 : vector<16xf32>
          %min3A_574 = arith.minimumf %max3A_569, %max3A_571 : vector<16xf32>
          %max3A_575 = arith.maximumf %max3A_569, %max3A_571 : vector<16xf32>
          %min3A_576 = arith.minimumf %min3A_574, %max3A_573 : vector<16xf32>
          %max3A_577 = arith.maximumf %min3A_574, %max3A_573 : vector<16xf32>
          %min3A_578 = arith.minimumf %get3A_381, %get3A_389 : vector<16xf32>
          %max3A_579 = arith.maximumf %get3A_381, %get3A_389 : vector<16xf32>
          %min3A_580 = arith.minimumf %get3A_397, %get3A_405 : vector<16xf32>
          %max3A_581 = arith.maximumf %get3A_397, %get3A_405 : vector<16xf32>
          %min3A_582 = arith.minimumf %min3A_578, %min3A_580 : vector<16xf32>
          %max3A_583 = arith.maximumf %min3A_578, %min3A_580 : vector<16xf32>
          %min3A_584 = arith.minimumf %max3A_579, %max3A_581 : vector<16xf32>
          %max3A_585 = arith.maximumf %max3A_579, %max3A_581 : vector<16xf32>
          %min3A_586 = arith.minimumf %min3A_584, %max3A_583 : vector<16xf32>
          %max3A_587 = arith.maximumf %min3A_584, %max3A_583 : vector<16xf32>
          %min3A_588 = arith.minimumf %min3A_572, %min3A_582 : vector<16xf32>
          %max3A_589 = arith.maximumf %min3A_572, %min3A_582 : vector<16xf32>
          %min3A_590 = arith.minimumf %max3A_577, %max3A_587 : vector<16xf32>
          %max3A_591 = arith.maximumf %max3A_577, %max3A_587 : vector<16xf32>
          %min3A_592 = arith.minimumf %min3A_590, %max3A_589 : vector<16xf32>
          %max3A_593 = arith.maximumf %min3A_590, %max3A_589 : vector<16xf32>
          %min3A_594 = arith.minimumf %min3A_576, %min3A_586 : vector<16xf32>
          %max3A_595 = arith.maximumf %min3A_576, %min3A_586 : vector<16xf32>
          %min3A_596 = arith.minimumf %max3A_575, %max3A_585 : vector<16xf32>
          %max3A_597 = arith.maximumf %max3A_575, %max3A_585 : vector<16xf32>
          %min3A_598 = arith.minimumf %min3A_596, %max3A_595 : vector<16xf32>
          %max3A_599 = arith.maximumf %min3A_596, %max3A_595 : vector<16xf32>
          %min3A_600 = arith.minimumf %min3A_594, %min3A_592 : vector<16xf32>
          %max3A_601 = arith.maximumf %min3A_594, %min3A_592 : vector<16xf32>
          %min3A_602 = arith.minimumf %min3A_598, %max3A_593 : vector<16xf32>
          %max3A_603 = arith.maximumf %min3A_598, %max3A_593 : vector<16xf32>
          %min3A_604 = arith.minimumf %max3A_599, %max3A_591 : vector<16xf32>
          %max3A_605 = arith.maximumf %max3A_599, %max3A_591 : vector<16xf32>
          %min3A_606 = arith.minimumf %min3A_550, %min3A_588 : vector<16xf32>
          %max3A_607 = arith.maximumf %min3A_550, %min3A_588 : vector<16xf32>
          %min3A_608 = arith.minimumf %max3A_565, %max3A_603 : vector<16xf32>
          %max3A_609 = arith.maximumf %max3A_565, %max3A_603 : vector<16xf32>
          %min3A_610 = arith.minimumf %min3A_608, %max3A_607 : vector<16xf32>
          %max3A_611 = arith.maximumf %min3A_608, %max3A_607 : vector<16xf32>
          %min3A_612 = arith.minimumf %max3A_563, %max3A_601 : vector<16xf32>
          %max3A_613 = arith.maximumf %max3A_563, %max3A_601 : vector<16xf32>
          %min3A_614 = arith.minimumf %max3A_567, %max3A_605 : vector<16xf32>
          %max3A_615 = arith.maximumf %max3A_567, %max3A_605 : vector<16xf32>
          %min3A_616 = arith.minimumf %min3A_614, %max3A_613 : vector<16xf32>
          %max3A_617 = arith.maximumf %min3A_614, %max3A_613 : vector<16xf32>
          %min3A_618 = arith.minimumf %min3A_612, %min3A_610 : vector<16xf32>
          %max3A_619 = arith.maximumf %min3A_612, %min3A_610 : vector<16xf32>
          %min3A_620 = arith.minimumf %min3A_616, %max3A_611 : vector<16xf32>
          %max3A_621 = arith.maximumf %min3A_616, %max3A_611 : vector<16xf32>
          %min3A_622 = arith.minimumf %max3A_617, %max3A_609 : vector<16xf32>
          %max3A_623 = arith.maximumf %max3A_617, %max3A_609 : vector<16xf32>
          %min3A_624 = arith.minimumf %min3A_562, %min3A_600 : vector<16xf32>
          %max3A_625 = arith.maximumf %min3A_562, %min3A_600 : vector<16xf32>
          %min3A_626 = arith.minimumf %min3A_566, %min3A_604 : vector<16xf32>
          %max3A_627 = arith.maximumf %min3A_566, %min3A_604 : vector<16xf32>
          %min3A_628 = arith.minimumf %min3A_626, %max3A_625 : vector<16xf32>
          %max3A_629 = arith.maximumf %min3A_626, %max3A_625 : vector<16xf32>
          %min3A_630 = arith.minimumf %min3A_564, %min3A_602 : vector<16xf32>
          %max3A_631 = arith.maximumf %min3A_564, %min3A_602 : vector<16xf32>
          %min3A_632 = arith.minimumf %max3A_559, %max3A_597 : vector<16xf32>
          %max3A_633 = arith.maximumf %max3A_559, %max3A_597 : vector<16xf32>
          %min3A_634 = arith.minimumf %min3A_632, %max3A_631 : vector<16xf32>
          %max3A_635 = arith.maximumf %min3A_632, %max3A_631 : vector<16xf32>
          %min3A_636 = arith.minimumf %min3A_630, %min3A_628 : vector<16xf32>
          %max3A_637 = arith.maximumf %min3A_630, %min3A_628 : vector<16xf32>
          %min3A_638 = arith.minimumf %min3A_634, %max3A_629 : vector<16xf32>
          %max3A_639 = arith.maximumf %min3A_634, %max3A_629 : vector<16xf32>
          %min3A_640 = arith.minimumf %max3A_635, %max3A_627 : vector<16xf32>
          %max3A_641 = arith.maximumf %max3A_635, %max3A_627 : vector<16xf32>
          %min3A_642 = arith.minimumf %min3A_624, %min3A_618 : vector<16xf32>
          %max3A_643 = arith.maximumf %min3A_624, %min3A_618 : vector<16xf32>
          %min3A_644 = arith.minimumf %min3A_636, %max3A_619 : vector<16xf32>
          %max3A_645 = arith.maximumf %min3A_636, %max3A_619 : vector<16xf32>
          %min3A_646 = arith.minimumf %max3A_637, %min3A_620 : vector<16xf32>
          %max3A_647 = arith.maximumf %max3A_637, %min3A_620 : vector<16xf32>
          %min3A_648 = arith.minimumf %min3A_638, %max3A_621 : vector<16xf32>
          %max3A_649 = arith.maximumf %min3A_638, %max3A_621 : vector<16xf32>
          %min3A_650 = arith.minimumf %max3A_639, %min3A_622 : vector<16xf32>
          %max3A_651 = arith.maximumf %max3A_639, %min3A_622 : vector<16xf32>
          %min3A_652 = arith.minimumf %min3A_640, %max3A_623 : vector<16xf32>
          %max3A_653 = arith.maximumf %min3A_640, %max3A_623 : vector<16xf32>
          %min3A_654 = arith.minimumf %max3A_641, %max3A_615 : vector<16xf32>
          %max3A_655 = arith.maximumf %max3A_641, %max3A_615 : vector<16xf32>
          %max3A_656 = arith.maximumf %min3A_480, %min3A_606 : vector<16xf32>
          %min3A_657 = arith.minimumf %max3A_523, %max3A_649 : vector<16xf32>
          %max3A_658 = arith.maximumf %max3A_523, %max3A_649 : vector<16xf32>
          %max3A_659 = arith.maximumf %min3A_657, %max3A_656 : vector<16xf32>
          %max3A_660 = arith.maximumf %max3A_519, %max3A_645 : vector<16xf32>
          %min3A_661 = arith.minimumf %max3A_527, %max3A_653 : vector<16xf32>
          %min3A_662 = arith.minimumf %min3A_661, %max3A_660 : vector<16xf32>
          %max3A_663 = arith.maximumf %min3A_661, %max3A_660 : vector<16xf32>
          %max3A_664 = arith.maximumf %min3A_662, %max3A_659 : vector<16xf32>
          %min3A_665 = arith.minimumf %max3A_663, %max3A_658 : vector<16xf32>
          %max3A_666 = arith.maximumf %max3A_517, %max3A_643 : vector<16xf32>
          %min3A_667 = arith.minimumf %max3A_525, %max3A_651 : vector<16xf32>
          %max3A_668 = arith.maximumf %min3A_667, %max3A_666 : vector<16xf32>
          %max3A_669 = arith.maximumf %max3A_521, %max3A_647 : vector<16xf32>
          %min3A_670 = arith.minimumf %max3A_529, %max3A_655 : vector<16xf32>
          %min3A_671 = arith.minimumf %min3A_670, %max3A_669 : vector<16xf32>
          %min3A_672 = arith.minimumf %min3A_671, %max3A_668 : vector<16xf32>
          %max3A_673 = arith.maximumf %min3A_671, %max3A_668 : vector<16xf32>
          %min3A_674 = arith.minimumf %min3A_672, %max3A_664 : vector<16xf32>
          %max3A_675 = arith.maximumf %min3A_672, %max3A_664 : vector<16xf32>
          %min3A_676 = arith.minimumf %max3A_673, %min3A_665 : vector<16xf32>
          %max3A_677 = arith.maximumf %min3A_516, %min3A_642 : vector<16xf32>
          %min3A_678 = arith.minimumf %min3A_524, %min3A_650 : vector<16xf32>
          %max3A_679 = arith.maximumf %min3A_678, %max3A_677 : vector<16xf32>
          %max3A_680 = arith.maximumf %min3A_520, %min3A_646 : vector<16xf32>
          %min3A_681 = arith.minimumf %min3A_528, %min3A_654 : vector<16xf32>
          %min3A_682 = arith.minimumf %min3A_681, %max3A_680 : vector<16xf32>
          %min3A_683 = arith.minimumf %min3A_682, %max3A_679 : vector<16xf32>
          %max3A_684 = arith.maximumf %min3A_682, %max3A_679 : vector<16xf32>
          %max3A_685 = arith.maximumf %min3A_518, %min3A_644 : vector<16xf32>
          %min3A_686 = arith.minimumf %min3A_526, %min3A_652 : vector<16xf32>
          %min3A_687 = arith.minimumf %min3A_686, %max3A_685 : vector<16xf32>
          %max3A_688 = arith.maximumf %min3A_686, %max3A_685 : vector<16xf32>
          %min3A_689 = arith.minimumf %min3A_522, %min3A_648 : vector<16xf32>
          %max3A_690 = arith.maximumf %min3A_522, %min3A_648 : vector<16xf32>
          %min3A_691 = arith.minimumf %max3A_507, %max3A_633 : vector<16xf32>
          %min3A_692 = arith.minimumf %min3A_691, %max3A_690 : vector<16xf32>
          %max3A_693 = arith.maximumf %min3A_689, %min3A_687 : vector<16xf32>
          %min3A_694 = arith.minimumf %min3A_692, %max3A_688 : vector<16xf32>
          %max3A_695 = arith.maximumf %max3A_693, %min3A_683 : vector<16xf32>
          %min3A_696 = arith.minimumf %min3A_694, %max3A_684 : vector<16xf32>
          %max3A_697 = arith.maximumf %min3A_694, %max3A_684 : vector<16xf32>
          %max3A_698 = arith.maximumf %max3A_695, %min3A_674 : vector<16xf32>
          %min3A_699 = arith.minimumf %max3A_697, %min3A_676 : vector<16xf32>
          %add3A_700 = arith.addf %max3A_698, %min3A_696 : vector<16xf32>
          %add3A_701 = arith.addf %add3A_700, %max3A_675 : vector<16xf32>
          %add3A_702 = arith.addf %add3A_701, %min3A_699 : vector<16xf32>
          %mul3A_703 = arith.constant 2.500000e-01 : f32
          %mul3A_704 = vector.broadcast %mul3A_703 : f32 to vector<16xf32>
          %mul3A_705 = arith.mulf %add3A_702, %mul3A_704 : vector<16xf32>
          %mul3A_706 = arith.constant 4 : i32
          %mul3A_707 = arith.muli %add3A_76, %mul3A_706 : i32
          %add3A_708 = arith.addi %mul3A_707, %select_n3A : i32
          %swap3A_709 = arith.index_cast %add3A_708 : i32 to index
          %swap3A_710 = arith.index_cast %mul3A_149 : i32 to index
          %swap3A_711 = tpu.vector_load %arg10[%swap3A_709, %swap3A_710] {strides = array<i32>} : memref<320x128xf32, #tpu.memory_space<vmem>>, vector<1x16xf32>,
          %swap3A_712 = vector.shape_cast %swap3A_711 : vector<1x16xf32> to vector<16xf32>
          %swap3A_713 = vector.shape_cast %mul3A_705 : vector<16xf32> to vector<1x16xf32>
          tpu.vector_store %arg10[%swap3A_709, %swap3A_710], %swap3A_713 {strides = array<i32>} : memref<320x128xf32, #tpu.memory_space<vmem>>, vector<1x16xf32>,
        }
        %scan3A_91 = arith.constant 32 : i32
        %mul3A_92 = arith.constant 2 : i32
        %mul3A_93 = arith.muli %scan3A_72, %mul3A_92 : i32
        %add3A_94 = arith.constant 1 : i32
        %add3A_95 = arith.addi %mul3A_93, %add3A_94 : i32
        %add3A_96 = arith.constant 2 : i32
        %add3A_97 = arith.addi %add3A_95, %add3A_96 : i32
        %sub3A_98 = arith.constant 1 : i32
        %sub3A_99 = arith.subi %add3A_97, %sub3A_98 : i32
        %lt3A_100 = arith.constant 80 : i32
        %lt3A_101 = arith.cmpi slt, %sub3A_99, %lt3A_100 : i32
        %convert_element_type3A_102 = arith.extui %lt3A_101 : i1 to i32
        %cond3A_103 = arith.constant 0 : i32
        %cond3A_104 = arith.cmpi ne, %convert_element_type3A_102, %cond3A_103 : i32
        scf.if %cond3A_104 {
          %add3A_114 = arith.constant 2 : i32
          %add3A_115 = arith.addi %add3A_95, %add3A_114 : i32
          %sub3A_116 = arith.constant 1 : i32
          %sub3A_117 = arith.subi %add3A_115, %sub3A_116 : i32
          %mul3A_118 = arith.constant 128 : i32
          %mul3A_119 = arith.muli %sub3A_117, %mul3A_118 : i32
          %add3A_120 = arith.constant 0 : i32
          %add3A_121 = arith.addi %mul3A_119, %add3A_120 : i32
          %get3A_122 = arith.index_cast %add3A_121 : i32 to index
          %get3A_123 = tpu.vector_load %arg5[%get3A_122] {strides = array<i32>} : memref<10240xi32, #tpu.memory_space<vmem>>, vector<16xi32>,
          %get3A_124 = vector.shape_cast %get3A_123 : vector<16xi32> to vector<16xi32>
          %swap3A_125 = arith.constant 0 : index
          %swap3A_126 = tpu.vector_load %arg6[%swap3A_125] {strides = array<i32>} : memref<128xi32, #tpu.memory_space<vmem>>, vector<16xi32>,
          %swap3A_127 = vector.shape_cast %swap3A_126 : vector<16xi32> to vector<16xi32>
          %swap3A_128 = vector.shape_cast %get3A_124 : vector<16xi32> to vector<16xi32>
          tpu.vector_store %arg6[%swap3A_125], %swap3A_128 {strides = array<i32>} : memref<128xi32, #tpu.memory_space<vmem>>, vector<16xi32>,
          %mul3A_129 = arith.constant 128 : i32
          %mul3A_130 = arith.muli %sub3A_117, %mul3A_129 : i32
          %add3A_131 = arith.constant 16 : i32
          %add3A_132 = arith.addi %mul3A_130, %add3A_131 : i32
          %get3A_133 = arith.index_cast %add3A_132 : i32 to index
          %get3A_134 = tpu.vector_load %arg5[%get3A_133] {strides = array<i32>} : memref<10240xi32, #tpu.memory_space<vmem>>, vector<16xi32>,
          %get3A_135 = vector.shape_cast %get3A_134 : vector<16xi32> to vector<16xi32>
          %swap3A_136 = arith.constant 16 : index
          %swap3A_137 = tpu.vector_load %arg6[%swap3A_136] {strides = array<i32>} : memref<128xi32, #tpu.memory_space<vmem>>, vector<16xi32>,
          %swap3A_138 = vector.shape_cast %swap3A_137 : vector<16xi32> to vector<16xi32>
          %swap3A_139 = vector.shape_cast %get3A_135 : vector<16xi32> to vector<16xi32>
          tpu.vector_store %arg6[%swap3A_136], %swap3A_139 {strides = array<i32>} : memref<128xi32, #tpu.memory_space<vmem>>, vector<16xi32>,
          %mul3A_140 = arith.constant 128 : i32
          %mul3A_141 = arith.muli %sub3A_117, %mul3A_140 : i32
          %add3A_142 = arith.constant 32 : i32
          %add3A_143 = arith.addi %mul3A_141, %add3A_142 : i32
          %get3A_144 = arith.index_cast %add3A_143 : i32 to index
          %get3A_145 = tpu.vector_load %arg5[%get3A_144] {strides = array<i32>} : memref<10240xi32, #tpu.memory_space<vmem>>, vector<16xi32>,
          %get3A_146 = vector.shape_cast %get3A_145 : vector<16xi32> to vector<16xi32>
          %swap3A_147 = arith.constant 32 : index
          %swap3A_148 = tpu.vector_load %arg6[%swap3A_147] {strides = array<i32>} : memref<128xi32, #tpu.memory_space<vmem>>, vector<16xi32>,
          %swap3A_149 = vector.shape_cast %swap3A_148 : vector<16xi32> to vector<16xi32>
          %swap3A_150 = vector.shape_cast %get3A_146 : vector<16xi32> to vector<16xi32>
          tpu.vector_store %arg6[%swap3A_147], %swap3A_150 {strides = array<i32>} : memref<128xi32, #tpu.memory_space<vmem>>, vector<16xi32>,
          %mul3A_151 = arith.constant 128 : i32
          %mul3A_152 = arith.muli %sub3A_117, %mul3A_151 : i32
          %add3A_153 = arith.constant 48 : i32
          %add3A_154 = arith.addi %mul3A_152, %add3A_153 : i32
          %get3A_155 = arith.index_cast %add3A_154 : i32 to index
          %get3A_156 = tpu.vector_load %arg5[%get3A_155] {strides = array<i32>} : memref<10240xi32, #tpu.memory_space<vmem>>, vector<16xi32>,
          %get3A_157 = vector.shape_cast %get3A_156 : vector<16xi32> to vector<16xi32>
          %swap3A_158 = arith.constant 48 : index
          %swap3A_159 = tpu.vector_load %arg6[%swap3A_158] {strides = array<i32>} : memref<128xi32, #tpu.memory_space<vmem>>, vector<16xi32>,
          %swap3A_160 = vector.shape_cast %swap3A_159 : vector<16xi32> to vector<16xi32>
          %swap3A_161 = vector.shape_cast %get3A_157 : vector<16xi32> to vector<16xi32>
          tpu.vector_store %arg6[%swap3A_158], %swap3A_161 {strides = array<i32>} : memref<128xi32, #tpu.memory_space<vmem>>, vector<16xi32>,
          %mul3A_162 = arith.constant 128 : i32
          %mul3A_163 = arith.muli %sub3A_117, %mul3A_162 : i32
          %add3A_164 = arith.constant 64 : i32
          %add3A_165 = arith.addi %mul3A_163, %add3A_164 : i32
          %get3A_166 = arith.index_cast %add3A_165 : i32 to index
          %get3A_167 = tpu.vector_load %arg5[%get3A_166] {strides = array<i32>} : memref<10240xi32, #tpu.memory_space<vmem>>, vector<16xi32>,
          %get3A_168 = vector.shape_cast %get3A_167 : vector<16xi32> to vector<16xi32>
          %swap3A_169 = arith.constant 64 : index
          %swap3A_170 = tpu.vector_load %arg6[%swap3A_169] {strides = array<i32>} : memref<128xi32, #tpu.memory_space<vmem>>, vector<16xi32>,
          %swap3A_171 = vector.shape_cast %swap3A_170 : vector<16xi32> to vector<16xi32>
          %swap3A_172 = vector.shape_cast %get3A_168 : vector<16xi32> to vector<16xi32>
          tpu.vector_store %arg6[%swap3A_169], %swap3A_172 {strides = array<i32>} : memref<128xi32, #tpu.memory_space<vmem>>, vector<16xi32>,
          %mul3A_173 = arith.constant 128 : i32
          %mul3A_174 = arith.muli %sub3A_117, %mul3A_173 : i32
          %add3A_175 = arith.constant 80 : i32
          %add3A_176 = arith.addi %mul3A_174, %add3A_175 : i32
          %get3A_177 = arith.index_cast %add3A_176 : i32 to index
          %get3A_178 = tpu.vector_load %arg5[%get3A_177] {strides = array<i32>} : memref<10240xi32, #tpu.memory_space<vmem>>, vector<16xi32>,
          %get3A_179 = vector.shape_cast %get3A_178 : vector<16xi32> to vector<16xi32>
          %swap3A_180 = arith.constant 80 : index
          %swap3A_181 = tpu.vector_load %arg6[%swap3A_180] {strides = array<i32>} : memref<128xi32, #tpu.memory_space<vmem>>, vector<16xi32>,
          %swap3A_182 = vector.shape_cast %swap3A_181 : vector<16xi32> to vector<16xi32>
          %swap3A_183 = vector.shape_cast %get3A_179 : vector<16xi32> to vector<16xi32>
          tpu.vector_store %arg6[%swap3A_180], %swap3A_183 {strides = array<i32>} : memref<128xi32, #tpu.memory_space<vmem>>, vector<16xi32>,
          %mul3A_184 = arith.constant 128 : i32
          %mul3A_185 = arith.muli %sub3A_117, %mul3A_184 : i32
          %add3A_186 = arith.constant 96 : i32
          %add3A_187 = arith.addi %mul3A_185, %add3A_186 : i32
          %get3A_188 = arith.index_cast %add3A_187 : i32 to index
          %get3A_189 = tpu.vector_load %arg5[%get3A_188] {strides = array<i32>} : memref<10240xi32, #tpu.memory_space<vmem>>, vector<16xi32>,
          %get3A_190 = vector.shape_cast %get3A_189 : vector<16xi32> to vector<16xi32>
          %swap3A_191 = arith.constant 96 : index
          %swap3A_192 = tpu.vector_load %arg6[%swap3A_191] {strides = array<i32>} : memref<128xi32, #tpu.memory_space<vmem>>, vector<16xi32>,
          %swap3A_193 = vector.shape_cast %swap3A_192 : vector<16xi32> to vector<16xi32>
          %swap3A_194 = vector.shape_cast %get3A_190 : vector<16xi32> to vector<16xi32>
          tpu.vector_store %arg6[%swap3A_191], %swap3A_194 {strides = array<i32>} : memref<128xi32, #tpu.memory_space<vmem>>, vector<16xi32>,
          %mul3A_195 = arith.constant 128 : i32
          %mul3A_196 = arith.muli %sub3A_117, %mul3A_195 : i32
          %add3A_197 = arith.constant 112 : i32
          %add3A_198 = arith.addi %mul3A_196, %add3A_197 : i32
          %get3A_199 = arith.index_cast %add3A_198 : i32 to index
          %get3A_200 = tpu.vector_load %arg5[%get3A_199] {strides = array<i32>} : memref<10240xi32, #tpu.memory_space<vmem>>, vector<16xi32>,
          %get3A_201 = vector.shape_cast %get3A_200 : vector<16xi32> to vector<16xi32>
          %swap3A_202 = arith.constant 112 : index
          %swap3A_203 = tpu.vector_load %arg6[%swap3A_202] {strides = array<i32>} : memref<128xi32, #tpu.memory_space<vmem>>, vector<16xi32>,
          %swap3A_204 = vector.shape_cast %swap3A_203 : vector<16xi32> to vector<16xi32>
          %swap3A_205 = vector.shape_cast %get3A_201 : vector<16xi32> to vector<16xi32>
          tpu.vector_store %arg6[%swap3A_202], %swap3A_205 {strides = array<i32>} : memref<128xi32, #tpu.memory_space<vmem>>, vector<16xi32>,
          %dma_start3A_206 = arith.constant 0 : i32
          %dma_start3A_207 = arith.constant 0 : i32
          %dma_start3A_208 = tpu.memref_slice %arg2[%dma_start3A_206, %dma_start3A_207] : memref<10000x128xf32, #tpu.memory_space<hbm>> -> memref<10000x128xf32, #tpu.memory_space<hbm>>
          tpu.enqueue_indirect_dma source(%dma_start3A_208 : memref<10000x128xf32, #tpu.memory_space<hbm>>) target(%arg8 : memref<128x128xf32, #tpu.memory_space<vmem>>) offsets(%arg6 : memref<128xi32, #tpu.memory_space<vmem>>) semaphore(%arg11 : memref<!tpu.dma_semaphore, #tpu.memory_space<semaphore_mem>>)
        } else {
        }
        %dma_wait3A_105 = arith.constant 0 : i32
        %dma_wait3A_106 = arith.constant 0 : i32
        %dma_wait3A_107 = tpu.memref_slice %arg2[%dma_wait3A_105, %dma_wait3A_106] : memref<10000x128xf32, #tpu.memory_space<hbm>> -> memref<10000x128xf32, #tpu.memory_space<hbm>>
        tpu.wait_indirect_dma semaphore(%arg12 : memref<!tpu.dma_semaphore, #tpu.memory_space<semaphore_mem>>) src(%dma_wait3A_107 : memref<10000x128xf32, #tpu.memory_space<hbm>>) dst(%arg9 : memref<128x128xf32, #tpu.memory_space<vmem>>)
        %scan3A_108 = arith.constant 0 : i32
        %scan3A_109 = arith.constant 0 : i32
        %scan3A_110 = arith.constant 32 : i32
        %scan3A_111 = arith.addi %scan3A_109, %scan3A_110 : i32
        %scan3A_112 = arith.constant 1 : i32
        scf.for %scan3A_114 = %scan3A_109 to %scan3A_111 step %scan3A_112  : i32 {
          %jit3A = arith.constant 8 : i32
          %div3A = arith.divsi %scan3A_114, %jit3A : i32
          %sign3A = arith.constant 0 : i32
          %sign3A_115 = arith.cmpi sgt, %scan3A_114, %sign3A : i32
          %sign3A_116 = arith.extui %sign3A_115 : i1 to i32
          %sign3A_117 = arith.constant 0 : i32
          %sign3A_118 = arith.cmpi slt, %scan3A_114, %sign3A_117 : i32
          %sign3A_119 = arith.extui %sign3A_118 : i1 to i32
          %sign3A_120 = arith.subi %sign3A_116, %sign3A_119 : i32
          %sign3A_121 = arith.constant 0 : i32
          %sign3A_122 = arith.cmpi sgt, %jit3A, %sign3A_121 : i32
          %sign3A_123 = arith.extui %sign3A_122 : i1 to i32
          %sign3A_124 = arith.constant 0 : i32
          %sign3A_125 = arith.cmpi slt, %jit3A, %sign3A_124 : i32
          %sign3A_126 = arith.extui %sign3A_125 : i1 to i32
          %sign3A_127 = arith.subi %sign3A_123, %sign3A_126 : i32
          %ne3A = arith.cmpi ne, %sign3A_120, %sign3A_127 : i32
          %rem3A = arith.remsi %scan3A_114, %jit3A : i32
          %ne3A_128 = arith.constant 0 : i32
          %ne3A_129 = arith.cmpi ne, %rem3A, %ne3A_128 : i32
          %and3A = arith.andi %ne3A, %ne3A_129 : i1
          %sub3A_130 = arith.constant 1 : i32
          %sub3A_131 = arith.subi %div3A, %sub3A_130 : i32
          %select_n3A = arith.select %and3A, %sub3A_131, %div3A : i32
          %jit3A_132 = arith.constant 8 : i32
          %eq3A_133 = arith.constant 0 : i32
          %eq3A_134 = arith.cmpi eq, %jit3A_132, %eq3A_133 : i32
          %jit3A_135 = arith.constant 1 : i32
          %select_n3A_136 = arith.select %eq3A_134, %jit3A_135, %jit3A_132 : i32
          %rem3A_137 = arith.remsi %scan3A_114, %select_n3A_136 : i32
          %ne3A_138 = arith.constant 0 : i32
          %ne3A_139 = arith.cmpi ne, %rem3A_137, %ne3A_138 : i32
          %lt3A_140 = arith.constant 0 : i32
          %lt3A_141 = arith.cmpi slt, %rem3A_137, %lt3A_140 : i32
          %lt3A_142 = arith.constant 0 : i32
          %lt3A_143 = arith.cmpi slt, %select_n3A_136, %lt3A_142 : i32
          %ne3A_144 = arith.xori %lt3A_141, %lt3A_143 : i1
          %and3A_145 = arith.andi %ne3A_144, %ne3A_139 : i1
          %add3A_146 = arith.addi %rem3A_137, %select_n3A_136 : i32
          %select_n3A_147 = arith.select %and3A_145, %add3A_146, %rem3A_137 : i32
          %mul3A_148 = arith.constant 16 : i32
          %mul3A_149 = arith.muli %select_n3A_147, %mul3A_148 : i32
          %mul3A_150 = arith.constant 32 : i32
          %mul3A_151 = arith.muli %select_n3A, %mul3A_150 : i32
          %add3A_152 = arith.constant 0 : i32
          %add3A_153 = arith.addi %mul3A_151, %add3A_152 : i32
          %get3A_154 = arith.index_cast %add3A_153 : i32 to index
          %get3A_155 = arith.index_cast %mul3A_149 : i32 to index
          %get3A_156 = tpu.vector_load %arg9[%get3A_154, %get3A_155] {strides = array<i32>} : memref<128x128xf32, #tpu.memory_space<vmem>>, vector<1x16xf32>,
          %get3A_157 = vector.shape_cast %get3A_156 : vector<1x16xf32> to vector<16xf32>
          %mul3A_158 = arith.constant 32 : i32
          %mul3A_159 = arith.muli %select_n3A, %mul3A_158 : i32
          %add3A_160 = arith.constant 1 : i32
          %add3A_161 = arith.addi %mul3A_159, %add3A_160 : i32
          %get3A_162 = arith.index_cast %add3A_161 : i32 to index
          %get3A_163 = arith.index_cast %mul3A_149 : i32 to index
          %get3A_164 = tpu.vector_load %arg9[%get3A_162, %get3A_163] {strides = array<i32>} : memref<128x128xf32, #tpu.memory_space<vmem>>, vector<1x16xf32>,
          %get3A_165 = vector.shape_cast %get3A_164 : vector<1x16xf32> to vector<16xf32>
          %mul3A_166 = arith.constant 32 : i32
          %mul3A_167 = arith.muli %select_n3A, %mul3A_166 : i32
          %add3A_168 = arith.constant 2 : i32
          %add3A_169 = arith.addi %mul3A_167, %add3A_168 : i32
          %get3A_170 = arith.index_cast %add3A_169 : i32 to index
          %get3A_171 = arith.index_cast %mul3A_149 : i32 to index
          %get3A_172 = tpu.vector_load %arg9[%get3A_170, %get3A_171] {strides = array<i32>} : memref<128x128xf32, #tpu.memory_space<vmem>>, vector<1x16xf32>,
          %get3A_173 = vector.shape_cast %get3A_172 : vector<1x16xf32> to vector<16xf32>
          %mul3A_174 = arith.constant 32 : i32
          %mul3A_175 = arith.muli %select_n3A, %mul3A_174 : i32
          %add3A_176 = arith.constant 3 : i32
          %add3A_177 = arith.addi %mul3A_175, %add3A_176 : i32
          %get3A_178 = arith.index_cast %add3A_177 : i32 to index
          %get3A_179 = arith.index_cast %mul3A_149 : i32 to index
          %get3A_180 = tpu.vector_load %arg9[%get3A_178, %get3A_179] {strides = array<i32>} : memref<128x128xf32, #tpu.memory_space<vmem>>, vector<1x16xf32>,
          %get3A_181 = vector.shape_cast %get3A_180 : vector<1x16xf32> to vector<16xf32>
          %mul3A_182 = arith.constant 32 : i32
          %mul3A_183 = arith.muli %select_n3A, %mul3A_182 : i32
          %add3A_184 = arith.constant 4 : i32
          %add3A_185 = arith.addi %mul3A_183, %add3A_184 : i32
          %get3A_186 = arith.index_cast %add3A_185 : i32 to index
          %get3A_187 = arith.index_cast %mul3A_149 : i32 to index
          %get3A_188 = tpu.vector_load %arg9[%get3A_186, %get3A_187] {strides = array<i32>} : memref<128x128xf32, #tpu.memory_space<vmem>>, vector<1x16xf32>,
          %get3A_189 = vector.shape_cast %get3A_188 : vector<1x16xf32> to vector<16xf32>
          %mul3A_190 = arith.constant 32 : i32
          %mul3A_191 = arith.muli %select_n3A, %mul3A_190 : i32
          %add3A_192 = arith.constant 5 : i32
          %add3A_193 = arith.addi %mul3A_191, %add3A_192 : i32
          %get3A_194 = arith.index_cast %add3A_193 : i32 to index
          %get3A_195 = arith.index_cast %mul3A_149 : i32 to index
          %get3A_196 = tpu.vector_load %arg9[%get3A_194, %get3A_195] {strides = array<i32>} : memref<128x128xf32, #tpu.memory_space<vmem>>, vector<1x16xf32>,
          %get3A_197 = vector.shape_cast %get3A_196 : vector<1x16xf32> to vector<16xf32>
          %mul3A_198 = arith.constant 32 : i32
          %mul3A_199 = arith.muli %select_n3A, %mul3A_198 : i32
          %add3A_200 = arith.constant 6 : i32
          %add3A_201 = arith.addi %mul3A_199, %add3A_200 : i32
          %get3A_202 = arith.index_cast %add3A_201 : i32 to index
          %get3A_203 = arith.index_cast %mul3A_149 : i32 to index
          %get3A_204 = tpu.vector_load %arg9[%get3A_202, %get3A_203] {strides = array<i32>} : memref<128x128xf32, #tpu.memory_space<vmem>>, vector<1x16xf32>,
          %get3A_205 = vector.shape_cast %get3A_204 : vector<1x16xf32> to vector<16xf32>
          %mul3A_206 = arith.constant 32 : i32
          %mul3A_207 = arith.muli %select_n3A, %mul3A_206 : i32
          %add3A_208 = arith.constant 7 : i32
          %add3A_209 = arith.addi %mul3A_207, %add3A_208 : i32
          %get3A_210 = arith.index_cast %add3A_209 : i32 to index
          %get3A_211 = arith.index_cast %mul3A_149 : i32 to index
          %get3A_212 = tpu.vector_load %arg9[%get3A_210, %get3A_211] {strides = array<i32>} : memref<128x128xf32, #tpu.memory_space<vmem>>, vector<1x16xf32>,
          %get3A_213 = vector.shape_cast %get3A_212 : vector<1x16xf32> to vector<16xf32>
          %mul3A_214 = arith.constant 32 : i32
          %mul3A_215 = arith.muli %select_n3A, %mul3A_214 : i32
          %add3A_216 = arith.constant 8 : i32
          %add3A_217 = arith.addi %mul3A_215, %add3A_216 : i32
          %get3A_218 = arith.index_cast %add3A_217 : i32 to index
          %get3A_219 = arith.index_cast %mul3A_149 : i32 to index
          %get3A_220 = tpu.vector_load %arg9[%get3A_218, %get3A_219] {strides = array<i32>} : memref<128x128xf32, #tpu.memory_space<vmem>>, vector<1x16xf32>,
          %get3A_221 = vector.shape_cast %get3A_220 : vector<1x16xf32> to vector<16xf32>
          %mul3A_222 = arith.constant 32 : i32
          %mul3A_223 = arith.muli %select_n3A, %mul3A_222 : i32
          %add3A_224 = arith.constant 9 : i32
          %add3A_225 = arith.addi %mul3A_223, %add3A_224 : i32
          %get3A_226 = arith.index_cast %add3A_225 : i32 to index
          %get3A_227 = arith.index_cast %mul3A_149 : i32 to index
          %get3A_228 = tpu.vector_load %arg9[%get3A_226, %get3A_227] {strides = array<i32>} : memref<128x128xf32, #tpu.memory_space<vmem>>, vector<1x16xf32>,
          %get3A_229 = vector.shape_cast %get3A_228 : vector<1x16xf32> to vector<16xf32>
          %mul3A_230 = arith.constant 32 : i32
          %mul3A_231 = arith.muli %select_n3A, %mul3A_230 : i32
          %add3A_232 = arith.constant 10 : i32
          %add3A_233 = arith.addi %mul3A_231, %add3A_232 : i32
          %get3A_234 = arith.index_cast %add3A_233 : i32 to index
          %get3A_235 = arith.index_cast %mul3A_149 : i32 to index
          %get3A_236 = tpu.vector_load %arg9[%get3A_234, %get3A_235] {strides = array<i32>} : memref<128x128xf32, #tpu.memory_space<vmem>>, vector<1x16xf32>,
          %get3A_237 = vector.shape_cast %get3A_236 : vector<1x16xf32> to vector<16xf32>
          %mul3A_238 = arith.constant 32 : i32
          %mul3A_239 = arith.muli %select_n3A, %mul3A_238 : i32
          %add3A_240 = arith.constant 11 : i32
          %add3A_241 = arith.addi %mul3A_239, %add3A_240 : i32
          %get3A_242 = arith.index_cast %add3A_241 : i32 to index
          %get3A_243 = arith.index_cast %mul3A_149 : i32 to index
          %get3A_244 = tpu.vector_load %arg9[%get3A_242, %get3A_243] {strides = array<i32>} : memref<128x128xf32, #tpu.memory_space<vmem>>, vector<1x16xf32>,
          %get3A_245 = vector.shape_cast %get3A_244 : vector<1x16xf32> to vector<16xf32>
          %mul3A_246 = arith.constant 32 : i32
          %mul3A_247 = arith.muli %select_n3A, %mul3A_246 : i32
          %add3A_248 = arith.constant 12 : i32
          %add3A_249 = arith.addi %mul3A_247, %add3A_248 : i32
          %get3A_250 = arith.index_cast %add3A_249 : i32 to index
          %get3A_251 = arith.index_cast %mul3A_149 : i32 to index
          %get3A_252 = tpu.vector_load %arg9[%get3A_250, %get3A_251] {strides = array<i32>} : memref<128x128xf32, #tpu.memory_space<vmem>>, vector<1x16xf32>,
          %get3A_253 = vector.shape_cast %get3A_252 : vector<1x16xf32> to vector<16xf32>
          %mul3A_254 = arith.constant 32 : i32
          %mul3A_255 = arith.muli %select_n3A, %mul3A_254 : i32
          %add3A_256 = arith.constant 13 : i32
          %add3A_257 = arith.addi %mul3A_255, %add3A_256 : i32
          %get3A_258 = arith.index_cast %add3A_257 : i32 to index
          %get3A_259 = arith.index_cast %mul3A_149 : i32 to index
          %get3A_260 = tpu.vector_load %arg9[%get3A_258, %get3A_259] {strides = array<i32>} : memref<128x128xf32, #tpu.memory_space<vmem>>, vector<1x16xf32>,
          %get3A_261 = vector.shape_cast %get3A_260 : vector<1x16xf32> to vector<16xf32>
          %mul3A_262 = arith.constant 32 : i32
          %mul3A_263 = arith.muli %select_n3A, %mul3A_262 : i32
          %add3A_264 = arith.constant 14 : i32
          %add3A_265 = arith.addi %mul3A_263, %add3A_264 : i32
          %get3A_266 = arith.index_cast %add3A_265 : i32 to index
          %get3A_267 = arith.index_cast %mul3A_149 : i32 to index
          %get3A_268 = tpu.vector_load %arg9[%get3A_266, %get3A_267] {strides = array<i32>} : memref<128x128xf32, #tpu.memory_space<vmem>>, vector<1x16xf32>,
          %get3A_269 = vector.shape_cast %get3A_268 : vector<1x16xf32> to vector<16xf32>
          %mul3A_270 = arith.constant 32 : i32
          %mul3A_271 = arith.muli %select_n3A, %mul3A_270 : i32
          %add3A_272 = arith.constant 15 : i32
          %add3A_273 = arith.addi %mul3A_271, %add3A_272 : i32
          %get3A_274 = arith.index_cast %add3A_273 : i32 to index
          %get3A_275 = arith.index_cast %mul3A_149 : i32 to index
          %get3A_276 = tpu.vector_load %arg9[%get3A_274, %get3A_275] {strides = array<i32>} : memref<128x128xf32, #tpu.memory_space<vmem>>, vector<1x16xf32>,
          %get3A_277 = vector.shape_cast %get3A_276 : vector<1x16xf32> to vector<16xf32>
          %mul3A_278 = arith.constant 32 : i32
          %mul3A_279 = arith.muli %select_n3A, %mul3A_278 : i32
          %add3A_280 = arith.constant 16 : i32
          %add3A_281 = arith.addi %mul3A_279, %add3A_280 : i32
          %get3A_282 = arith.index_cast %add3A_281 : i32 to index
          %get3A_283 = arith.index_cast %mul3A_149 : i32 to index
          %get3A_284 = tpu.vector_load %arg9[%get3A_282, %get3A_283] {strides = array<i32>} : memref<128x128xf32, #tpu.memory_space<vmem>>, vector<1x16xf32>,
          %get3A_285 = vector.shape_cast %get3A_284 : vector<1x16xf32> to vector<16xf32>
          %mul3A_286 = arith.constant 32 : i32
          %mul3A_287 = arith.muli %select_n3A, %mul3A_286 : i32
          %add3A_288 = arith.constant 17 : i32
          %add3A_289 = arith.addi %mul3A_287, %add3A_288 : i32
          %get3A_290 = arith.index_cast %add3A_289 : i32 to index
          %get3A_291 = arith.index_cast %mul3A_149 : i32 to index
          %get3A_292 = tpu.vector_load %arg9[%get3A_290, %get3A_291] {strides = array<i32>} : memref<128x128xf32, #tpu.memory_space<vmem>>, vector<1x16xf32>,
          %get3A_293 = vector.shape_cast %get3A_292 : vector<1x16xf32> to vector<16xf32>
          %mul3A_294 = arith.constant 32 : i32
          %mul3A_295 = arith.muli %select_n3A, %mul3A_294 : i32
          %add3A_296 = arith.constant 18 : i32
          %add3A_297 = arith.addi %mul3A_295, %add3A_296 : i32
          %get3A_298 = arith.index_cast %add3A_297 : i32 to index
          %get3A_299 = arith.index_cast %mul3A_149 : i32 to index
          %get3A_300 = tpu.vector_load %arg9[%get3A_298, %get3A_299] {strides = array<i32>} : memref<128x128xf32, #tpu.memory_space<vmem>>, vector<1x16xf32>,
          %get3A_301 = vector.shape_cast %get3A_300 : vector<1x16xf32> to vector<16xf32>
          %mul3A_302 = arith.constant 32 : i32
          %mul3A_303 = arith.muli %select_n3A, %mul3A_302 : i32
          %add3A_304 = arith.constant 19 : i32
          %add3A_305 = arith.addi %mul3A_303, %add3A_304 : i32
          %get3A_306 = arith.index_cast %add3A_305 : i32 to index
          %get3A_307 = arith.index_cast %mul3A_149 : i32 to index
          %get3A_308 = tpu.vector_load %arg9[%get3A_306, %get3A_307] {strides = array<i32>} : memref<128x128xf32, #tpu.memory_space<vmem>>, vector<1x16xf32>,
          %get3A_309 = vector.shape_cast %get3A_308 : vector<1x16xf32> to vector<16xf32>
          %mul3A_310 = arith.constant 32 : i32
          %mul3A_311 = arith.muli %select_n3A, %mul3A_310 : i32
          %add3A_312 = arith.constant 20 : i32
          %add3A_313 = arith.addi %mul3A_311, %add3A_312 : i32
          %get3A_314 = arith.index_cast %add3A_313 : i32 to index
          %get3A_315 = arith.index_cast %mul3A_149 : i32 to index
          %get3A_316 = tpu.vector_load %arg9[%get3A_314, %get3A_315] {strides = array<i32>} : memref<128x128xf32, #tpu.memory_space<vmem>>, vector<1x16xf32>,
          %get3A_317 = vector.shape_cast %get3A_316 : vector<1x16xf32> to vector<16xf32>
          %mul3A_318 = arith.constant 32 : i32
          %mul3A_319 = arith.muli %select_n3A, %mul3A_318 : i32
          %add3A_320 = arith.constant 21 : i32
          %add3A_321 = arith.addi %mul3A_319, %add3A_320 : i32
          %get3A_322 = arith.index_cast %add3A_321 : i32 to index
          %get3A_323 = arith.index_cast %mul3A_149 : i32 to index
          %get3A_324 = tpu.vector_load %arg9[%get3A_322, %get3A_323] {strides = array<i32>} : memref<128x128xf32, #tpu.memory_space<vmem>>, vector<1x16xf32>,
          %get3A_325 = vector.shape_cast %get3A_324 : vector<1x16xf32> to vector<16xf32>
          %mul3A_326 = arith.constant 32 : i32
          %mul3A_327 = arith.muli %select_n3A, %mul3A_326 : i32
          %add3A_328 = arith.constant 22 : i32
          %add3A_329 = arith.addi %mul3A_327, %add3A_328 : i32
          %get3A_330 = arith.index_cast %add3A_329 : i32 to index
          %get3A_331 = arith.index_cast %mul3A_149 : i32 to index
          %get3A_332 = tpu.vector_load %arg9[%get3A_330, %get3A_331] {strides = array<i32>} : memref<128x128xf32, #tpu.memory_space<vmem>>, vector<1x16xf32>,
          %get3A_333 = vector.shape_cast %get3A_332 : vector<1x16xf32> to vector<16xf32>
          %mul3A_334 = arith.constant 32 : i32
          %mul3A_335 = arith.muli %select_n3A, %mul3A_334 : i32
          %add3A_336 = arith.constant 23 : i32
          %add3A_337 = arith.addi %mul3A_335, %add3A_336 : i32
          %get3A_338 = arith.index_cast %add3A_337 : i32 to index
          %get3A_339 = arith.index_cast %mul3A_149 : i32 to index
          %get3A_340 = tpu.vector_load %arg9[%get3A_338, %get3A_339] {strides = array<i32>} : memref<128x128xf32, #tpu.memory_space<vmem>>, vector<1x16xf32>,
          %get3A_341 = vector.shape_cast %get3A_340 : vector<1x16xf32> to vector<16xf32>
          %mul3A_342 = arith.constant 32 : i32
          %mul3A_343 = arith.muli %select_n3A, %mul3A_342 : i32
          %add3A_344 = arith.constant 24 : i32
          %add3A_345 = arith.addi %mul3A_343, %add3A_344 : i32
          %get3A_346 = arith.index_cast %add3A_345 : i32 to index
          %get3A_347 = arith.index_cast %mul3A_149 : i32 to index
          %get3A_348 = tpu.vector_load %arg9[%get3A_346, %get3A_347] {strides = array<i32>} : memref<128x128xf32, #tpu.memory_space<vmem>>, vector<1x16xf32>,
          %get3A_349 = vector.shape_cast %get3A_348 : vector<1x16xf32> to vector<16xf32>
          %mul3A_350 = arith.constant 32 : i32
          %mul3A_351 = arith.muli %select_n3A, %mul3A_350 : i32
          %add3A_352 = arith.constant 25 : i32
          %add3A_353 = arith.addi %mul3A_351, %add3A_352 : i32
          %get3A_354 = arith.index_cast %add3A_353 : i32 to index
          %get3A_355 = arith.index_cast %mul3A_149 : i32 to index
          %get3A_356 = tpu.vector_load %arg9[%get3A_354, %get3A_355] {strides = array<i32>} : memref<128x128xf32, #tpu.memory_space<vmem>>, vector<1x16xf32>,
          %get3A_357 = vector.shape_cast %get3A_356 : vector<1x16xf32> to vector<16xf32>
          %mul3A_358 = arith.constant 32 : i32
          %mul3A_359 = arith.muli %select_n3A, %mul3A_358 : i32
          %add3A_360 = arith.constant 26 : i32
          %add3A_361 = arith.addi %mul3A_359, %add3A_360 : i32
          %get3A_362 = arith.index_cast %add3A_361 : i32 to index
          %get3A_363 = arith.index_cast %mul3A_149 : i32 to index
          %get3A_364 = tpu.vector_load %arg9[%get3A_362, %get3A_363] {strides = array<i32>} : memref<128x128xf32, #tpu.memory_space<vmem>>, vector<1x16xf32>,
          %get3A_365 = vector.shape_cast %get3A_364 : vector<1x16xf32> to vector<16xf32>
          %mul3A_366 = arith.constant 32 : i32
          %mul3A_367 = arith.muli %select_n3A, %mul3A_366 : i32
          %add3A_368 = arith.constant 27 : i32
          %add3A_369 = arith.addi %mul3A_367, %add3A_368 : i32
          %get3A_370 = arith.index_cast %add3A_369 : i32 to index
          %get3A_371 = arith.index_cast %mul3A_149 : i32 to index
          %get3A_372 = tpu.vector_load %arg9[%get3A_370, %get3A_371] {strides = array<i32>} : memref<128x128xf32, #tpu.memory_space<vmem>>, vector<1x16xf32>,
          %get3A_373 = vector.shape_cast %get3A_372 : vector<1x16xf32> to vector<16xf32>
          %mul3A_374 = arith.constant 32 : i32
          %mul3A_375 = arith.muli %select_n3A, %mul3A_374 : i32
          %add3A_376 = arith.constant 28 : i32
          %add3A_377 = arith.addi %mul3A_375, %add3A_376 : i32
          %get3A_378 = arith.index_cast %add3A_377 : i32 to index
          %get3A_379 = arith.index_cast %mul3A_149 : i32 to index
          %get3A_380 = tpu.vector_load %arg9[%get3A_378, %get3A_379] {strides = array<i32>} : memref<128x128xf32, #tpu.memory_space<vmem>>, vector<1x16xf32>,
          %get3A_381 = vector.shape_cast %get3A_380 : vector<1x16xf32> to vector<16xf32>
          %mul3A_382 = arith.constant 32 : i32
          %mul3A_383 = arith.muli %select_n3A, %mul3A_382 : i32
          %add3A_384 = arith.constant 29 : i32
          %add3A_385 = arith.addi %mul3A_383, %add3A_384 : i32
          %get3A_386 = arith.index_cast %add3A_385 : i32 to index
          %get3A_387 = arith.index_cast %mul3A_149 : i32 to index
          %get3A_388 = tpu.vector_load %arg9[%get3A_386, %get3A_387] {strides = array<i32>} : memref<128x128xf32, #tpu.memory_space<vmem>>, vector<1x16xf32>,
          %get3A_389 = vector.shape_cast %get3A_388 : vector<1x16xf32> to vector<16xf32>
          %mul3A_390 = arith.constant 32 : i32
          %mul3A_391 = arith.muli %select_n3A, %mul3A_390 : i32
          %add3A_392 = arith.constant 30 : i32
          %add3A_393 = arith.addi %mul3A_391, %add3A_392 : i32
          %get3A_394 = arith.index_cast %add3A_393 : i32 to index
          %get3A_395 = arith.index_cast %mul3A_149 : i32 to index
          %get3A_396 = tpu.vector_load %arg9[%get3A_394, %get3A_395] {strides = array<i32>} : memref<128x128xf32, #tpu.memory_space<vmem>>, vector<1x16xf32>,
          %get3A_397 = vector.shape_cast %get3A_396 : vector<1x16xf32> to vector<16xf32>
          %mul3A_398 = arith.constant 32 : i32
          %mul3A_399 = arith.muli %select_n3A, %mul3A_398 : i32
          %add3A_400 = arith.constant 31 : i32
          %add3A_401 = arith.addi %mul3A_399, %add3A_400 : i32
          %get3A_402 = arith.index_cast %add3A_401 : i32 to index
          %get3A_403 = arith.index_cast %mul3A_149 : i32 to index
          %get3A_404 = tpu.vector_load %arg9[%get3A_402, %get3A_403] {strides = array<i32>} : memref<128x128xf32, #tpu.memory_space<vmem>>, vector<1x16xf32>,
          %get3A_405 = vector.shape_cast %get3A_404 : vector<1x16xf32> to vector<16xf32>
          %min3A = arith.minimumf %get3A_157, %get3A_165 : vector<16xf32>
          %max3A = arith.maximumf %get3A_157, %get3A_165 : vector<16xf32>
          %min3A_406 = arith.minimumf %get3A_173, %get3A_181 : vector<16xf32>
          %max3A_407 = arith.maximumf %get3A_173, %get3A_181 : vector<16xf32>
          %min3A_408 = arith.minimumf %min3A, %min3A_406 : vector<16xf32>
          %max3A_409 = arith.maximumf %min3A, %min3A_406 : vector<16xf32>
          %min3A_410 = arith.minimumf %max3A, %max3A_407 : vector<16xf32>
          %max3A_411 = arith.maximumf %max3A, %max3A_407 : vector<16xf32>
          %min3A_412 = arith.minimumf %min3A_410, %max3A_409 : vector<16xf32>
          %max3A_413 = arith.maximumf %min3A_410, %max3A_409 : vector<16xf32>
          %min3A_414 = arith.minimumf %get3A_189, %get3A_197 : vector<16xf32>
          %max3A_415 = arith.maximumf %get3A_189, %get3A_197 : vector<16xf32>
          %min3A_416 = arith.minimumf %get3A_205, %get3A_213 : vector<16xf32>
          %max3A_417 = arith.maximumf %get3A_205, %get3A_213 : vector<16xf32>
          %min3A_418 = arith.minimumf %min3A_414, %min3A_416 : vector<16xf32>
          %max3A_419 = arith.maximumf %min3A_414, %min3A_416 : vector<16xf32>
          %min3A_420 = arith.minimumf %max3A_415, %max3A_417 : vector<16xf32>
          %max3A_421 = arith.maximumf %max3A_415, %max3A_417 : vector<16xf32>
          %min3A_422 = arith.minimumf %min3A_420, %max3A_419 : vector<16xf32>
          %max3A_423 = arith.maximumf %min3A_420, %max3A_419 : vector<16xf32>
          %min3A_424 = arith.minimumf %min3A_408, %min3A_418 : vector<16xf32>
          %max3A_425 = arith.maximumf %min3A_408, %min3A_418 : vector<16xf32>
          %min3A_426 = arith.minimumf %max3A_413, %max3A_423 : vector<16xf32>
          %max3A_427 = arith.maximumf %max3A_413, %max3A_423 : vector<16xf32>
          %min3A_428 = arith.minimumf %min3A_426, %max3A_425 : vector<16xf32>
          %max3A_429 = arith.maximumf %min3A_426, %max3A_425 : vector<16xf32>
          %min3A_430 = arith.minimumf %min3A_412, %min3A_422 : vector<16xf32>
          %max3A_431 = arith.maximumf %min3A_412, %min3A_422 : vector<16xf32>
          %min3A_432 = arith.minimumf %max3A_411, %max3A_421 : vector<16xf32>
          %max3A_433 = arith.maximumf %max3A_411, %max3A_421 : vector<16xf32>
          %min3A_434 = arith.minimumf %min3A_432, %max3A_431 : vector<16xf32>
          %max3A_435 = arith.maximumf %min3A_432, %max3A_431 : vector<16xf32>
          %min3A_436 = arith.minimumf %min3A_430, %min3A_428 : vector<16xf32>
          %max3A_437 = arith.maximumf %min3A_430, %min3A_428 : vector<16xf32>
          %min3A_438 = arith.minimumf %min3A_434, %max3A_429 : vector<16xf32>
          %max3A_439 = arith.maximumf %min3A_434, %max3A_429 : vector<16xf32>
          %min3A_440 = arith.minimumf %max3A_435, %max3A_427 : vector<16xf32>
          %max3A_441 = arith.maximumf %max3A_435, %max3A_427 : vector<16xf32>
          %min3A_442 = arith.minimumf %get3A_221, %get3A_229 : vector<16xf32>
          %max3A_443 = arith.maximumf %get3A_221, %get3A_229 : vector<16xf32>
          %min3A_444 = arith.minimumf %get3A_237, %get3A_245 : vector<16xf32>
          %max3A_445 = arith.maximumf %get3A_237, %get3A_245 : vector<16xf32>
          %min3A_446 = arith.minimumf %min3A_442, %min3A_444 : vector<16xf32>
          %max3A_447 = arith.maximumf %min3A_442, %min3A_444 : vector<16xf32>
          %min3A_448 = arith.minimumf %max3A_443, %max3A_445 : vector<16xf32>
          %max3A_449 = arith.maximumf %max3A_443, %max3A_445 : vector<16xf32>
          %min3A_450 = arith.minimumf %min3A_448, %max3A_447 : vector<16xf32>
          %max3A_451 = arith.maximumf %min3A_448, %max3A_447 : vector<16xf32>
          %min3A_452 = arith.minimumf %get3A_253, %get3A_261 : vector<16xf32>
          %max3A_453 = arith.maximumf %get3A_253, %get3A_261 : vector<16xf32>
          %min3A_454 = arith.minimumf %get3A_269, %get3A_277 : vector<16xf32>
          %max3A_455 = arith.maximumf %get3A_269, %get3A_277 : vector<16xf32>
          %min3A_456 = arith.minimumf %min3A_452, %min3A_454 : vector<16xf32>
          %max3A_457 = arith.maximumf %min3A_452, %min3A_454 : vector<16xf32>
          %min3A_458 = arith.minimumf %max3A_453, %max3A_455 : vector<16xf32>
          %max3A_459 = arith.maximumf %max3A_453, %max3A_455 : vector<16xf32>
          %min3A_460 = arith.minimumf %min3A_458, %max3A_457 : vector<16xf32>
          %max3A_461 = arith.maximumf %min3A_458, %max3A_457 : vector<16xf32>
          %min3A_462 = arith.minimumf %min3A_446, %min3A_456 : vector<16xf32>
          %max3A_463 = arith.maximumf %min3A_446, %min3A_456 : vector<16xf32>
          %min3A_464 = arith.minimumf %max3A_451, %max3A_461 : vector<16xf32>
          %max3A_465 = arith.maximumf %max3A_451, %max3A_461 : vector<16xf32>
          %min3A_466 = arith.minimumf %min3A_464, %max3A_463 : vector<16xf32>
          %max3A_467 = arith.maximumf %min3A_464, %max3A_463 : vector<16xf32>
          %min3A_468 = arith.minimumf %min3A_450, %min3A_460 : vector<16xf32>
          %max3A_469 = arith.maximumf %min3A_450, %min3A_460 : vector<16xf32>
          %min3A_470 = arith.minimumf %max3A_449, %max3A_459 : vector<16xf32>
          %max3A_471 = arith.maximumf %max3A_449, %max3A_459 : vector<16xf32>
          %min3A_472 = arith.minimumf %min3A_470, %max3A_469 : vector<16xf32>
          %max3A_473 = arith.maximumf %min3A_470, %max3A_469 : vector<16xf32>
          %min3A_474 = arith.minimumf %min3A_468, %min3A_466 : vector<16xf32>
          %max3A_475 = arith.maximumf %min3A_468, %min3A_466 : vector<16xf32>
          %min3A_476 = arith.minimumf %min3A_472, %max3A_467 : vector<16xf32>
          %max3A_477 = arith.maximumf %min3A_472, %max3A_467 : vector<16xf32>
          %min3A_478 = arith.minimumf %max3A_473, %max3A_465 : vector<16xf32>
          %max3A_479 = arith.maximumf %max3A_473, %max3A_465 : vector<16xf32>
          %min3A_480 = arith.minimumf %min3A_424, %min3A_462 : vector<16xf32>
          %max3A_481 = arith.maximumf %min3A_424, %min3A_462 : vector<16xf32>
          %min3A_482 = arith.minimumf %max3A_439, %max3A_477 : vector<16xf32>
          %max3A_483 = arith.maximumf %max3A_439, %max3A_477 : vector<16xf32>
          %min3A_484 = arith.minimumf %min3A_482, %max3A_481 : vector<16xf32>
          %max3A_485 = arith.maximumf %min3A_482, %max3A_481 : vector<16xf32>
          %min3A_486 = arith.minimumf %max3A_437, %max3A_475 : vector<16xf32>
          %max3A_487 = arith.maximumf %max3A_437, %max3A_475 : vector<16xf32>
          %min3A_488 = arith.minimumf %max3A_441, %max3A_479 : vector<16xf32>
          %max3A_489 = arith.maximumf %max3A_441, %max3A_479 : vector<16xf32>
          %min3A_490 = arith.minimumf %min3A_488, %max3A_487 : vector<16xf32>
          %max3A_491 = arith.maximumf %min3A_488, %max3A_487 : vector<16xf32>
          %min3A_492 = arith.minimumf %min3A_486, %min3A_484 : vector<16xf32>
          %max3A_493 = arith.maximumf %min3A_486, %min3A_484 : vector<16xf32>
          %min3A_494 = arith.minimumf %min3A_490, %max3A_485 : vector<16xf32>
          %max3A_495 = arith.maximumf %min3A_490, %max3A_485 : vector<16xf32>
          %min3A_496 = arith.minimumf %max3A_491, %max3A_483 : vector<16xf32>
          %max3A_497 = arith.maximumf %max3A_491, %max3A_483 : vector<16xf32>
          %min3A_498 = arith.minimumf %min3A_436, %min3A_474 : vector<16xf32>
          %max3A_499 = arith.maximumf %min3A_436, %min3A_474 : vector<16xf32>
          %min3A_500 = arith.minimumf %min3A_440, %min3A_478 : vector<16xf32>
          %max3A_501 = arith.maximumf %min3A_440, %min3A_478 : vector<16xf32>
          %min3A_502 = arith.minimumf %min3A_500, %max3A_499 : vector<16xf32>
          %max3A_503 = arith.maximumf %min3A_500, %max3A_499 : vector<16xf32>
          %min3A_504 = arith.minimumf %min3A_438, %min3A_476 : vector<16xf32>
          %max3A_505 = arith.maximumf %min3A_438, %min3A_476 : vector<16xf32>
          %min3A_506 = arith.minimumf %max3A_433, %max3A_471 : vector<16xf32>
          %max3A_507 = arith.maximumf %max3A_433, %max3A_471 : vector<16xf32>
          %min3A_508 = arith.minimumf %min3A_506, %max3A_505 : vector<16xf32>
          %max3A_509 = arith.maximumf %min3A_506, %max3A_505 : vector<16xf32>
          %min3A_510 = arith.minimumf %min3A_504, %min3A_502 : vector<16xf32>
          %max3A_511 = arith.maximumf %min3A_504, %min3A_502 : vector<16xf32>
          %min3A_512 = arith.minimumf %min3A_508, %max3A_503 : vector<16xf32>
          %max3A_513 = arith.maximumf %min3A_508, %max3A_503 : vector<16xf32>
          %min3A_514 = arith.minimumf %max3A_509, %max3A_501 : vector<16xf32>
          %max3A_515 = arith.maximumf %max3A_509, %max3A_501 : vector<16xf32>
          %min3A_516 = arith.minimumf %min3A_498, %min3A_492 : vector<16xf32>
          %max3A_517 = arith.maximumf %min3A_498, %min3A_492 : vector<16xf32>
          %min3A_518 = arith.minimumf %min3A_510, %max3A_493 : vector<16xf32>
          %max3A_519 = arith.maximumf %min3A_510, %max3A_493 : vector<16xf32>
          %min3A_520 = arith.minimumf %max3A_511, %min3A_494 : vector<16xf32>
          %max3A_521 = arith.maximumf %max3A_511, %min3A_494 : vector<16xf32>
          %min3A_522 = arith.minimumf %min3A_512, %max3A_495 : vector<16xf32>
          %max3A_523 = arith.maximumf %min3A_512, %max3A_495 : vector<16xf32>
          %min3A_524 = arith.minimumf %max3A_513, %min3A_496 : vector<16xf32>
          %max3A_525 = arith.maximumf %max3A_513, %min3A_496 : vector<16xf32>
          %min3A_526 = arith.minimumf %min3A_514, %max3A_497 : vector<16xf32>
          %max3A_527 = arith.maximumf %min3A_514, %max3A_497 : vector<16xf32>
          %min3A_528 = arith.minimumf %max3A_515, %max3A_489 : vector<16xf32>
          %max3A_529 = arith.maximumf %max3A_515, %max3A_489 : vector<16xf32>
          %min3A_530 = arith.minimumf %get3A_285, %get3A_293 : vector<16xf32>
          %max3A_531 = arith.maximumf %get3A_285, %get3A_293 : vector<16xf32>
          %min3A_532 = arith.minimumf %get3A_301, %get3A_309 : vector<16xf32>
          %max3A_533 = arith.maximumf %get3A_301, %get3A_309 : vector<16xf32>
          %min3A_534 = arith.minimumf %min3A_530, %min3A_532 : vector<16xf32>
          %max3A_535 = arith.maximumf %min3A_530, %min3A_532 : vector<16xf32>
          %min3A_536 = arith.minimumf %max3A_531, %max3A_533 : vector<16xf32>
          %max3A_537 = arith.maximumf %max3A_531, %max3A_533 : vector<16xf32>
          %min3A_538 = arith.minimumf %min3A_536, %max3A_535 : vector<16xf32>
          %max3A_539 = arith.maximumf %min3A_536, %max3A_535 : vector<16xf32>
          %min3A_540 = arith.minimumf %get3A_317, %get3A_325 : vector<16xf32>
          %max3A_541 = arith.maximumf %get3A_317, %get3A_325 : vector<16xf32>
          %min3A_542 = arith.minimumf %get3A_333, %get3A_341 : vector<16xf32>
          %max3A_543 = arith.maximumf %get3A_333, %get3A_341 : vector<16xf32>
          %min3A_544 = arith.minimumf %min3A_540, %min3A_542 : vector<16xf32>
          %max3A_545 = arith.maximumf %min3A_540, %min3A_542 : vector<16xf32>
          %min3A_546 = arith.minimumf %max3A_541, %max3A_543 : vector<16xf32>
          %max3A_547 = arith.maximumf %max3A_541, %max3A_543 : vector<16xf32>
          %min3A_548 = arith.minimumf %min3A_546, %max3A_545 : vector<16xf32>
          %max3A_549 = arith.maximumf %min3A_546, %max3A_545 : vector<16xf32>
          %min3A_550 = arith.minimumf %min3A_534, %min3A_544 : vector<16xf32>
          %max3A_551 = arith.maximumf %min3A_534, %min3A_544 : vector<16xf32>
          %min3A_552 = arith.minimumf %max3A_539, %max3A_549 : vector<16xf32>
          %max3A_553 = arith.maximumf %max3A_539, %max3A_549 : vector<16xf32>
          %min3A_554 = arith.minimumf %min3A_552, %max3A_551 : vector<16xf32>
          %max3A_555 = arith.maximumf %min3A_552, %max3A_551 : vector<16xf32>
          %min3A_556 = arith.minimumf %min3A_538, %min3A_548 : vector<16xf32>
          %max3A_557 = arith.maximumf %min3A_538, %min3A_548 : vector<16xf32>
          %min3A_558 = arith.minimumf %max3A_537, %max3A_547 : vector<16xf32>
          %max3A_559 = arith.maximumf %max3A_537, %max3A_547 : vector<16xf32>
          %min3A_560 = arith.minimumf %min3A_558, %max3A_557 : vector<16xf32>
          %max3A_561 = arith.maximumf %min3A_558, %max3A_557 : vector<16xf32>
          %min3A_562 = arith.minimumf %min3A_556, %min3A_554 : vector<16xf32>
          %max3A_563 = arith.maximumf %min3A_556, %min3A_554 : vector<16xf32>
          %min3A_564 = arith.minimumf %min3A_560, %max3A_555 : vector<16xf32>
          %max3A_565 = arith.maximumf %min3A_560, %max3A_555 : vector<16xf32>
          %min3A_566 = arith.minimumf %max3A_561, %max3A_553 : vector<16xf32>
          %max3A_567 = arith.maximumf %max3A_561, %max3A_553 : vector<16xf32>
          %min3A_568 = arith.minimumf %get3A_349, %get3A_357 : vector<16xf32>
          %max3A_569 = arith.maximumf %get3A_349, %get3A_357 : vector<16xf32>
          %min3A_570 = arith.minimumf %get3A_365, %get3A_373 : vector<16xf32>
          %max3A_571 = arith.maximumf %get3A_365, %get3A_373 : vector<16xf32>
          %min3A_572 = arith.minimumf %min3A_568, %min3A_570 : vector<16xf32>
          %max3A_573 = arith.maximumf %min3A_568, %min3A_570 : vector<16xf32>
          %min3A_574 = arith.minimumf %max3A_569, %max3A_571 : vector<16xf32>
          %max3A_575 = arith.maximumf %max3A_569, %max3A_571 : vector<16xf32>
          %min3A_576 = arith.minimumf %min3A_574, %max3A_573 : vector<16xf32>
          %max3A_577 = arith.maximumf %min3A_574, %max3A_573 : vector<16xf32>
          %min3A_578 = arith.minimumf %get3A_381, %get3A_389 : vector<16xf32>
          %max3A_579 = arith.maximumf %get3A_381, %get3A_389 : vector<16xf32>
          %min3A_580 = arith.minimumf %get3A_397, %get3A_405 : vector<16xf32>
          %max3A_581 = arith.maximumf %get3A_397, %get3A_405 : vector<16xf32>
          %min3A_582 = arith.minimumf %min3A_578, %min3A_580 : vector<16xf32>
          %max3A_583 = arith.maximumf %min3A_578, %min3A_580 : vector<16xf32>
          %min3A_584 = arith.minimumf %max3A_579, %max3A_581 : vector<16xf32>
          %max3A_585 = arith.maximumf %max3A_579, %max3A_581 : vector<16xf32>
          %min3A_586 = arith.minimumf %min3A_584, %max3A_583 : vector<16xf32>
          %max3A_587 = arith.maximumf %min3A_584, %max3A_583 : vector<16xf32>
          %min3A_588 = arith.minimumf %min3A_572, %min3A_582 : vector<16xf32>
          %max3A_589 = arith.maximumf %min3A_572, %min3A_582 : vector<16xf32>
          %min3A_590 = arith.minimumf %max3A_577, %max3A_587 : vector<16xf32>
          %max3A_591 = arith.maximumf %max3A_577, %max3A_587 : vector<16xf32>
          %min3A_592 = arith.minimumf %min3A_590, %max3A_589 : vector<16xf32>
          %max3A_593 = arith.maximumf %min3A_590, %max3A_589 : vector<16xf32>
          %min3A_594 = arith.minimumf %min3A_576, %min3A_586 : vector<16xf32>
          %max3A_595 = arith.maximumf %min3A_576, %min3A_586 : vector<16xf32>
          %min3A_596 = arith.minimumf %max3A_575, %max3A_585 : vector<16xf32>
          %max3A_597 = arith.maximumf %max3A_575, %max3A_585 : vector<16xf32>
          %min3A_598 = arith.minimumf %min3A_596, %max3A_595 : vector<16xf32>
          %max3A_599 = arith.maximumf %min3A_596, %max3A_595 : vector<16xf32>
          %min3A_600 = arith.minimumf %min3A_594, %min3A_592 : vector<16xf32>
          %max3A_601 = arith.maximumf %min3A_594, %min3A_592 : vector<16xf32>
          %min3A_602 = arith.minimumf %min3A_598, %max3A_593 : vector<16xf32>
          %max3A_603 = arith.maximumf %min3A_598, %max3A_593 : vector<16xf32>
          %min3A_604 = arith.minimumf %max3A_599, %max3A_591 : vector<16xf32>
          %max3A_605 = arith.maximumf %max3A_599, %max3A_591 : vector<16xf32>
          %min3A_606 = arith.minimumf %min3A_550, %min3A_588 : vector<16xf32>
          %max3A_607 = arith.maximumf %min3A_550, %min3A_588 : vector<16xf32>
          %min3A_608 = arith.minimumf %max3A_565, %max3A_603 : vector<16xf32>
          %max3A_609 = arith.maximumf %max3A_565, %max3A_603 : vector<16xf32>
          %min3A_610 = arith.minimumf %min3A_608, %max3A_607 : vector<16xf32>
          %max3A_611 = arith.maximumf %min3A_608, %max3A_607 : vector<16xf32>
          %min3A_612 = arith.minimumf %max3A_563, %max3A_601 : vector<16xf32>
          %max3A_613 = arith.maximumf %max3A_563, %max3A_601 : vector<16xf32>
          %min3A_614 = arith.minimumf %max3A_567, %max3A_605 : vector<16xf32>
          %max3A_615 = arith.maximumf %max3A_567, %max3A_605 : vector<16xf32>
          %min3A_616 = arith.minimumf %min3A_614, %max3A_613 : vector<16xf32>
          %max3A_617 = arith.maximumf %min3A_614, %max3A_613 : vector<16xf32>
          %min3A_618 = arith.minimumf %min3A_612, %min3A_610 : vector<16xf32>
          %max3A_619 = arith.maximumf %min3A_612, %min3A_610 : vector<16xf32>
          %min3A_620 = arith.minimumf %min3A_616, %max3A_611 : vector<16xf32>
          %max3A_621 = arith.maximumf %min3A_616, %max3A_611 : vector<16xf32>
          %min3A_622 = arith.minimumf %max3A_617, %max3A_609 : vector<16xf32>
          %max3A_623 = arith.maximumf %max3A_617, %max3A_609 : vector<16xf32>
          %min3A_624 = arith.minimumf %min3A_562, %min3A_600 : vector<16xf32>
          %max3A_625 = arith.maximumf %min3A_562, %min3A_600 : vector<16xf32>
          %min3A_626 = arith.minimumf %min3A_566, %min3A_604 : vector<16xf32>
          %max3A_627 = arith.maximumf %min3A_566, %min3A_604 : vector<16xf32>
          %min3A_628 = arith.minimumf %min3A_626, %max3A_625 : vector<16xf32>
          %max3A_629 = arith.maximumf %min3A_626, %max3A_625 : vector<16xf32>
          %min3A_630 = arith.minimumf %min3A_564, %min3A_602 : vector<16xf32>
          %max3A_631 = arith.maximumf %min3A_564, %min3A_602 : vector<16xf32>
          %min3A_632 = arith.minimumf %max3A_559, %max3A_597 : vector<16xf32>
          %max3A_633 = arith.maximumf %max3A_559, %max3A_597 : vector<16xf32>
          %min3A_634 = arith.minimumf %min3A_632, %max3A_631 : vector<16xf32>
          %max3A_635 = arith.maximumf %min3A_632, %max3A_631 : vector<16xf32>
          %min3A_636 = arith.minimumf %min3A_630, %min3A_628 : vector<16xf32>
          %max3A_637 = arith.maximumf %min3A_630, %min3A_628 : vector<16xf32>
          %min3A_638 = arith.minimumf %min3A_634, %max3A_629 : vector<16xf32>
          %max3A_639 = arith.maximumf %min3A_634, %max3A_629 : vector<16xf32>
          %min3A_640 = arith.minimumf %max3A_635, %max3A_627 : vector<16xf32>
          %max3A_641 = arith.maximumf %max3A_635, %max3A_627 : vector<16xf32>
          %min3A_642 = arith.minimumf %min3A_624, %min3A_618 : vector<16xf32>
          %max3A_643 = arith.maximumf %min3A_624, %min3A_618 : vector<16xf32>
          %min3A_644 = arith.minimumf %min3A_636, %max3A_619 : vector<16xf32>
          %max3A_645 = arith.maximumf %min3A_636, %max3A_619 : vector<16xf32>
          %min3A_646 = arith.minimumf %max3A_637, %min3A_620 : vector<16xf32>
          %max3A_647 = arith.maximumf %max3A_637, %min3A_620 : vector<16xf32>
          %min3A_648 = arith.minimumf %min3A_638, %max3A_621 : vector<16xf32>
          %max3A_649 = arith.maximumf %min3A_638, %max3A_621 : vector<16xf32>
          %min3A_650 = arith.minimumf %max3A_639, %min3A_622 : vector<16xf32>
          %max3A_651 = arith.maximumf %max3A_639, %min3A_622 : vector<16xf32>
          %min3A_652 = arith.minimumf %min3A_640, %max3A_623 : vector<16xf32>
          %max3A_653 = arith.maximumf %min3A_640, %max3A_623 : vector<16xf32>
          %min3A_654 = arith.minimumf %max3A_641, %max3A_615 : vector<16xf32>
          %max3A_655 = arith.maximumf %max3A_641, %max3A_615 : vector<16xf32>
          %max3A_656 = arith.maximumf %min3A_480, %min3A_606 : vector<16xf32>
          %min3A_657 = arith.minimumf %max3A_523, %max3A_649 : vector<16xf32>
          %max3A_658 = arith.maximumf %max3A_523, %max3A_649 : vector<16xf32>
          %max3A_659 = arith.maximumf %min3A_657, %max3A_656 : vector<16xf32>
          %max3A_660 = arith.maximumf %max3A_519, %max3A_645 : vector<16xf32>
          %min3A_661 = arith.minimumf %max3A_527, %max3A_653 : vector<16xf32>
          %min3A_662 = arith.minimumf %min3A_661, %max3A_660 : vector<16xf32>
          %max3A_663 = arith.maximumf %min3A_661, %max3A_660 : vector<16xf32>
          %max3A_664 = arith.maximumf %min3A_662, %max3A_659 : vector<16xf32>
          %min3A_665 = arith.minimumf %max3A_663, %max3A_658 : vector<16xf32>
          %max3A_666 = arith.maximumf %max3A_517, %max3A_643 : vector<16xf32>
          %min3A_667 = arith.minimumf %max3A_525, %max3A_651 : vector<16xf32>
          %max3A_668 = arith.maximumf %min3A_667, %max3A_666 : vector<16xf32>
          %max3A_669 = arith.maximumf %max3A_521, %max3A_647 : vector<16xf32>
          %min3A_670 = arith.minimumf %max3A_529, %max3A_655 : vector<16xf32>
          %min3A_671 = arith.minimumf %min3A_670, %max3A_669 : vector<16xf32>
          %min3A_672 = arith.minimumf %min3A_671, %max3A_668 : vector<16xf32>
          %max3A_673 = arith.maximumf %min3A_671, %max3A_668 : vector<16xf32>
          %min3A_674 = arith.minimumf %min3A_672, %max3A_664 : vector<16xf32>
          %max3A_675 = arith.maximumf %min3A_672, %max3A_664 : vector<16xf32>
          %min3A_676 = arith.minimumf %max3A_673, %min3A_665 : vector<16xf32>
          %max3A_677 = arith.maximumf %min3A_516, %min3A_642 : vector<16xf32>
          %min3A_678 = arith.minimumf %min3A_524, %min3A_650 : vector<16xf32>
          %max3A_679 = arith.maximumf %min3A_678, %max3A_677 : vector<16xf32>
          %max3A_680 = arith.maximumf %min3A_520, %min3A_646 : vector<16xf32>
          %min3A_681 = arith.minimumf %min3A_528, %min3A_654 : vector<16xf32>
          %min3A_682 = arith.minimumf %min3A_681, %max3A_680 : vector<16xf32>
          %min3A_683 = arith.minimumf %min3A_682, %max3A_679 : vector<16xf32>
          %max3A_684 = arith.maximumf %min3A_682, %max3A_679 : vector<16xf32>
          %max3A_685 = arith.maximumf %min3A_518, %min3A_644 : vector<16xf32>
          %min3A_686 = arith.minimumf %min3A_526, %min3A_652 : vector<16xf32>
          %min3A_687 = arith.minimumf %min3A_686, %max3A_685 : vector<16xf32>
          %max3A_688 = arith.maximumf %min3A_686, %max3A_685 : vector<16xf32>
          %min3A_689 = arith.minimumf %min3A_522, %min3A_648 : vector<16xf32>
          %max3A_690 = arith.maximumf %min3A_522, %min3A_648 : vector<16xf32>
          %min3A_691 = arith.minimumf %max3A_507, %max3A_633 : vector<16xf32>
          %min3A_692 = arith.minimumf %min3A_691, %max3A_690 : vector<16xf32>
          %max3A_693 = arith.maximumf %min3A_689, %min3A_687 : vector<16xf32>
          %min3A_694 = arith.minimumf %min3A_692, %max3A_688 : vector<16xf32>
          %max3A_695 = arith.maximumf %max3A_693, %min3A_683 : vector<16xf32>
          %min3A_696 = arith.minimumf %min3A_694, %max3A_684 : vector<16xf32>
          %max3A_697 = arith.maximumf %min3A_694, %max3A_684 : vector<16xf32>
          %max3A_698 = arith.maximumf %max3A_695, %min3A_674 : vector<16xf32>
          %min3A_699 = arith.minimumf %max3A_697, %min3A_676 : vector<16xf32>
          %add3A_700 = arith.addf %max3A_698, %min3A_696 : vector<16xf32>
          %add3A_701 = arith.addf %add3A_700, %max3A_675 : vector<16xf32>
          %add3A_702 = arith.addf %add3A_701, %min3A_699 : vector<16xf32>
          %mul3A_703 = arith.constant 2.500000e-01 : f32
          %mul3A_704 = vector.broadcast %mul3A_703 : f32 to vector<16xf32>
          %mul3A_705 = arith.mulf %add3A_702, %mul3A_704 : vector<16xf32>
          %mul3A_706 = arith.constant 4 : i32
          %mul3A_707 = arith.muli %add3A_95, %mul3A_706 : i32
          %add3A_708 = arith.addi %mul3A_707, %select_n3A : i32
          %swap3A_709 = arith.index_cast %add3A_708 : i32 to index
          %swap3A_710 = arith.index_cast %mul3A_149 : i32 to index
          %swap3A_711 = tpu.vector_load %arg10[%swap3A_709, %swap3A_710] {strides = array<i32>} : memref<320x128xf32, #tpu.memory_space<vmem>>, vector<1x16xf32>,
          %swap3A_712 = vector.shape_cast %swap3A_711 : vector<1x16xf32> to vector<16xf32>
          %swap3A_713 = vector.shape_cast %mul3A_705 : vector<16xf32> to vector<1x16xf32>
          tpu.vector_store %arg10[%swap3A_709, %swap3A_710], %swap3A_713 {strides = array<i32>} : memref<320x128xf32, #tpu.memory_space<vmem>>, vector<1x16xf32>,
        }
        %scan3A_113 = arith.constant 32 : i32
      }
      %scan3A_71 = arith.constant 40 : i32
      "tpu.region"() ({
        %run_scoped3A = tpu.sem_alloc : memref<!tpu.dma_semaphore, #tpu.memory_space<semaphore_mem>>
        %dma_start3A_72 = arith.constant 0 : i32
        %dma_start3A_73 = arith.constant 0 : i32
        %dma_start3A_74 = tpu.memref_slice %arg10[%dma_start3A_72, %dma_start3A_73] : memref<320x128xf32, #tpu.memory_space<vmem>> -> memref<320x128xf32, #tpu.memory_space<vmem>>
        %dma_start3A_75 = arith.constant 0 : i32
        %dma_start3A_76 = tpu.memref_slice %arg4[%add3A_8, %dma_start3A_75] : memref<10112x128xf32, #tpu.memory_space<hbm>> -> memref<320x128xf32, #tpu.memory_space<hbm>>
        %dma_start3A_77 = arith.constant 0 : i32
        %dma_start3A_78 = tpu.memref_slice %arg4[%add3A_8, %dma_start3A_77] : memref<10112x128xf32, #tpu.memory_space<hbm>> -> memref<320x128xf32, #tpu.memory_space<hbm>>
        %dma_start3A_79 = arith.constant 0 : i32
        %dma_start3A_80 = arith.constant 0 : i32
        %dma_start3A_81 = tpu.memref_slice %arg10[%dma_start3A_79, %dma_start3A_80] : memref<320x128xf32, #tpu.memory_space<vmem>> -> memref<320x128xf32, #tpu.memory_space<vmem>>
        tpu.enqueue_dma source(%dma_start3A_81 : memref<320x128xf32, #tpu.memory_space<vmem>>) target(%dma_start3A_78 : memref<320x128xf32, #tpu.memory_space<hbm>>) target_semaphore(%run_scoped3A : memref<!tpu.dma_semaphore, #tpu.memory_space<semaphore_mem>>)
        %dma_wait3A = arith.constant 0 : i32
        %dma_wait3A_82 = arith.constant 0 : i32
        %dma_wait3A_83 = tpu.memref_slice %arg10[%dma_wait3A, %dma_wait3A_82] : memref<320x128xf32, #tpu.memory_space<vmem>> -> memref<320x128xf32, #tpu.memory_space<vmem>>
        %dma_wait3A_84 = arith.constant 0 : i32
        %dma_wait3A_85 = tpu.memref_slice %arg4[%add3A_8, %dma_wait3A_84] : memref<10112x128xf32, #tpu.memory_space<hbm>> -> memref<320x128xf32, #tpu.memory_space<hbm>>
        %dma_wait3A_86 = arith.constant 0 : i32
        %dma_wait3A_87 = tpu.memref_slice %arg4[%add3A_8, %dma_wait3A_86] : memref<10112x128xf32, #tpu.memory_space<hbm>> -> memref<320x128xf32, #tpu.memory_space<hbm>>
        %dma_wait3A_88 = arith.constant 0 : i32
        %dma_wait3A_89 = arith.constant 0 : i32
        %dma_wait3A_90 = tpu.memref_slice %arg10[%dma_wait3A_88, %dma_wait3A_89] : memref<320x128xf32, #tpu.memory_space<vmem>> -> memref<320x128xf32, #tpu.memory_space<vmem>>
        tpu.wait_dma2 semaphore(%run_scoped3A : memref<!tpu.dma_semaphore, #tpu.memory_space<semaphore_mem>>) src(%dma_wait3A_90 : memref<320x128xf32, #tpu.memory_space<vmem>>) dst(%dma_wait3A_87 : memref<320x128xf32, #tpu.memory_space<hbm>>)
        tpu.yield
      }) : () -> ()
    } else {
    }
    return
  }
}

module attributes {stable_mosaic.version = 14 : i64} {
  func.func @_matmul_body(%arg0: i32, %arg1: memref<1000x128xf32, #tpu.memory_space<vmem>>, %arg2: memref<128x128xf32, #tpu.memory_space<vmem>>, %arg3: memref<1000x128xf32, #tpu.memory_space<vmem>>) attributes {dimension_semantics = [#tpu.dimension_semantics<arbitrary>], iteration_bounds = array<i64: 10>, scalar_prefetch = 0 : i64, scratch_operands = 0 : i64, tpu.core_type = #tpu.core_type<tc>, window_params = [{transform_indices = @transform_0, window_bounds = array<i64: 1000, 128>}, {pipeline_mode = #tpu.pipeline_mode<synchronous>, transform_indices = @transform_1, window_bounds = array<i64: 128, 128>}, {transform_indices = @transform_2, window_bounds = array<i64: 1000, 128>}]} {
    %get3A = arith.constant 0 : index
    %get3A_0 = arith.constant 0 : index
    %get3A_1 = vector.load %arg1[%get3A, %get3A_0] : memref<1000x128xf32, #tpu.memory_space<vmem>>, vector<1000x128xf32>
    %get3A_2 = arith.constant 0 : index
    %get3A_3 = arith.constant 0 : index
    %get3A_4 = vector.load %arg2[%get3A_2, %get3A_3] : memref<128x128xf32, #tpu.memory_space<vmem>>, vector<128x128xf32>
    %dot_general3A = arith.constant dense<0.000000e+00> : vector<1000x128xf32>
    %dot_general3A_5 = tpu.matmul %get3A_1, %get3A_4, %dot_general3A {dimension_numbers = #tpu.dot_dimension_numbers<[1], [1], [0], [0], [0, 0, 1, 0], [], []>, transpose_lhs_hint = false} : vector<1000x128xf32>, vector<128x128xf32>, vector<1000x128xf32> -> vector<1000x128xf32>
    %swap3A = arith.constant 0 : index
    %swap3A_6 = arith.constant 0 : index
    %swap3A_7 = vector.load %arg3[%swap3A, %swap3A_6] : memref<1000x128xf32, #tpu.memory_space<vmem>>, vector<1000x128xf32>
    tpu.vector_store %arg3[%swap3A, %swap3A_6], %dot_general3A_5 {strides = array<i32>} : memref<1000x128xf32, #tpu.memory_space<vmem>>, vector<1000x128xf32>,
    return
  }
  func.func @transform_0(%arg0: i32) -> (i32, i32) {
    %c0_i32 = arith.constant 0 : i32
    %c0_i32_0 = arith.constant 0 : i32
    return %arg0, %c0_i32 : i32, i32
  }
  func.func @transform_1(%arg0: i32) -> (i32, i32) {
    %c0_i32 = arith.constant 0 : i32
    %c0_i32_0 = arith.constant 0 : i32
    %c0_i32_1 = arith.constant 0 : i32
    return %c0_i32, %c0_i32_0 : i32, i32
  }
  func.func @transform_2(%arg0: i32) -> (i32, i32) {
    %c0_i32 = arith.constant 0 : i32
    %c0_i32_0 = arith.constant 0 : i32
    return %arg0, %c0_i32 : i32, i32
  }
}

</mosaic_0001>

<sc_bundles>
// kernel: kernel.4.cloned.1.call-start
scs
__scs_entry_jumppad:
0x0: {  	(pc) =	sbr.rel $0x88, $3  }
0x1: {  	(tag) =	ssettag $0x0;
	lr =	simm.s32 $0x1  }
0x2: {  	[smem:$0x3F9E] =	sst lr;
	_ =	strace $0xD0000000  }
0x3: {  	_ = 	snop  }
0x4: {  	_ = 	snop  }
0x5: {  	_ = 	snop  }
0x6: {  	_ = 	snop  }
0x7: {  	_ = 	snop  }
__scs_overlays_trampoline_lowered:
0x8: {  	[smem:$0x3FAD] =	sst s0  }
0x9: {  	[smem:$0x3FAE] =	sst s1  }
0xa: {  	[smem:$0x3FAF] =	sst s2  }
0xb: {  	[smem:$0x3FB0] =	sst s3  }
0xc: {  	[smem:$0x3FB1] =	sst s4  }
0xd: {  	[smem:$0x3FB2] =	sst s5  }
0xe: {  	[smem:$0x3FB3] =	sst s6  }
0xf: {  	[smem:$0x3FB4] =	sst s7  }
0x10: {  	[smem:$0x3FB5] =	sst s8  }
0x11: {  	[smem:$0x3FB6] =	sst s9;
	s0 =	simm.s32 @!p0 $0x0  }
0x12: {  	s1 =	sld [smem:$0x3F9C];
	s0 =	simm.s32 @p0 $0x1  }
0x13: {  	[smem:$0x3FB7] =	sst s0;
	s0 =	simm.s32 @!p1 $0x0  }
0x14: {  	s2 =	sld [smem:$0x3F9B];
	s0 =	simm.s32 @p1 $0x1  }
0x15: {  	[smem:$0x3FB8] =	sst s0;
	s0 =	simm.s32 @!p2 $0x0  }
0x16: {  	s3 =	sld [smem:$0x3FDB];
	s0 =	simm.s32 @p2 $0x1  }
0x17: {  	s4 =	simm.s32 $0x1BF5;
	[smem:$0x3FBA] =	sst s0  }
0x18: {  	s0 =	sld [smem:$0x3F9D];
	_ =	swait.ge [sflag:s4], $0x0  }
0x19: {  	s7 =	sld [smem:$0x3F9E]  }
0x1a: {  	s8 =	sadd.s32 $0xFFFFE003, lr  }
0x1b: {  	s9 =	sadd.s32 $0xFFFFFEF7, lr;
	s5 =	simm.s32 $0xFFFFFFFF;
	p2 =	slt.u32 s8, $0xFFFFF086  }
0x1c: {  	p1 =	slt.u32 s9, $0xF7A;
	s5 =	simm.s32 @!p2 $0x0  }
0x1d: {  	s5 =	simm.s32 @p1 $0x1;
	p0 =	seq.s32 s7, s2  }
0x1e: {  	s7 =	smul.u32 @!p0 $0xF7A, s2;
	p2 =	seq.s32 @!p0 s5, $0x0  }
0x1f: {  	s9 =	smul.u32 $0xF7A, s1;
	s8 =	simm.s32 @!p0 $0x1BF5;
	p2 =	por !p2, p0  }
0x20: {  	[sflag:s8] =	ssyncset.s32 @!p0 $0xFFFFF086;
	s6 =	sadd.s32 @!p0 s3, s7;
	s7 =	simm.s32 @!p0 $0x108  }
0x21: {  	s3 =	sadd.s32 s3, s9;
	s6 =	sadd.s32 @!p0 $0x88, s6;
	s7 =	simm.s32 @p2 $0x1082  }
0x22: {  	[simem:s7], [sflag:s8] =	dma.local @!p0 [hbm:s6], $0xF7A  }
0x23: {  	s9 =	sor.u32 $0xD0000000, s2;
	s6 =	simm.s32 $0x108;
	_ =	swait.ge @!p0 [sflag:s8], $0x0  }
0x24: {  	s3 =	sadd.s32 $0x88, s3;
	s6 =	simm.s32 @!p1 $0x1082;
	[sflag:s4] =	ssyncset.s32 $0xFFFFF086  }
0x25: {  	[simem:s6], [sflag:s4] =	dma.local [hbm:s3], $0xF7A  }
0x26: {  	[smem:$0x3F9E] =	sst s1;
	(tag) =	ssettag s2;
	_ =	strace s9  }
0x27: {  	s1 =	sld [smem:$0x3FAE]  }
0x28: {  	s2 =	sld [smem:$0x3FAF]  }
0x29: {  	s4 =	sld [smem:$0x3FB1]  }
0x2a: {  	p0 =	seq.s32 s5, $0x0;
	s5 =	sld [smem:$0x3FB2]  }
0x2b: {  	s6 =	sld [smem:$0x3FB3]  }
0x2c: {  	s7 =	sld [smem:$0x3FB4]  }
0x2d: {  	s3 =	simm.s32 $0x108;
	s8 =	sld [smem:$0x3FB5]  }
0x2e: {  	s3 =	simm.s32 @!p0 $0x1082;
	s9 =	sld [smem:$0x3FB6]  }
0x2f: {  	lr =	sadd.s32 s0, s3;
	s0 =	sld [smem:$0x3FAD]  }
0x30: {  	s3 =	sld [smem:$0x3FB0]  }
0x31: {  	[smem:$0x3FB9] =	sst s10  }
0x32: {  	s10 =	sld [smem:$0x3FB7];
	_ =	sdelay $0x3  }
0x33: {  	p0 =	seq.s32 s10, $0x1;
	s10 =	sld [smem:$0x3FB9];
	_ =	sdelay $0x3  }
0x34: {  	[smem:$0x3FB9] =	sst s10  }
0x35: {  	s10 =	sld [smem:$0x3FB8];
	_ =	sdelay $0x3  }
0x36: {  	p1 =	seq.s32 s10, $0x1;
	s10 =	sld [smem:$0x3FB9];
	_ =	sdelay $0x3  }
0x37: {  	[smem:$0x3FB9] =	sst s10  }
0x38: {  	s10 =	sld [smem:$0x3FBA]  }
0x39: {  	_ = 	snop;
	(pc) =	sbr.ind lr, $3  }
0x3a: {  	_ = 	snop  }
0x3b: {  	_ = 	snop  }
0x3c: {  	p2 =	seq.s32 s10, $0x1;
	s10 =	sld [smem:$0x3FB9]  }
0x3d: {  	_ =	shalt  }
0x3e: {  	_ =	shalt  }
0x3f: {  	_ =	shalt  }
0x40: {  	_ =	shalt  }
0x41: {  	_ =	shalt  }
0x42: {  	_ =	shalt  }
0x43: {  	_ =	shalt  }
0x44: {  	_ =	shalt  }
0x45: {  	_ =	shalt  }
0x46: {  	_ =	shalt  }
0x47: {  	_ =	shalt  }
0x48: {  	_ =	shalt  }
0x49: {  	_ =	shalt  }
0x4a: {  	_ =	shalt  }
0x4b: {  	_ =	shalt  }
0x4c: {  	_ =	shalt  }
0x4d: {  	_ =	shalt  }
0x4e: {  	_ =	shalt  }
0x4f: {  	_ =	shalt  }
0x50: {  	_ =	shalt  }
0x51: {  	_ =	shalt  }
0x52: {  	_ =	shalt  }
0x53: {  	_ =	shalt  }
0x54: {  	_ =	shalt  }
0x55: {  	_ =	shalt  }
0x56: {  	_ =	shalt  }
0x57: {  	_ =	shalt  }
0x58: {  	_ =	shalt  }
0x59: {  	_ =	shalt  }
0x5a: {  	_ =	shalt  }
0x5b: {  	_ =	shalt  }
0x5c: {  	_ =	shalt  }
0x5d: {  	_ =	shalt  }
0x5e: {  	_ =	shalt  }
0x5f: {  	_ =	shalt  }
0x60: {  	_ =	shalt  }
0x61: {  	_ =	shalt  }
0x62: {  	_ =	shalt  }
0x63: {  	_ =	shalt  }
0x64: {  	_ =	shalt  }
0x65: {  	_ =	shalt  }
0x66: {  	_ =	shalt  }
0x67: {  	_ =	shalt  }
0x68: {  	_ =	shalt  }
0x69: {  	_ =	shalt  }
0x6a: {  	_ =	shalt  }
0x6b: {  	_ =	shalt  }
0x6c: {  	_ =	shalt  }
0x6d: {  	_ =	shalt  }
0x6e: {  	_ =	shalt  }
0x6f: {  	_ =	shalt  }
0x70: {  	_ =	shalt  }
0x71: {  	_ =	shalt  }
0x72: {  	_ =	shalt  }
0x73: {  	_ =	shalt  }
0x74: {  	_ =	shalt  }
0x75: {  	_ =	shalt  }
0x76: {  	_ =	shalt  }
0x77: {  	_ =	shalt  }
0x78: {  	_ =	shalt  }
0x79: {  	_ =	shalt  }
0x7a: {  	_ =	shalt  }
0x7b: {  	_ =	shalt  }
0x7c: {  	_ =	shalt  }
0x7d: {  	_ =	shalt  }
0x7e: {  	_ =	shalt  }
0x7f: {  	_ =	shalt  }
0x80: {  	_ =	shalt  }
0x81: {  	_ =	shalt  }
0x82: {  	_ =	shalt  }
0x83: {  	_ =	shalt  }
0x84: {  	_ =	shalt  }
0x85: {  	_ =	shalt  }
0x86: {  	_ =	shalt  }
0x87: {  	_ =	shalt  }
.Lfunc_end0:
.L_simem_size_0:
called_computation_lowered:
.L_overlay_start_0:
0x88: {  	s2 =	sld [smem:$0x3FD9]  }
0x89: {  	s3 =	sld [smem:$0x3FFE];
	_ =	sdelay $0x1  }
0x8a: {  	s1 =	srdreg.scid  }
0x8b: {  	s0 =	sand.u32 $0x1, s1  }
0x8c: {  	s17 =	sshll.u32 s0, $0xA;
	s2 =	sadd.s32 s3, s2  }
0x8d: {  	s2 =	sadd.s32 s2, s17  }
0x8e: {  	[smem:$0x3FC5] =	sst s2  }
0x8f: {  	_ = 	snop  }
0x90: {  	s2 =	sld [smem:$0x3FD0];
	(tm) =	ssettm $0x1  }
0x91: {  	s18 =	sld [smem:$0x3FFB];
	_ =	sdelay $0x3  }
0x92: {  	_ =	strace s18  }
0x93: {  	s3 =	sld [smem:$0x3FFC];
	_ =	sdelay $0x3  }
0x94: {  	_ =	strace s3  }
0x95: {  	s3 =	sld [smem:$0x3FFD];
	_ =	sdelay $0x3  }
0x96: {  	_ =	strace s3  }
0x97: {  	_ =	strace $0x8FFFFFFF  }
0x98: {  	s19 =	sld [smem:$0x3FDB];
	_ =	sdelay $0x1  }
0x99: {  	s4 =	simm.s32 $_scs_section_size  }
0x9a: {  	s5 =	simm.s32 $_size__tile_overlayer_lowered;
	s6 =	simm.s32 $_tile_overlayer_lowered  }
0x9b: {  	s22 =	simm.s32 $0x1BFF;
	s21 =	sshll.u32 s6, $0x1;
	s3 =	sadd.s32 s4, s19  }
0x9c: {  	s7 =	simm.s32 $0x0;
	s20 =	sshll.u32 s5, $0x1;
	s5 =	sadd.s32 s21, s3  }
0x9d: {  	[timem:s7], [sflag:s22] =	dma.local [hbm:s5], s20  }
0x9e: {  	_ =	swait.ge [sflag:s22], s20  }
0x9f: {  	s4 =	ssub.s32 $0x0, s20;
	[sflag:s22] =	ssyncset.done $0x0  }
0xa0: {  	[sflag:s22] =	ssyncadd.s32 s4;
	_ =	sdelay $0x1  }
0xa1: {  	s23 =	simm.s32 $0x1B8B  }
0xa2: {  	_ =	swait.ge [sflag:s23], $0x1  }
0xa3: {  	[sflag:s23] =	ssyncset.done $0x0  }
0xa4: {  	s25 =	simm.s32 $0x1B8E;
	s24 =	sld [smem:$0x3FFE];
	[sflag:s23] =	ssyncadd.s32 $0xFFFFFFFF  }
0xa5: {  	s26 =	simm.s32 $execute0_lowered;
	[smem:$0x3FD2] =	sst s25  }
0xa6: {  	s5 =	sshll.u32 s26, $0x1;
	_ =	strace $0x80000046;
	[dreg:$0x1] =	wrdreg $0xFFFFFFFF  }
0xa7: {  	s28 =	simm.s32 $_size_execute0_lowered;
	s3 =	sadd.s32 s3, s5;
	[dreg:$0x0] =	wrdreg $0x0  }
0xa8: {  	s5 =	sshll.u32 s28, $0x1;
	[dreg:$0x2] =	wrdreg s3  }
0xa9: {  	[dreg:$0x3] =	wrdreg s5  }
0xaa: {  	[dreg:$0x4] =	wrdreg $0xC0  }
0xab: {  	_ =	task [dreg:s7], $0x5FFFF  }
0xac: {  	[dreg:$0x1] =	wrdreg $0xFFFFFFFF  }
0xad: {  	[dreg:$0x0] =	wrdreg $0x60  }
0xae: {  	[dreg:$0x2] =	wrdreg s2  }
0xaf: {  	[dreg:$0x3] =	wrdreg s24  }
0xb0: {  	[dreg:$0x4] =	wrdreg $0x9  }
0xb1: {  	_ =	task.clear_ibuf [dreg:s7], $0x5FFFF;
	_ =	strace $0x90000046  }
0xb2: {  	s29 =	simm.s32 $0x9;
	_ =	strace $0x80000048  }
0xb3: {  	_ =	swait.ge [sflag:s29], $0x1  }
0xb4: {  	[sflag:s29] =	ssyncadd.s32 $0xFFFFFFFF  }
0xb5: {  	_ =	strace $0x90000048  }
0xb6: {  	_ =	sfence  }
0xb7: {  	s30 =	sld [smem:$0x0];
	_ =	sdelay $0x2  }
0xb8: {  	s31 =	sshll.u32 s1, $0xD;
	s1 =	sshrl.u32 s1, $0x2  }
0xb9: {  	s3 =	sand.u32 $0x4000, s31;
	s1 =	sadd.s32 s1, s30  }
0xba: {  	s0 =	sor.u32 s3, s0;
	s1 =	sshll.u32 s1, $0x11  }
0xbb: {  	s0 =	sor.u32 s1, s0  }
0xbc: {  	s0 =	sadd.s32 $0x8F2B, s0  }
0xbd: {  	[sflag:s0] =	ssyncadd.remote.s32 $0x1  }
0xbe: {  	_ =	sfence.sel $0xFFFF  }
0xbf: {  	[dreg:$0x0] =	wrdreg $0xFFFFFFFF;
	(pc) =	sbr.abs _section_cstart, $3  }
0xc0: {  	[dreg:$0x1] =	wrdreg $0xFFFFFFFF  }
0xc1: {  	_ =	task.clear_ibuf [dreg:s7], $0x2FFFF;
	_ =	strace $0x9FFFFFFF  }
0xc2: {  	(tm) =	ssettm $0x7FFFFFFF  }
0xc3: {  	_ =	shalt  }
tec
execute0_lowered:
.L_overlay_start_1:
0x0: {  	(tag) =	ssettag $0x1  }
0x1: {  	s1 =	rddreg [dreg:$0x0]  }
0x2: {  	s4 =	rddreg [dreg:$0x1]  }
0x3: {  	s0 =	rddreg [dreg:$0x2];
	s3 =	simm.s32 $0x0  }
0x4: {  	s5 =	srdreg.scid;
	s2 =	stileid.u32;
	s12 =	simm.s32 $0x2900  }
0x5: {  	s13 =	simm.s32 $0x2880;
	s14 =	simm.s32 $0x6900;
	s15 =	simm.s32 $0x1  }
0x6: {  	s16 =	simm.s32 $0x2;
	s17 =	simm.s32 $0xA900;
	s18 =	simm.s32 $0x0  }
0x7: {  	[smem:$0x7FF] =	sst s3;
	s5 =	sand.u32 $0x1, s5;
	s8 =	smul.u32 $0x140, s2  }
0x8: {  	s6 =	sadd.s32 $0x1000, s4;
	s9 =	sadd.s32 $0xAE00, s4;
	s10 =	smul.u32 $0x4E0, s2  }
0x9: {  	s29 =	smul.u32 $0x1380, s2;
	_ =	strace $0x80000047;
	s7 =	ssub.s32 $0x2, s5  }
.Ltmp0:
0xa: {  	p0 =	seq.s32 s5, $0x1;
	s28 =	sshrl.u32 s7, $0x1;
	(pc) =	sbr.rel .LBB2_1-.Ltmp0, $4  }
0xb: {  	s8 =	sadd.s32 $0x1380, s8;
	s4 =	sadd.s32 s6, s10;
	s5 =	sadd.s32 s9, s29  }
0xc: {  	s10 =	simm.s32 $0x80;
	s30 =	sshll.u32 s8, $0x2;
	s31 =	sshll.u32 s8, $0x4  }
0xd: {  	s11 =	ssub.s32 s7, s28;
	s6 =	sadd.s32 s6, s30;
	s7 =	sadd.s32 s9, s31  }
0xe: {  	s8 =	smax.u32 s11, $0x1;
	s9 =	simm.s32 $0x3;
	s11 =	simm.s32 $0x2800  }
.LBB2_16:
0xf: {  	s18 =	sadd.s32 $0x1, s18  }
0x10: {  	p1 =	sne.s32 s18, s8  }
.Ltmp1:
0x11: {  	_ = 	snop;
	(pc) =	sbr.rel @!p1 .LBB2_17-.Ltmp1, $1  }
0x12: {  	_ =	sdelay $0x3  }
.LBB2_1:
.Ltmp2:
0x13: {  	(pc) =	sbr.rel @!p0 .LBB2_2-.Ltmp2, $2  }
0x14: {  	_ =	sdelay $0x2  }
0x15: {  	s19 =	simm.s32 $0x0  }
0x16: {  	[tilespmem:s19], [sflag:$0x3] =	stream.linear.gather [hbm4b:s6+s19], $0x2800, $0x38;
	[tilespmem:$0x14900] =	vst v63  }
0x17: {  	_ =	swait.ge [sflag:s9], $0x2800  }
0x18: {  	[sflag:s9] =	ssyncset.done $0x0  }
0x19: {  	[sflag:s9] =	ssyncadd.s32 $0xFFFFD800  }
0x1a: {  	v0 =	vld [tilespmem:$0x0]  }
0x1b: {  	v1 =	vld [tilespmem:$0x10]  }
0x1c: {  	v2 =	vld [tilespmem:$0x20]  }
0x1d: {  	v3 =	vld [tilespmem:$0x30]  }
0x1e: {  	v4 =	vld [tilespmem:$0x40]  }
0x1f: {  	v61 =	vld [tilespmem:$0x50];
	[tilespmem:$0x2800] =	vst v0  }
0x20: {  	v62 =	vld [tilespmem:$0x60];
	[tilespmem:$0x2810] =	vst v1  }
0x21: {  	v63 =	vld [tilespmem:$0x70];
	[tilespmem:$0x2820] =	vst v2  }
0x22: {  	[tilespmem:$0x2830] =	vst v3  }
0x23: {  	[tilespmem:$0x2840] =	vst v4  }
0x24: {  	[tilespmem:$0x2850] =	vst v61  }
0x25: {  	[tilespmem:$0x2860] =	vst v62  }
0x26: {  	[tilespmem:$0x2870] =	vst v63  }
0x27: {  	[tilespmem:s12], [sflag:$0x1] =	stream.indirect.gather [hbm4b:s1+s10], $0x80, s11, s10, $0xb8;
	[tilespmem:$0x14900] =	vst v63  }
.LBB2_10:
0x28: {  	s20 =	sshllo.u32 s19, $0x1  }
0x29: {  	s21 =	sshll.u32 s20, $0x7  }
0x2a: {  	s21 =	sand.u32 $0x3FFFFF80, s21  }
0x2b: {  	v0 =	vld [tilespmem:s21+$0x0];
	_ =	sdelay $0x4  }
0x2c: {  	[tilespmem:$0x2880] =	vst v0  }
0x2d: {  	v0 =	vld [tilespmem:s21+$0x10];
	_ =	sdelay $0x4  }
0x2e: {  	[tilespmem:$0x2890] =	vst v0  }
0x2f: {  	v0 =	vld [tilespmem:s21+$0x20];
	_ =	sdelay $0x4  }
0x30: {  	[tilespmem:$0x28A0] =	vst v0  }
0x31: {  	v0 =	vld [tilespmem:s21+$0x30];
	_ =	sdelay $0x4  }
0x32: {  	[tilespmem:$0x28B0] =	vst v0  }
0x33: {  	v0 =	vld [tilespmem:s21+$0x40];
	_ =	sdelay $0x4  }
0x34: {  	[tilespmem:$0x28C0] =	vst v0  }
0x35: {  	v0 =	vld [tilespmem:s21+$0x50];
	_ =	sdelay $0x4  }
0x36: {  	[tilespmem:$0x28D0] =	vst v0  }
0x37: {  	v0 =	vld [tilespmem:s21+$0x60];
	_ =	sdelay $0x4  }
0x38: {  	[tilespmem:$0x28E0] =	vst v0  }
0x39: {  	v0 =	vld [tilespmem:s21+$0x70];
	_ =	sdelay $0x4  }
0x3a: {  	[tilespmem:$0x28F0] =	vst v0  }
0x3b: {  	[tilespmem:s14], [sflag:$0x2] =	stream.indirect.gather [hbm4b:s1+s10], $0x80, s13, s10, $0xb8;
	[tilespmem:$0x14900] =	vst v63  }
0x3c: {  	s31 =	sshll.u32 s19, $0xA;
	_ =	swait.ge [sflag:s15], $0x4000  }
0x3d: {  	s22 =	simm.s32 $0x0;
	s21 =	sand.u32 $0x3FFFFC00, s31;
	[sflag:s15] =	ssyncset.done $0x0  }
0x3e: {  	s23 =	simm.s32 $0x0;
	s21 =	sadd.s32 $0xA900, s21;
	[sflag:s15] =	ssyncadd.s32 $0xFFFFC000  }
.LBB2_11:
0x3f: {  	s25 =	sshll.u32 s23, $0x9  }
0x40: {  	s24 =	sand.u32 $0x70, s22;
	s25 =	sand.u32 $0x3FFFF000, s25  }
0x41: {  	s25 =	sor.u32 s24, s25  }
0x42: {  	v0 =	vld [tilespmem:s25+$0x2900]  }
0x43: {  	v1 =	vld [tilespmem:s25+$0x2980]  }
0x44: {  	v2 =	vld [tilespmem:s25+$0x2A00]  }
0x45: {  	v3 =	vld [tilespmem:s25+$0x2A80]  }
0x46: {  	v4 =	vld [tilespmem:s25+$0x2B00]  }
0x47: {  	v5 =	vld [tilespmem:s25+$0x2B80]  }
0x48: {  	v6 =	vld [tilespmem:s25+$0x2C00]  }
0x49: {  	v7 =	vld [tilespmem:s25+$0x2C80]  }
0x4a: {  	v24 =	vld [tilespmem:s25+$0x2D00]  }
0x4b: {  	v11 =	vld [tilespmem:s25+$0x2D80]  }
0x4c: {  	v27 =	vld [tilespmem:s25+$0x2E00]  }
0x4d: {  	v13 =	vld [tilespmem:s25+$0x2E80]  }
0x4e: {  	v30 =	vld [tilespmem:s25+$0x2F00]  }
0x4f: {  	v15 =	vld [tilespmem:s25+$0x2F80]  }
0x50: {  	v33 =	vld [tilespmem:s25+$0x3000]  }
0x51: {  	v35 =	vld [tilespmem:s25+$0x3080]  }
0x52: {  	v8 =	vmin.f32 v0, v1  }
0x53: {  	v0 =	vmax.f32 v0, v1;
	v19 =	vmin.f32 v2, v3;
	v2 =	vmax.f32 v2, v3  }
0x54: {  	v9 =	vmin.f32 v4, v5;
	v4 =	vmax.f32 v4, v5;
	v23 =	vmin.f32 v6, v7  }
0x55: {  	v6 =	vmax.f32 v6, v7;
	v36 =	vmin.f32 v24, v11;
	v37 =	vmin.f32 v27, v13  }
0x56: {  	v7 =	vmax.f32 v24, v11;
	v41 =	vmin.f32 v30, v15;
	v42 =	vmin.f32 v33, v35  }
0x57: {  	v20 =	vmin.f32 v8, v19;
	v1 =	vmax.f32 v8, v19;
	v21 =	vmin.f32 v0, v2  }
0x58: {  	v0 =	vmax.f32 v0, v2;
	v25 =	vmax.f32 v9, v23;
	v10 =	vmin.f32 v4, v6  }
0x59: {  	v5 =	vmin.f32 v9, v23;
	v4 =	vmax.f32 v4, v6;
	v9 =	vmax.f32 v27, v13  }
0x5a: {  	v38 =	vmin.f32 v36, v37;
	v6 =	vmax.f32 v30, v15;
	v43 =	vmin.f32 v41, v42  }
0x5b: {  	v22 =	vmin.f32 v21, v1;
	v1 =	vmax.f32 v21, v1;
	v26 =	vmax.f32 v10, v25  }
0x5c: {  	v8 =	vmin.f32 v10, v25;
	v28 =	vmax.f32 v20, v5;
	v3 =	vmin.f32 v20, v5  }
0x5d: {  	v14 =	vmin.f32 v0, v4;
	v4 =	vmax.f32 v0, v4;
	v0 =	vmax.f32 v36, v37  }
0x5e: {  	v39 =	vmin.f32 v7, v9;
	v7 =	vmax.f32 v7, v9;
	v5 =	vmax.f32 v33, v35  }
0x5f: {  	v46 =	vmin.f32 v38, v43;
	v12 =	vmin.f32 v1, v26;
	v1 =	vmax.f32 v1, v26  }
0x60: {  	v31 =	vmax.f32 v22, v8;
	v2 =	vmin.f32 v22, v8;
	v40 =	vmin.f32 v39, v0  }
0x61: {  	v0 =	vmax.f32 v39, v0;
	v44 =	vmin.f32 v6, v5;
	v5 =	vmax.f32 v6, v5  }
0x62: {  	v8 =	vmax.f32 v38, v43;
	v29 =	vmin.f32 v12, v28;
	v10 =	vmax.f32 v12, v28  }
0x63: {  	v32 =	vmin.f32 v14, v31;
	v12 =	vmax.f32 v14, v31;
	v50 =	vmin.f32 v7, v5  }
0x64: {  	v20 =	vld [tilespmem:s25+$0x3200];
	v5 =	vmax.f32 v7, v5;
	v34 =	vmin.f32 v2, v29;
	v2 =	vmax.f32 v2, v29  }
0x65: {  	v21 =	vld [tilespmem:s25+$0x3280];
	v17 =	vmin.f32 v12, v1;
	v1 =	vmax.f32 v12, v1;
	v12 =	vmax.f32 v41, v42  }
0x66: {  	v16 =	vmin.f32 v32, v10;
	v45 =	vmin.f32 v44, v12;
	v12 =	vmax.f32 v44, v12  }
0x67: {  	v25 =	vld [tilespmem:s25+$0x3300];
	v10 =	vmax.f32 v32, v10;
	v39 =	vmin.f32 v4, v5;
	v47 =	vmin.f32 v0, v12  }
0x68: {  	v26 =	vld [tilespmem:s25+$0x3380];
	v0 =	vmax.f32 v0, v12;
	v49 =	vmin.f32 v40, v45;
	v6 =	vmax.f32 v40, v45  }
0x69: {  	v48 =	vmin.f32 v47, v8;
	v8 =	vmax.f32 v47, v8;
	v51 =	vmin.f32 v50, v6  }
0x6a: {  	v6 =	vmax.f32 v50, v6;
	v47 =	vmax.f32 v20, v21;
	v52 =	vmin.f32 v49, v48  }
0x6b: {  	v11 =	vmax.f32 v49, v48;
	v53 =	vmin.f32 v51, v8;
	v7 =	vmax.f32 v51, v8  }
0x6c: {  	v27 =	vld [tilespmem:s25+$0x3400];
	v54 =	vmin.f32 v6, v0;
	v6 =	vmax.f32 v6, v0;
	v0 =	vmin.f32 v3, v46  }
0x6d: {  	v28 =	vld [tilespmem:s25+$0x3480];
	v3 =	vmax.f32 v3, v46;
	v46 =	vmin.f32 v20, v21;
	v51 =	vmin.f32 v25, v26  }
0x6e: {  	v55 =	vmin.f32 v10, v7;
	v7 =	vmax.f32 v10, v7;
	v57 =	vmin.f32 v2, v11  }
0x6f: {  	v2 =	vmax.f32 v2, v11;
	v58 =	vmin.f32 v1, v6;
	v18 =	vmax.f32 v1, v6  }
0x70: {  	v32 =	vmin.f32 v34, v52;
	v33 =	vmax.f32 v34, v52;
	v34 =	vmin.f32 v17, v54  }
0x71: {  	v35 =	vmax.f32 v17, v54;
	v38 =	vmin.f32 v16, v53;
	v12 =	vmax.f32 v16, v53  }
0x72: {  	v1 =	vmax.f32 v4, v5;
	v52 =	vmax.f32 v25, v26;
	v53 =	vmin.f32 v27, v28  }
0x73: {  	v54 =	vmax.f32 v27, v28;
	v56 =	vmin.f32 v55, v3;
	v3 =	vmax.f32 v55, v3  }
0x74: {  	v37 =	vld [tilespmem:s25+$0x3100];
	v59 =	vmin.f32 v58, v2;
	v2 =	vmax.f32 v58, v2;
	v36 =	vmin.f32 v34, v33  }
0x75: {  	v40 =	vld [tilespmem:s25+$0x3180];
	v41 =	vmin.f32 v39, v12;
	v42 =	vmax.f32 v39, v12;
	v26 =	vmin.f32 v52, v54  }
0x76: {  	v21 =	vmin.f32 v51, v53;
	v60 =	vmin.f32 v57, v56;
	v10 =	vmax.f32 v57, v56  }
0x77: {  	v61 =	vmin.f32 v59, v3;
	v62 =	vmax.f32 v59, v3;
	v63 =	vmin.f32 v2, v7  }
0x78: {  	v19 =	vmax.f32 v2, v7;
	v3 =	vmax.f32 v34, v33;
	v43 =	vmin.f32 v38, v36  }
0x79: {  	v9 =	vmax.f32 v38, v36;
	v23 =	vmin.f32 v42, v35;
	v24 =	vmax.f32 v42, v35  }
0x7a: {  	v45 =	vmin.f32 v37, v40;
	v16 =	vmax.f32 v37, v40;
	v56 =	vmax.f32 v51, v53  }
0x7b: {  	v44 =	vmin.f32 v41, v3;
	v22 =	vmax.f32 v41, v3;
	v5 =	vmin.f32 v32, v60  }
0x7c: {  	v8 =	vmax.f32 v32, v60;
	v3 =	vmin.f32 v43, v10;
	v12 =	vmax.f32 v43, v10  }
0x7d: {  	v6 =	vmin.f32 v9, v61;
	v11 =	vmax.f32 v9, v61;
	v7 =	vmin.f32 v23, v19  }
0x7e: {  	v15 =	vmax.f32 v23, v19;
	v10 =	vmin.f32 v24, v18;
	v14 =	vmax.f32 v24, v18  }
0x7f: {  	v48 =	vmin.f32 v45, v46;
	v17 =	vmax.f32 v45, v46;
	v49 =	vmin.f32 v16, v47  }
0x80: {  	v29 =	vld [tilespmem:s25+$0x3680];
	v16 =	vmax.f32 v16, v47;
	v58 =	vmax.f32 v26, v56;
	v18 =	vmin.f32 v26, v56  }
0x81: {  	v55 =	vld [tilespmem:s25+$0x3500];
	v4 =	vmin.f32 v44, v62;
	v2 =	vmax.f32 v44, v62;
	v9 =	vmin.f32 v22, v63  }
0x82: {  	v57 =	vld [tilespmem:s25+$0x3580];
	v13 =	vmax.f32 v22, v63;
	v50 =	vmin.f32 v49, v17;
	v17 =	vmax.f32 v49, v17  }
0x83: {  	v59 =	vld [tilespmem:s25+$0x3600];
	v22 =	vmax.f32 v52, v54;
	v60 =	vmax.f32 v48, v21;
	v20 =	vmin.f32 v48, v21  }
0x84: {  	v37 =	vld [tilespmem:s25+$0x3800];
	v61 =	vmin.f32 v17, v58;
	v17 =	vmax.f32 v17, v58;
	v35 =	vmax.f32 v50, v18  }
0x85: {  	v38 =	vld [tilespmem:s25+$0x3880];
	v30 =	vmin.f32 v16, v22;
	v18 =	vmin.f32 v50, v18;
	v16 =	vmax.f32 v16, v22  }
0x86: {  	v62 =	vmin.f32 v61, v60;
	v26 =	vmax.f32 v61, v60;
	v36 =	vmin.f32 v30, v35  }
0x87: {  	v31 =	vld [tilespmem:s25+$0x3780];
	v28 =	vmax.f32 v30, v35;
	v30 =	vmin.f32 v18, v62;
	v18 =	vmax.f32 v18, v62  }
0x88: {  	v63 =	vld [tilespmem:s25+$0x3700];
	v32 =	vmin.f32 v36, v26;
	v19 =	vmax.f32 v36, v26;
	v26 =	vmin.f32 v28, v17  }
0x89: {  	v17 =	vmax.f32 v28, v17;
	v39 =	vmin.f32 v55, v57;
	v33 =	vmin.f32 v59, v29  }
0x8a: {  	v25 =	vmax.f32 v55, v57;
	v24 =	vmax.f32 v59, v29;
	v43 =	vmin.f32 v37, v38  }
0x8b: {  	v21 =	vmax.f32 v37, v38;
	v28 =	vmax.f32 v39, v33;
	v29 =	vmin.f32 v25, v24  }
0x8c: {  	v40 =	vmin.f32 v39, v33;
	v24 =	vmax.f32 v25, v24;
	v41 =	vmin.f32 v29, v28  }
0x8d: {  	v28 =	vmax.f32 v29, v28;
	v42 =	vmin.f32 v63, v31;
	v23 =	vmax.f32 v63, v31  }
0x8e: {  	v44 =	vmin.f32 v42, v43;
	v29 =	vmax.f32 v42, v43;
	v45 =	vmin.f32 v23, v21  }
0x8f: {  	v21 =	vmax.f32 v23, v21;
	v46 =	vmin.f32 v45, v29;
	v29 =	vmax.f32 v45, v29  }
0x90: {  	v47 =	vmin.f32 v40, v44;
	v22 =	vmax.f32 v40, v44;
	v51 =	vmin.f32 v24, v21  }
0x91: {  	v21 =	vmax.f32 v24, v21;
	v48 =	vmin.f32 v28, v29;
	v28 =	vmax.f32 v28, v29  }
0x92: {  	v50 =	vmin.f32 v41, v46;
	v23 =	vmax.f32 v41, v46;
	v56 =	vmin.f32 v20, v47  }
0x93: {  	v20 =	vmax.f32 v20, v47;
	v41 =	vmin.f32 v16, v21;
	v16 =	vmax.f32 v16, v21  }
0x94: {  	v49 =	vmin.f32 v48, v22;
	v22 =	vmax.f32 v48, v22;
	v52 =	vmin.f32 v51, v23  }
0x95: {  	v23 =	vmax.f32 v51, v23;
	v0 =	vmax.f32 v0, v56;
	v1 =	vmin.f32 v1, v16  }
0x96: {  	v53 =	vmin.f32 v50, v49;
	v27 =	vmax.f32 v50, v49;
	v54 =	vmin.f32 v52, v22  }
0x97: {  	v22 =	vmax.f32 v52, v22;
	v55 =	vmin.f32 v23, v28;
	v23 =	vmax.f32 v23, v28  }
0x98: {  	v57 =	vmin.f32 v19, v22;
	v19 =	vmax.f32 v19, v22;
	v59 =	vmin.f32 v18, v27  }
0x99: {  	v18 =	vmax.f32 v18, v27;
	v60 =	vmin.f32 v17, v23;
	v17 =	vmax.f32 v17, v23  }
0x9a: {  	v37 =	vmin.f32 v30, v53;
	v25 =	vmax.f32 v30, v53;
	v38 =	vmin.f32 v26, v55  }
0x9b: {  	v24 =	vmax.f32 v26, v55;
	v40 =	vmin.f32 v32, v54;
	v29 =	vmax.f32 v32, v54  }
0x9c: {  	v58 =	vmin.f32 v57, v20;
	v20 =	vmax.f32 v57, v20;
	v61 =	vmin.f32 v60, v18  }
0x9d: {  	v18 =	vmax.f32 v60, v18;
	v39 =	vmin.f32 v38, v25;
	v25 =	vmax.f32 v38, v25  }
0x9e: {  	v42 =	vmin.f32 v41, v29;
	v29 =	vmax.f32 v41, v29;
	v62 =	vmin.f32 v59, v58  }
0x9f: {  	v22 =	vmax.f32 v59, v58;
	v63 =	vmin.f32 v61, v20;
	v20 =	vmax.f32 v61, v20  }
0xa0: {  	v36 =	vmin.f32 v18, v19;
	v18 =	vmax.f32 v18, v19;
	v43 =	vmin.f32 v40, v39  }
0xa1: {  	v26 =	vmax.f32 v40, v39;
	v44 =	vmin.f32 v42, v25;
	v21 =	vmax.f32 v42, v25  }
0xa2: {  	v45 =	vmin.f32 v29, v24;
	v24 =	vmax.f32 v29, v24;
	v46 =	vmin.f32 v37, v62  }
0xa3: {  	v19 =	vmax.f32 v37, v62;
	v47 =	vmin.f32 v43, v22;
	v22 =	vmax.f32 v43, v22  }
0xa4: {  	v48 =	vmin.f32 v26, v63;
	v26 =	vmax.f32 v26, v63;
	v49 =	vmin.f32 v44, v20  }
0xa5: {  	v20 =	vmax.f32 v44, v20;
	v50 =	vmin.f32 v21, v36;
	v21 =	vmax.f32 v21, v36  }
0xa6: {  	v51 =	vmin.f32 v45, v18;
	v18 =	vmax.f32 v45, v18;
	v52 =	vmin.f32 v24, v17  }
0xa7: {  	v17 =	vmax.f32 v24, v17;
	v53 =	vmin.f32 v2, v20;
	v12 =	vmax.f32 v12, v22  }
0xa8: {  	v15 =	vmin.f32 v15, v18;
	v8 =	vmax.f32 v8, v19;
	v13 =	vmin.f32 v13, v21  }
0xa9: {  	v11 =	vmax.f32 v11, v26;
	v14 =	vmin.f32 v14, v17;
	v5 =	vmax.f32 v5, v46  }
0xaa: {  	v9 =	vmin.f32 v9, v50;
	v6 =	vmax.f32 v6, v48;
	v54 =	vmin.f32 v10, v52  }
0xab: {  	v3 =	vmax.f32 v3, v47;
	v7 =	vmin.f32 v7, v51;
	v58 =	vmin.f32 v4, v49  }
0xac: {  	v4 =	vmax.f32 v4, v49;
	v0 =	vmax.f32 v53, v0;
	v18 =	vmin.f32 v15, v12  }
0xad: {  	v8 =	vmax.f32 v13, v8;
	v11 =	vmin.f32 v14, v11;
	v5 =	vmax.f32 v9, v5  }
0xae: {  	v6 =	vmin.f32 v54, v6;
	v57 =	vmin.f32 v7, v3;
	v3 =	vmax.f32 v7, v3  }
0xaf: {  	v1 =	vmin.f32 v1, v4;
	v0 =	vmax.f32 v18, v0;
	v13 =	vmin.f32 v11, v8  }
0xb0: {  	v56 =	vmin.f32 v6, v5;
	v59 =	vmax.f32 v58, v57;
	v5 =	vmax.f32 v6, v5  }
0xb1: {  	v1 =	vmin.f32 v1, v3;
	v55 =	vmin.f32 v13, v0;
	v60 =	vmax.f32 v59, v56  }
0xb2: {  	v61 =	vmin.f32 v1, v5;
	v3 =	vmax.f32 v60, v55  }
0xb3: {  	v2 =	vmax.f32 v2, v20;
	v62 =	vmax.f32 v15, v12;
	v3 =	vadd.f32 v3, v61  }
0xb4: {  	v2 =	vmin.f32 v62, v2;
	v63 =	vmax.f32 v11, v8;
	v0 =	vmax.f32 v13, v0  }
0xb5: {  	v2 =	vmin.f32 v63, v2;
	v1 =	vmax.f32 v1, v5;
	v0 =	vadd.f32 v3, v0  }
0xb6: {  	p1 =	sne.s32 s23, $0x1F;
	v1 =	vmin.f32 v1, v2  }
.Ltmp3:
0xb7: {  	s31 =	sshll.u32 s23, $0x4;
	v0 =	vadd.f32 v0, v1;
	(pc) =	sbr.rel @p1 .LBB2_11-.Ltmp3, $4  }
0xb8: {  	s25 =	sand.u32 $0x3FFFFF80, s31  }
0xb9: {  	s25 =	sadd.s32 s25, s21;
	v0 =	vmul.f32 $2.500000000e-01, v0  }
0xba: {  	s24 =	sadd.s32 s24, s25  }
0xbb: {  	s22 =	sadd.s32 $0x10, s22;
	s23 =	sadd.s32 $0x1, s23;
	[tilespmem:s24+$0x0] =	vst v0  }
0xbc: {  	p1 =	seq.s32 s19, $0x27  }
0xbd: {  	s21 =	sshll.u32 @!p1 s19, $0x8  }
0xbe: {  	s21 =	sand.u32 @!p1 $0x3FFFFF00, s21  }
0xbf: {  	v0 =	vld @!p1 [tilespmem:s21+$0x100];
	_ =	sdelay $0x4  }
0xc0: {  	[tilespmem:$0x2800] =	vst @!p1 v0  }
0xc1: {  	v0 =	vld @!p1 [tilespmem:s21+$0x110];
	_ =	sdelay $0x4  }
0xc2: {  	[tilespmem:$0x2810] =	vst @!p1 v0  }
0xc3: {  	v0 =	vld @!p1 [tilespmem:s21+$0x120];
	_ =	sdelay $0x4  }
0xc4: {  	[tilespmem:$0x2820] =	vst @!p1 v0  }
0xc5: {  	v0 =	vld @!p1 [tilespmem:s21+$0x130];
	_ =	sdelay $0x4  }
0xc6: {  	[tilespmem:$0x2830] =	vst @!p1 v0  }
0xc7: {  	v0 =	vld @!p1 [tilespmem:s21+$0x140];
	_ =	sdelay $0x4  }
0xc8: {  	[tilespmem:$0x2840] =	vst @!p1 v0  }
0xc9: {  	v0 =	vld @!p1 [tilespmem:s21+$0x150];
	_ =	sdelay $0x4  }
0xca: {  	[tilespmem:$0x2850] =	vst @!p1 v0  }
0xcb: {  	v0 =	vld @!p1 [tilespmem:s21+$0x160];
	_ =	sdelay $0x4  }
0xcc: {  	[tilespmem:$0x2860] =	vst @!p1 v0  }
0xcd: {  	v0 =	vld @!p1 [tilespmem:s21+$0x170];
	_ =	sdelay $0x3  }
0xce: {  	s20 =	sshll.u32 s20, $0x9  }
0xcf: {  	s22 =	simm.s32 @!p1 $0x2800;
	s23 =	simm.s32 @!p1 $0x2900;
	s21 =	simm.s32 @!p1 $0x80;
	[tilespmem:$0x2870] =	vst @!p1 v0  }
0xd0: {  	[tilespmem:s23], [sflag:$0x1] =	stream.indirect.gather @!p1 [hbm4b:s1+s21], $0x80, s22, s21, $0xb8;
	[tilespmem:$0x14900] =	vst v63  }
0xd1: {  	s20 =	sand.u32 $0x3FFFFE00, s20;
	_ =	swait.ge [sflag:s16], $0x4000  }
0xd2: {  	s20 =	sadd.s32 $0xA900, s20;
	[sflag:s16] =	ssyncset.done $0x0  }
0xd3: {  	s21 =	simm.s32 $0x0;
	s22 =	simm.s32 $0x0;
	[sflag:s16] =	ssyncadd.s32 $0xFFFFC000  }
.LBB2_13:
0xd4: {  	s24 =	sshll.u32 s22, $0x9  }
0xd5: {  	s23 =	sand.u32 $0x70, s21;
	s24 =	sand.u32 $0x3FFFF000, s24  }
0xd6: {  	s24 =	sor.u32 s23, s24  }
0xd7: {  	v0 =	vld [tilespmem:s24+$0x6900]  }
0xd8: {  	v1 =	vld [tilespmem:s24+$0x6980]  }
0xd9: {  	v2 =	vld [tilespmem:s24+$0x6A00]  }
0xda: {  	v3 =	vld [tilespmem:s24+$0x6A80]  }
0xdb: {  	v4 =	vld [tilespmem:s24+$0x6B00]  }
0xdc: {  	v5 =	vld [tilespmem:s24+$0x6B80]  }
0xdd: {  	v6 =	vld [tilespmem:s24+$0x6C00]  }
0xde: {  	v7 =	vld [tilespmem:s24+$0x6C80]  }
0xdf: {  	v24 =	vld [tilespmem:s24+$0x6D00]  }
0xe0: {  	v11 =	vld [tilespmem:s24+$0x6D80]  }
0xe1: {  	v27 =	vld [tilespmem:s24+$0x6E00]  }
0xe2: {  	v13 =	vld [tilespmem:s24+$0x6E80]  }
0xe3: {  	v30 =	vld [tilespmem:s24+$0x6F00]  }
0xe4: {  	v15 =	vld [tilespmem:s24+$0x6F80]  }
0xe5: {  	v33 =	vld [tilespmem:s24+$0x7000]  }
0xe6: {  	v35 =	vld [tilespmem:s24+$0x7080]  }
0xe7: {  	v8 =	vmin.f32 v0, v1  }
0xe8: {  	v0 =	vmax.f32 v0, v1;
	v19 =	vmin.f32 v2, v3;
	v2 =	vmax.f32 v2, v3  }
0xe9: {  	v9 =	vmin.f32 v4, v5;
	v4 =	vmax.f32 v4, v5;
	v23 =	vmin.f32 v6, v7  }
0xea: {  	v6 =	vmax.f32 v6, v7;
	v36 =	vmin.f32 v24, v11;
	v37 =	vmin.f32 v27, v13  }
0xeb: {  	v7 =	vmax.f32 v24, v11;
	v41 =	vmin.f32 v30, v15;
	v42 =	vmin.f32 v33, v35  }
0xec: {  	v20 =	vmin.f32 v8, v19;
	v1 =	vmax.f32 v8, v19;
	v21 =	vmin.f32 v0, v2  }
0xed: {  	v0 =	vmax.f32 v0, v2;
	v25 =	vmax.f32 v9, v23;
	v10 =	vmin.f32 v4, v6  }
0xee: {  	v5 =	vmin.f32 v9, v23;
	v4 =	vmax.f32 v4, v6;
	v9 =	vmax.f32 v27, v13  }
0xef: {  	v38 =	vmin.f32 v36, v37;
	v6 =	vmax.f32 v30, v15;
	v43 =	vmin.f32 v41, v42  }
0xf0: {  	v22 =	vmin.f32 v21, v1;
	v1 =	vmax.f32 v21, v1;
	v26 =	vmax.f32 v10, v25  }
0xf1: {  	v8 =	vmin.f32 v10, v25;
	v28 =	vmax.f32 v20, v5;
	v3 =	vmin.f32 v20, v5  }
0xf2: {  	v14 =	vmin.f32 v0, v4;
	v4 =	vmax.f32 v0, v4;
	v0 =	vmax.f32 v36, v37  }
0xf3: {  	v39 =	vmin.f32 v7, v9;
	v7 =	vmax.f32 v7, v9;
	v5 =	vmax.f32 v33, v35  }
0xf4: {  	v46 =	vmin.f32 v38, v43;
	v12 =	vmin.f32 v1, v26;
	v1 =	vmax.f32 v1, v26  }
0xf5: {  	v31 =	vmax.f32 v22, v8;
	v2 =	vmin.f32 v22, v8;
	v40 =	vmin.f32 v39, v0  }
0xf6: {  	v0 =	vmax.f32 v39, v0;
	v44 =	vmin.f32 v6, v5;
	v5 =	vmax.f32 v6, v5  }
0xf7: {  	v8 =	vmax.f32 v38, v43;
	v29 =	vmin.f32 v12, v28;
	v10 =	vmax.f32 v12, v28  }
0xf8: {  	v32 =	vmin.f32 v14, v31;
	v12 =	vmax.f32 v14, v31;
	v50 =	vmin.f32 v7, v5  }
0xf9: {  	v20 =	vld [tilespmem:s24+$0x7200];
	v5 =	vmax.f32 v7, v5;
	v34 =	vmin.f32 v2, v29;
	v2 =	vmax.f32 v2, v29  }
0xfa: {  	v21 =	vld [tilespmem:s24+$0x7280];
	v17 =	vmin.f32 v12, v1;
	v1 =	vmax.f32 v12, v1;
	v12 =	vmax.f32 v41, v42  }
0xfb: {  	v16 =	vmin.f32 v32, v10;
	v45 =	vmin.f32 v44, v12;
	v12 =	vmax.f32 v44, v12  }
0xfc: {  	v25 =	vld [tilespmem:s24+$0x7300];
	v10 =	vmax.f32 v32, v10;
	v39 =	vmin.f32 v4, v5;
	v47 =	vmin.f32 v0, v12  }
0xfd: {  	v26 =	vld [tilespmem:s24+$0x7380];
	v0 =	vmax.f32 v0, v12;
	v49 =	vmin.f32 v40, v45;
	v6 =	vmax.f32 v40, v45  }
0xfe: {  	v48 =	vmin.f32 v47, v8;
	v8 =	vmax.f32 v47, v8;
	v51 =	vmin.f32 v50, v6  }
0xff: {  	v6 =	vmax.f32 v50, v6;
	v47 =	vmax.f32 v20, v21;
	v52 =	vmin.f32 v49, v48  }
0x100: {  	v11 =	vmax.f32 v49, v48;
	v53 =	vmin.f32 v51, v8;
	v7 =	vmax.f32 v51, v8  }
0x101: {  	v27 =	vld [tilespmem:s24+$0x7400];
	v54 =	vmin.f32 v6, v0;
	v6 =	vmax.f32 v6, v0;
	v0 =	vmin.f32 v3, v46  }
0x102: {  	v28 =	vld [tilespmem:s24+$0x7480];
	v3 =	vmax.f32 v3, v46;
	v46 =	vmin.f32 v20, v21;
	v51 =	vmin.f32 v25, v26  }
0x103: {  	v55 =	vmin.f32 v10, v7;
	v7 =	vmax.f32 v10, v7;
	v57 =	vmin.f32 v2, v11  }
0x104: {  	v2 =	vmax.f32 v2, v11;
	v58 =	vmin.f32 v1, v6;
	v18 =	vmax.f32 v1, v6  }
0x105: {  	v32 =	vmin.f32 v34, v52;
	v33 =	vmax.f32 v34, v52;
	v34 =	vmin.f32 v17, v54  }
0x106: {  	v35 =	vmax.f32 v17, v54;
	v38 =	vmin.f32 v16, v53;
	v12 =	vmax.f32 v16, v53  }
0x107: {  	v1 =	vmax.f32 v4, v5;
	v52 =	vmax.f32 v25, v26;
	v53 =	vmin.f32 v27, v28  }
0x108: {  	v54 =	vmax.f32 v27, v28;
	v56 =	vmin.f32 v55, v3;
	v3 =	vmax.f32 v55, v3  }
0x109: {  	v37 =	vld [tilespmem:s24+$0x7100];
	v59 =	vmin.f32 v58, v2;
	v2 =	vmax.f32 v58, v2;
	v36 =	vmin.f32 v34, v33  }
0x10a: {  	v40 =	vld [tilespmem:s24+$0x7180];
	v41 =	vmin.f32 v39, v12;
	v42 =	vmax.f32 v39, v12;
	v26 =	vmin.f32 v52, v54  }
0x10b: {  	v21 =	vmin.f32 v51, v53;
	v60 =	vmin.f32 v57, v56;
	v10 =	vmax.f32 v57, v56  }
0x10c: {  	v61 =	vmin.f32 v59, v3;
	v62 =	vmax.f32 v59, v3;
	v63 =	vmin.f32 v2, v7  }
0x10d: {  	v19 =	vmax.f32 v2, v7;
	v3 =	vmax.f32 v34, v33;
	v43 =	vmin.f32 v38, v36  }
0x10e: {  	v9 =	vmax.f32 v38, v36;
	v23 =	vmin.f32 v42, v35;
	v24 =	vmax.f32 v42, v35  }
0x10f: {  	v45 =	vmin.f32 v37, v40;
	v16 =	vmax.f32 v37, v40;
	v56 =	vmax.f32 v51, v53  }
0x110: {  	v44 =	vmin.f32 v41, v3;
	v22 =	vmax.f32 v41, v3;
	v5 =	vmin.f32 v32, v60  }
0x111: {  	v8 =	vmax.f32 v32, v60;
	v3 =	vmin.f32 v43, v10;
	v12 =	vmax.f32 v43, v10  }
0x112: {  	v6 =	vmin.f32 v9, v61;
	v11 =	vmax.f32 v9, v61;
	v7 =	vmin.f32 v23, v19  }
0x113: {  	v15 =	vmax.f32 v23, v19;
	v10 =	vmin.f32 v24, v18;
	v14 =	vmax.f32 v24, v18  }
0x114: {  	v48 =	vmin.f32 v45, v46;
	v17 =	vmax.f32 v45, v46;
	v49 =	vmin.f32 v16, v47  }
0x115: {  	v29 =	vld [tilespmem:s24+$0x7680];
	v16 =	vmax.f32 v16, v47;
	v58 =	vmax.f32 v26, v56;
	v18 =	vmin.f32 v26, v56  }
0x116: {  	v55 =	vld [tilespmem:s24+$0x7500];
	v4 =	vmin.f32 v44, v62;
	v2 =	vmax.f32 v44, v62;
	v9 =	vmin.f32 v22, v63  }
0x117: {  	v57 =	vld [tilespmem:s24+$0x7580];
	v13 =	vmax.f32 v22, v63;
	v50 =	vmin.f32 v49, v17;
	v17 =	vmax.f32 v49, v17  }
0x118: {  	v59 =	vld [tilespmem:s24+$0x7600];
	v22 =	vmax.f32 v52, v54;
	v60 =	vmax.f32 v48, v21;
	v20 =	vmin.f32 v48, v21  }
0x119: {  	v37 =	vld [tilespmem:s24+$0x7800];
	v61 =	vmin.f32 v17, v58;
	v17 =	vmax.f32 v17, v58;
	v35 =	vmax.f32 v50, v18  }
0x11a: {  	v38 =	vld [tilespmem:s24+$0x7880];
	v30 =	vmin.f32 v16, v22;
	v18 =	vmin.f32 v50, v18;
	v16 =	vmax.f32 v16, v22  }
0x11b: {  	v62 =	vmin.f32 v61, v60;
	v26 =	vmax.f32 v61, v60;
	v36 =	vmin.f32 v30, v35  }
0x11c: {  	v31 =	vld [tilespmem:s24+$0x7780];
	v28 =	vmax.f32 v30, v35;
	v30 =	vmin.f32 v18, v62;
	v18 =	vmax.f32 v18, v62  }
0x11d: {  	v63 =	vld [tilespmem:s24+$0x7700];
	v32 =	vmin.f32 v36, v26;
	v19 =	vmax.f32 v36, v26;
	v26 =	vmin.f32 v28, v17  }
0x11e: {  	v17 =	vmax.f32 v28, v17;
	v39 =	vmin.f32 v55, v57;
	v33 =	vmin.f32 v59, v29  }
0x11f: {  	v25 =	vmax.f32 v55, v57;
	v24 =	vmax.f32 v59, v29;
	v43 =	vmin.f32 v37, v38  }
0x120: {  	v21 =	vmax.f32 v37, v38;
	v28 =	vmax.f32 v39, v33;
	v29 =	vmin.f32 v25, v24  }
0x121: {  	v40 =	vmin.f32 v39, v33;
	v24 =	vmax.f32 v25, v24;
	v41 =	vmin.f32 v29, v28  }
0x122: {  	v28 =	vmax.f32 v29, v28;
	v42 =	vmin.f32 v63, v31;
	v23 =	vmax.f32 v63, v31  }
0x123: {  	v44 =	vmin.f32 v42, v43;
	v29 =	vmax.f32 v42, v43;
	v45 =	vmin.f32 v23, v21  }
0x124: {  	v21 =	vmax.f32 v23, v21;
	v46 =	vmin.f32 v45, v29;
	v29 =	vmax.f32 v45, v29  }
0x125: {  	v47 =	vmin.f32 v40, v44;
	v22 =	vmax.f32 v40, v44;
	v51 =	vmin.f32 v24, v21  }
0x126: {  	v21 =	vmax.f32 v24, v21;
	v48 =	vmin.f32 v28, v29;
	v28 =	vmax.f32 v28, v29  }
0x127: {  	v50 =	vmin.f32 v41, v46;
	v23 =	vmax.f32 v41, v46;
	v56 =	vmin.f32 v20, v47  }
0x128: {  	v20 =	vmax.f32 v20, v47;
	v41 =	vmin.f32 v16, v21;
	v16 =	vmax.f32 v16, v21  }
0x129: {  	v49 =	vmin.f32 v48, v22;
	v22 =	vmax.f32 v48, v22;
	v52 =	vmin.f32 v51, v23  }
0x12a: {  	v23 =	vmax.f32 v51, v23;
	v0 =	vmax.f32 v0, v56;
	v1 =	vmin.f32 v1, v16  }
0x12b: {  	v53 =	vmin.f32 v50, v49;
	v27 =	vmax.f32 v50, v49;
	v54 =	vmin.f32 v52, v22  }
0x12c: {  	v22 =	vmax.f32 v52, v22;
	v55 =	vmin.f32 v23, v28;
	v23 =	vmax.f32 v23, v28  }
0x12d: {  	v57 =	vmin.f32 v19, v22;
	v19 =	vmax.f32 v19, v22;
	v59 =	vmin.f32 v18, v27  }
0x12e: {  	v18 =	vmax.f32 v18, v27;
	v60 =	vmin.f32 v17, v23;
	v17 =	vmax.f32 v17, v23  }
0x12f: {  	v37 =	vmin.f32 v30, v53;
	v25 =	vmax.f32 v30, v53;
	v38 =	vmin.f32 v26, v55  }
0x130: {  	v24 =	vmax.f32 v26, v55;
	v40 =	vmin.f32 v32, v54;
	v29 =	vmax.f32 v32, v54  }
0x131: {  	v58 =	vmin.f32 v57, v20;
	v20 =	vmax.f32 v57, v20;
	v61 =	vmin.f32 v60, v18  }
0x132: {  	v18 =	vmax.f32 v60, v18;
	v39 =	vmin.f32 v38, v25;
	v25 =	vmax.f32 v38, v25  }
0x133: {  	v42 =	vmin.f32 v41, v29;
	v29 =	vmax.f32 v41, v29;
	v62 =	vmin.f32 v59, v58  }
0x134: {  	v22 =	vmax.f32 v59, v58;
	v63 =	vmin.f32 v61, v20;
	v20 =	vmax.f32 v61, v20  }
0x135: {  	v36 =	vmin.f32 v18, v19;
	v18 =	vmax.f32 v18, v19;
	v43 =	vmin.f32 v40, v39  }
0x136: {  	v26 =	vmax.f32 v40, v39;
	v44 =	vmin.f32 v42, v25;
	v21 =	vmax.f32 v42, v25  }
0x137: {  	v45 =	vmin.f32 v29, v24;
	v24 =	vmax.f32 v29, v24;
	v46 =	vmin.f32 v37, v62  }
0x138: {  	v19 =	vmax.f32 v37, v62;
	v47 =	vmin.f32 v43, v22;
	v22 =	vmax.f32 v43, v22  }
0x139: {  	v48 =	vmin.f32 v26, v63;
	v26 =	vmax.f32 v26, v63;
	v49 =	vmin.f32 v44, v20  }
0x13a: {  	v20 =	vmax.f32 v44, v20;
	v50 =	vmin.f32 v21, v36;
	v21 =	vmax.f32 v21, v36  }
0x13b: {  	v51 =	vmin.f32 v45, v18;
	v18 =	vmax.f32 v45, v18;
	v52 =	vmin.f32 v24, v17  }
0x13c: {  	v17 =	vmax.f32 v24, v17;
	v53 =	vmin.f32 v2, v20;
	v12 =	vmax.f32 v12, v22  }
0x13d: {  	v15 =	vmin.f32 v15, v18;
	v8 =	vmax.f32 v8, v19;
	v13 =	vmin.f32 v13, v21  }
0x13e: {  	v11 =	vmax.f32 v11, v26;
	v14 =	vmin.f32 v14, v17;
	v5 =	vmax.f32 v5, v46  }
0x13f: {  	v9 =	vmin.f32 v9, v50;
	v6 =	vmax.f32 v6, v48;
	v54 =	vmin.f32 v10, v52  }
0x140: {  	v3 =	vmax.f32 v3, v47;
	v7 =	vmin.f32 v7, v51;
	v58 =	vmin.f32 v4, v49  }
0x141: {  	v4 =	vmax.f32 v4, v49;
	v0 =	vmax.f32 v53, v0;
	v18 =	vmin.f32 v15, v12  }
0x142: {  	v8 =	vmax.f32 v13, v8;
	v11 =	vmin.f32 v14, v11;
	v5 =	vmax.f32 v9, v5  }
0x143: {  	v6 =	vmin.f32 v54, v6;
	v57 =	vmin.f32 v7, v3;
	v3 =	vmax.f32 v7, v3  }
0x144: {  	v1 =	vmin.f32 v1, v4;
	v0 =	vmax.f32 v18, v0;
	v13 =	vmin.f32 v11, v8  }
0x145: {  	v56 =	vmin.f32 v6, v5;
	v59 =	vmax.f32 v58, v57;
	v5 =	vmax.f32 v6, v5  }
0x146: {  	v1 =	vmin.f32 v1, v3;
	v55 =	vmin.f32 v13, v0;
	v60 =	vmax.f32 v59, v56  }
0x147: {  	v61 =	vmin.f32 v1, v5;
	v3 =	vmax.f32 v60, v55  }
0x148: {  	v2 =	vmax.f32 v2, v20;
	v62 =	vmax.f32 v15, v12;
	v3 =	vadd.f32 v3, v61  }
0x149: {  	v2 =	vmin.f32 v62, v2;
	v63 =	vmax.f32 v11, v8;
	v0 =	vmax.f32 v13, v0  }
0x14a: {  	v2 =	vmin.f32 v63, v2;
	v1 =	vmax.f32 v1, v5;
	v0 =	vadd.f32 v3, v0  }
0x14b: {  	p1 =	sne.s32 s22, $0x1F;
	v1 =	vmin.f32 v1, v2  }
.Ltmp4:
0x14c: {  	s31 =	sshll.u32 s22, $0x4;
	v0 =	vadd.f32 v0, v1;
	(pc) =	sbr.rel @p1 .LBB2_13-.Ltmp4, $4  }
0x14d: {  	s24 =	sand.u32 $0x3FFFFF80, s31  }
0x14e: {  	s24 =	sadd.s32 s24, s20;
	v0 =	vmul.f32 $2.500000000e-01, v0  }
0x14f: {  	s23 =	sadd.s32 s23, s24  }
0x150: {  	s21 =	sadd.s32 $0x10, s21;
	s22 =	sadd.s32 $0x1, s22;
	[tilespmem:s23+$0x0] =	vst v0  }
0x151: {  	s19 =	sadd.s32 $0x1, s19  }
0x152: {  	p1 =	sne.s32 s19, $0x28  }
.Ltmp5:
0x153: {  	_ = 	snop;
	(pc) =	sbr.rel @p1 .LBB2_10-.Ltmp5, $1  }
0x154: {  	_ =	sdelay $0x3  }
.Ltmp6:
0x155: {  	(pc) =	sbr.rel .LBB2_16-.Ltmp6, $4  }
0x156: {  	[hbm4b:s7+s3] =	stream.linear.scatter [tilespmem:s17], [sflag:$0x3], $0xA000, $0x38;
	[tilespmem:$0x14900] =	vst v63  }
0x157: {  	_ =	swait.ge [sflag:s9], $0xA000  }
0x158: {  	[sflag:s9] =	ssyncset.done $0x0  }
0x159: {  	[sflag:s9] =	ssyncadd.s32 $0xFFFF6000  }
.LBB2_2:
0x15a: {  	[tilespmem:s19], [sflag:$0x3] =	stream.linear.gather [hbm4b:s4+s19], $0x2700, $0x38;
	[tilespmem:$0x14900] =	vst v63  }
0x15b: {  	_ =	swait.ge [sflag:s9], $0x2700  }
0x15c: {  	[sflag:s9] =	ssyncset.done $0x0  }
0x15d: {  	[sflag:s9] =	ssyncadd.s32 $0xFFFFD900  }
0x15e: {  	v0 =	vld [tilespmem:$0x0]  }
0x15f: {  	v1 =	vld [tilespmem:$0x10]  }
0x160: {  	v2 =	vld [tilespmem:$0x20]  }
0x161: {  	v3 =	vld [tilespmem:$0x30]  }
0x162: {  	v4 =	vld [tilespmem:$0x40]  }
0x163: {  	v61 =	vld [tilespmem:$0x50];
	[tilespmem:$0x2800] =	vst v0  }
0x164: {  	v62 =	vld [tilespmem:$0x60];
	[tilespmem:$0x2810] =	vst v1  }
0x165: {  	v63 =	vld [tilespmem:$0x70];
	[tilespmem:$0x2820] =	vst v2  }
0x166: {  	[tilespmem:$0x2830] =	vst v3  }
0x167: {  	[tilespmem:$0x2840] =	vst v4  }
0x168: {  	[tilespmem:$0x2850] =	vst v61  }
0x169: {  	[tilespmem:$0x2860] =	vst v62  }
0x16a: {  	[tilespmem:$0x2870] =	vst v63  }
0x16b: {  	[tilespmem:s12], [sflag:$0x1] =	stream.indirect.gather [hbm4b:s1+s10], $0x80, s11, s10, $0xb8;
	[tilespmem:$0x14900] =	vst v63  }
.LBB2_3:
0x16c: {  	s20 =	sshllo.u32 s19, $0x1  }
0x16d: {  	s21 =	sshll.u32 s20, $0x7  }
0x16e: {  	s21 =	sand.u32 $0x3FFFFF80, s21  }
0x16f: {  	v0 =	vld [tilespmem:s21+$0x0];
	_ =	sdelay $0x4  }
0x170: {  	[tilespmem:$0x2880] =	vst v0  }
0x171: {  	v0 =	vld [tilespmem:s21+$0x10];
	_ =	sdelay $0x4  }
0x172: {  	[tilespmem:$0x2890] =	vst v0  }
0x173: {  	v0 =	vld [tilespmem:s21+$0x20];
	_ =	sdelay $0x4  }
0x174: {  	[tilespmem:$0x28A0] =	vst v0  }
0x175: {  	v0 =	vld [tilespmem:s21+$0x30];
	_ =	sdelay $0x4  }
0x176: {  	[tilespmem:$0x28B0] =	vst v0  }
0x177: {  	v0 =	vld [tilespmem:s21+$0x40];
	_ =	sdelay $0x4  }
0x178: {  	[tilespmem:$0x28C0] =	vst v0  }
0x179: {  	v0 =	vld [tilespmem:s21+$0x50];
	_ =	sdelay $0x4  }
0x17a: {  	[tilespmem:$0x28D0] =	vst v0  }
0x17b: {  	v0 =	vld [tilespmem:s21+$0x60];
	_ =	sdelay $0x4  }
0x17c: {  	[tilespmem:$0x28E0] =	vst v0  }
0x17d: {  	v0 =	vld [tilespmem:s21+$0x70];
	_ =	sdelay $0x4  }
0x17e: {  	[tilespmem:$0x28F0] =	vst v0  }
0x17f: {  	[tilespmem:s14], [sflag:$0x2] =	stream.indirect.gather [hbm4b:s1+s10], $0x80, s13, s10, $0xb8;
	[tilespmem:$0x14900] =	vst v63  }
0x180: {  	s31 =	sshll.u32 s19, $0xA;
	_ =	swait.ge [sflag:s15], $0x4000  }
0x181: {  	s22 =	simm.s32 $0x0;
	s21 =	sand.u32 $0x3FFFFC00, s31;
	[sflag:s15] =	ssyncset.done $0x0  }
0x182: {  	s23 =	simm.s32 $0x0;
	s21 =	sadd.s32 $0xA900, s21;
	[sflag:s15] =	ssyncadd.s32 $0xFFFFC000  }
.LBB2_4:
0x183: {  	s25 =	sshll.u32 s23, $0x9  }
0x184: {  	s24 =	sand.u32 $0x70, s22;
	s25 =	sand.u32 $0x3FFFF000, s25  }
0x185: {  	s25 =	sor.u32 s24, s25  }
0x186: {  	v0 =	vld [tilespmem:s25+$0x2900]  }
0x187: {  	v1 =	vld [tilespmem:s25+$0x2980]  }
0x188: {  	v2 =	vld [tilespmem:s25+$0x2A00]  }
0x189: {  	v3 =	vld [tilespmem:s25+$0x2A80]  }
0x18a: {  	v4 =	vld [tilespmem:s25+$0x2B00]  }
0x18b: {  	v5 =	vld [tilespmem:s25+$0x2B80]  }
0x18c: {  	v6 =	vld [tilespmem:s25+$0x2C00]  }
0x18d: {  	v7 =	vld [tilespmem:s25+$0x2C80]  }
0x18e: {  	v24 =	vld [tilespmem:s25+$0x2D00]  }
0x18f: {  	v11 =	vld [tilespmem:s25+$0x2D80]  }
0x190: {  	v27 =	vld [tilespmem:s25+$0x2E00]  }
0x191: {  	v13 =	vld [tilespmem:s25+$0x2E80]  }
0x192: {  	v30 =	vld [tilespmem:s25+$0x2F00]  }
0x193: {  	v15 =	vld [tilespmem:s25+$0x2F80]  }
0x194: {  	v33 =	vld [tilespmem:s25+$0x3000]  }
0x195: {  	v35 =	vld [tilespmem:s25+$0x3080]  }
0x196: {  	v8 =	vmin.f32 v0, v1  }
0x197: {  	v0 =	vmax.f32 v0, v1;
	v19 =	vmin.f32 v2, v3;
	v2 =	vmax.f32 v2, v3  }
0x198: {  	v9 =	vmin.f32 v4, v5;
	v4 =	vmax.f32 v4, v5;
	v23 =	vmin.f32 v6, v7  }
0x199: {  	v6 =	vmax.f32 v6, v7;
	v36 =	vmin.f32 v24, v11;
	v37 =	vmin.f32 v27, v13  }
0x19a: {  	v7 =	vmax.f32 v24, v11;
	v41 =	vmin.f32 v30, v15;
	v42 =	vmin.f32 v33, v35  }
0x19b: {  	v20 =	vmin.f32 v8, v19;
	v1 =	vmax.f32 v8, v19;
	v21 =	vmin.f32 v0, v2  }
0x19c: {  	v0 =	vmax.f32 v0, v2;
	v25 =	vmax.f32 v9, v23;
	v10 =	vmin.f32 v4, v6  }
0x19d: {  	v5 =	vmin.f32 v9, v23;
	v4 =	vmax.f32 v4, v6;
	v9 =	vmax.f32 v27, v13  }
0x19e: {  	v38 =	vmin.f32 v36, v37;
	v6 =	vmax.f32 v30, v15;
	v43 =	vmin.f32 v41, v42  }
0x19f: {  	v22 =	vmin.f32 v21, v1;
	v1 =	vmax.f32 v21, v1;
	v26 =	vmax.f32 v10, v25  }
0x1a0: {  	v8 =	vmin.f32 v10, v25;
	v28 =	vmax.f32 v20, v5;
	v3 =	vmin.f32 v20, v5  }
0x1a1: {  	v14 =	vmin.f32 v0, v4;
	v4 =	vmax.f32 v0, v4;
	v0 =	vmax.f32 v36, v37  }
0x1a2: {  	v39 =	vmin.f32 v7, v9;
	v7 =	vmax.f32 v7, v9;
	v5 =	vmax.f32 v33, v35  }
0x1a3: {  	v46 =	vmin.f32 v38, v43;
	v12 =	vmin.f32 v1, v26;
	v1 =	vmax.f32 v1, v26  }
0x1a4: {  	v31 =	vmax.f32 v22, v8;
	v2 =	vmin.f32 v22, v8;
	v40 =	vmin.f32 v39, v0  }
0x1a5: {  	v0 =	vmax.f32 v39, v0;
	v44 =	vmin.f32 v6, v5;
	v5 =	vmax.f32 v6, v5  }
0x1a6: {  	v8 =	vmax.f32 v38, v43;
	v29 =	vmin.f32 v12, v28;
	v10 =	vmax.f32 v12, v28  }
0x1a7: {  	v32 =	vmin.f32 v14, v31;
	v12 =	vmax.f32 v14, v31;
	v50 =	vmin.f32 v7, v5  }
0x1a8: {  	v20 =	vld [tilespmem:s25+$0x3200];
	v5 =	vmax.f32 v7, v5;
	v34 =	vmin.f32 v2, v29;
	v2 =	vmax.f32 v2, v29  }
0x1a9: {  	v21 =	vld [tilespmem:s25+$0x3280];
	v17 =	vmin.f32 v12, v1;
	v1 =	vmax.f32 v12, v1;
	v12 =	vmax.f32 v41, v42  }
0x1aa: {  	v16 =	vmin.f32 v32, v10;
	v45 =	vmin.f32 v44, v12;
	v12 =	vmax.f32 v44, v12  }
0x1ab: {  	v25 =	vld [tilespmem:s25+$0x3300];
	v10 =	vmax.f32 v32, v10;
	v39 =	vmin.f32 v4, v5;
	v47 =	vmin.f32 v0, v12  }
0x1ac: {  	v26 =	vld [tilespmem:s25+$0x3380];
	v0 =	vmax.f32 v0, v12;
	v49 =	vmin.f32 v40, v45;
	v6 =	vmax.f32 v40, v45  }
0x1ad: {  	v48 =	vmin.f32 v47, v8;
	v8 =	vmax.f32 v47, v8;
	v51 =	vmin.f32 v50, v6  }
0x1ae: {  	v6 =	vmax.f32 v50, v6;
	v47 =	vmax.f32 v20, v21;
	v52 =	vmin.f32 v49, v48  }
0x1af: {  	v11 =	vmax.f32 v49, v48;
	v53 =	vmin.f32 v51, v8;
	v7 =	vmax.f32 v51, v8  }
0x1b0: {  	v27 =	vld [tilespmem:s25+$0x3400];
	v54 =	vmin.f32 v6, v0;
	v6 =	vmax.f32 v6, v0;
	v0 =	vmin.f32 v3, v46  }
0x1b1: {  	v28 =	vld [tilespmem:s25+$0x3480];
	v3 =	vmax.f32 v3, v46;
	v46 =	vmin.f32 v20, v21;
	v51 =	vmin.f32 v25, v26  }
0x1b2: {  	v55 =	vmin.f32 v10, v7;
	v7 =	vmax.f32 v10, v7;
	v57 =	vmin.f32 v2, v11  }
0x1b3: {  	v2 =	vmax.f32 v2, v11;
	v58 =	vmin.f32 v1, v6;
	v18 =	vmax.f32 v1, v6  }
0x1b4: {  	v32 =	vmin.f32 v34, v52;
	v33 =	vmax.f32 v34, v52;
	v34 =	vmin.f32 v17, v54  }
0x1b5: {  	v35 =	vmax.f32 v17, v54;
	v38 =	vmin.f32 v16, v53;
	v12 =	vmax.f32 v16, v53  }
0x1b6: {  	v1 =	vmax.f32 v4, v5;
	v52 =	vmax.f32 v25, v26;
	v53 =	vmin.f32 v27, v28  }
0x1b7: {  	v54 =	vmax.f32 v27, v28;
	v56 =	vmin.f32 v55, v3;
	v3 =	vmax.f32 v55, v3  }
0x1b8: {  	v37 =	vld [tilespmem:s25+$0x3100];
	v59 =	vmin.f32 v58, v2;
	v2 =	vmax.f32 v58, v2;
	v36 =	vmin.f32 v34, v33  }
0x1b9: {  	v40 =	vld [tilespmem:s25+$0x3180];
	v41 =	vmin.f32 v39, v12;
	v42 =	vmax.f32 v39, v12;
	v26 =	vmin.f32 v52, v54  }
0x1ba: {  	v21 =	vmin.f32 v51, v53;
	v60 =	vmin.f32 v57, v56;
	v10 =	vmax.f32 v57, v56  }
0x1bb: {  	v61 =	vmin.f32 v59, v3;
	v62 =	vmax.f32 v59, v3;
	v63 =	vmin.f32 v2, v7  }
0x1bc: {  	v19 =	vmax.f32 v2, v7;
	v3 =	vmax.f32 v34, v33;
	v43 =	vmin.f32 v38, v36  }
0x1bd: {  	v9 =	vmax.f32 v38, v36;
	v23 =	vmin.f32 v42, v35;
	v24 =	vmax.f32 v42, v35  }
0x1be: {  	v45 =	vmin.f32 v37, v40;
	v16 =	vmax.f32 v37, v40;
	v56 =	vmax.f32 v51, v53  }
0x1bf: {  	v44 =	vmin.f32 v41, v3;
	v22 =	vmax.f32 v41, v3;
	v5 =	vmin.f32 v32, v60  }
0x1c0: {  	v8 =	vmax.f32 v32, v60;
	v3 =	vmin.f32 v43, v10;
	v12 =	vmax.f32 v43, v10  }
0x1c1: {  	v6 =	vmin.f32 v9, v61;
	v11 =	vmax.f32 v9, v61;
	v7 =	vmin.f32 v23, v19  }
0x1c2: {  	v15 =	vmax.f32 v23, v19;
	v10 =	vmin.f32 v24, v18;
	v14 =	vmax.f32 v24, v18  }
0x1c3: {  	v48 =	vmin.f32 v45, v46;
	v17 =	vmax.f32 v45, v46;
	v49 =	vmin.f32 v16, v47  }
0x1c4: {  	v29 =	vld [tilespmem:s25+$0x3680];
	v16 =	vmax.f32 v16, v47;
	v58 =	vmax.f32 v26, v56;
	v18 =	vmin.f32 v26, v56  }
0x1c5: {  	v55 =	vld [tilespmem:s25+$0x3500];
	v4 =	vmin.f32 v44, v62;
	v2 =	vmax.f32 v44, v62;
	v9 =	vmin.f32 v22, v63  }
0x1c6: {  	v57 =	vld [tilespmem:s25+$0x3580];
	v13 =	vmax.f32 v22, v63;
	v50 =	vmin.f32 v49, v17;
	v17 =	vmax.f32 v49, v17  }
0x1c7: {  	v59 =	vld [tilespmem:s25+$0x3600];
	v22 =	vmax.f32 v52, v54;
	v60 =	vmax.f32 v48, v21;
	v20 =	vmin.f32 v48, v21  }
0x1c8: {  	v37 =	vld [tilespmem:s25+$0x3800];
	v61 =	vmin.f32 v17, v58;
	v17 =	vmax.f32 v17, v58;
	v35 =	vmax.f32 v50, v18  }
0x1c9: {  	v38 =	vld [tilespmem:s25+$0x3880];
	v30 =	vmin.f32 v16, v22;
	v18 =	vmin.f32 v50, v18;
	v16 =	vmax.f32 v16, v22  }
0x1ca: {  	v62 =	vmin.f32 v61, v60;
	v26 =	vmax.f32 v61, v60;
	v36 =	vmin.f32 v30, v35  }
0x1cb: {  	v31 =	vld [tilespmem:s25+$0x3780];
	v28 =	vmax.f32 v30, v35;
	v30 =	vmin.f32 v18, v62;
	v18 =	vmax.f32 v18, v62  }
0x1cc: {  	v63 =	vld [tilespmem:s25+$0x3700];
	v32 =	vmin.f32 v36, v26;
	v19 =	vmax.f32 v36, v26;
	v26 =	vmin.f32 v28, v17  }
0x1cd: {  	v17 =	vmax.f32 v28, v17;
	v39 =	vmin.f32 v55, v57;
	v33 =	vmin.f32 v59, v29  }
0x1ce: {  	v25 =	vmax.f32 v55, v57;
	v24 =	vmax.f32 v59, v29;
	v43 =	vmin.f32 v37, v38  }
0x1cf: {  	v21 =	vmax.f32 v37, v38;
	v28 =	vmax.f32 v39, v33;
	v29 =	vmin.f32 v25, v24  }
0x1d0: {  	v40 =	vmin.f32 v39, v33;
	v24 =	vmax.f32 v25, v24;
	v41 =	vmin.f32 v29, v28  }
0x1d1: {  	v28 =	vmax.f32 v29, v28;
	v42 =	vmin.f32 v63, v31;
	v23 =	vmax.f32 v63, v31  }
0x1d2: {  	v44 =	vmin.f32 v42, v43;
	v29 =	vmax.f32 v42, v43;
	v45 =	vmin.f32 v23, v21  }
0x1d3: {  	v21 =	vmax.f32 v23, v21;
	v46 =	vmin.f32 v45, v29;
	v29 =	vmax.f32 v45, v29  }
0x1d4: {  	v47 =	vmin.f32 v40, v44;
	v22 =	vmax.f32 v40, v44;
	v51 =	vmin.f32 v24, v21  }
0x1d5: {  	v21 =	vmax.f32 v24, v21;
	v48 =	vmin.f32 v28, v29;
	v28 =	vmax.f32 v28, v29  }
0x1d6: {  	v50 =	vmin.f32 v41, v46;
	v23 =	vmax.f32 v41, v46;
	v56 =	vmin.f32 v20, v47  }
0x1d7: {  	v20 =	vmax.f32 v20, v47;
	v41 =	vmin.f32 v16, v21;
	v16 =	vmax.f32 v16, v21  }
0x1d8: {  	v49 =	vmin.f32 v48, v22;
	v22 =	vmax.f32 v48, v22;
	v52 =	vmin.f32 v51, v23  }
0x1d9: {  	v23 =	vmax.f32 v51, v23;
	v0 =	vmax.f32 v0, v56;
	v1 =	vmin.f32 v1, v16  }
0x1da: {  	v53 =	vmin.f32 v50, v49;
	v27 =	vmax.f32 v50, v49;
	v54 =	vmin.f32 v52, v22  }
0x1db: {  	v22 =	vmax.f32 v52, v22;
	v55 =	vmin.f32 v23, v28;
	v23 =	vmax.f32 v23, v28  }
0x1dc: {  	v57 =	vmin.f32 v19, v22;
	v19 =	vmax.f32 v19, v22;
	v59 =	vmin.f32 v18, v27  }
0x1dd: {  	v18 =	vmax.f32 v18, v27;
	v60 =	vmin.f32 v17, v23;
	v17 =	vmax.f32 v17, v23  }
0x1de: {  	v37 =	vmin.f32 v30, v53;
	v25 =	vmax.f32 v30, v53;
	v38 =	vmin.f32 v26, v55  }
0x1df: {  	v24 =	vmax.f32 v26, v55;
	v40 =	vmin.f32 v32, v54;
	v29 =	vmax.f32 v32, v54  }
0x1e0: {  	v58 =	vmin.f32 v57, v20;
	v20 =	vmax.f32 v57, v20;
	v61 =	vmin.f32 v60, v18  }
0x1e1: {  	v18 =	vmax.f32 v60, v18;
	v39 =	vmin.f32 v38, v25;
	v25 =	vmax.f32 v38, v25  }
0x1e2: {  	v42 =	vmin.f32 v41, v29;
	v29 =	vmax.f32 v41, v29;
	v62 =	vmin.f32 v59, v58  }
0x1e3: {  	v22 =	vmax.f32 v59, v58;
	v63 =	vmin.f32 v61, v20;
	v20 =	vmax.f32 v61, v20  }
0x1e4: {  	v36 =	vmin.f32 v18, v19;
	v18 =	vmax.f32 v18, v19;
	v43 =	vmin.f32 v40, v39  }
0x1e5: {  	v26 =	vmax.f32 v40, v39;
	v44 =	vmin.f32 v42, v25;
	v21 =	vmax.f32 v42, v25  }
0x1e6: {  	v45 =	vmin.f32 v29, v24;
	v24 =	vmax.f32 v29, v24;
	v46 =	vmin.f32 v37, v62  }
0x1e7: {  	v19 =	vmax.f32 v37, v62;
	v47 =	vmin.f32 v43, v22;
	v22 =	vmax.f32 v43, v22  }
0x1e8: {  	v48 =	vmin.f32 v26, v63;
	v26 =	vmax.f32 v26, v63;
	v49 =	vmin.f32 v44, v20  }
0x1e9: {  	v20 =	vmax.f32 v44, v20;
	v50 =	vmin.f32 v21, v36;
	v21 =	vmax.f32 v21, v36  }
0x1ea: {  	v51 =	vmin.f32 v45, v18;
	v18 =	vmax.f32 v45, v18;
	v52 =	vmin.f32 v24, v17  }
0x1eb: {  	v17 =	vmax.f32 v24, v17;
	v53 =	vmin.f32 v2, v20;
	v12 =	vmax.f32 v12, v22  }
0x1ec: {  	v15 =	vmin.f32 v15, v18;
	v8 =	vmax.f32 v8, v19;
	v13 =	vmin.f32 v13, v21  }
0x1ed: {  	v11 =	vmax.f32 v11, v26;
	v14 =	vmin.f32 v14, v17;
	v5 =	vmax.f32 v5, v46  }
0x1ee: {  	v9 =	vmin.f32 v9, v50;
	v6 =	vmax.f32 v6, v48;
	v54 =	vmin.f32 v10, v52  }
0x1ef: {  	v3 =	vmax.f32 v3, v47;
	v7 =	vmin.f32 v7, v51;
	v58 =	vmin.f32 v4, v49  }
0x1f0: {  	v4 =	vmax.f32 v4, v49;
	v0 =	vmax.f32 v53, v0;
	v18 =	vmin.f32 v15, v12  }
0x1f1: {  	v8 =	vmax.f32 v13, v8;
	v11 =	vmin.f32 v14, v11;
	v5 =	vmax.f32 v9, v5  }
0x1f2: {  	v6 =	vmin.f32 v54, v6;
	v57 =	vmin.f32 v7, v3;
	v3 =	vmax.f32 v7, v3  }
0x1f3: {  	v1 =	vmin.f32 v1, v4;
	v0 =	vmax.f32 v18, v0;
	v13 =	vmin.f32 v11, v8  }
0x1f4: {  	v56 =	vmin.f32 v6, v5;
	v59 =	vmax.f32 v58, v57;
	v5 =	vmax.f32 v6, v5  }
0x1f5: {  	v1 =	vmin.f32 v1, v3;
	v55 =	vmin.f32 v13, v0;
	v60 =	vmax.f32 v59, v56  }
0x1f6: {  	v61 =	vmin.f32 v1, v5;
	v3 =	vmax.f32 v60, v55  }
0x1f7: {  	v2 =	vmax.f32 v2, v20;
	v62 =	vmax.f32 v15, v12;
	v3 =	vadd.f32 v3, v61  }
0x1f8: {  	v2 =	vmin.f32 v62, v2;
	v63 =	vmax.f32 v11, v8;
	v0 =	vmax.f32 v13, v0  }
0x1f9: {  	v2 =	vmin.f32 v63, v2;
	v1 =	vmax.f32 v1, v5;
	v0 =	vadd.f32 v3, v0  }
0x1fa: {  	p1 =	sne.s32 s23, $0x1F;
	v1 =	vmin.f32 v1, v2  }
.Ltmp7:
0x1fb: {  	s31 =	sshll.u32 s23, $0x4;
	v0 =	vadd.f32 v0, v1;
	(pc) =	sbr.rel @p1 .LBB2_4-.Ltmp7, $4  }
0x1fc: {  	s25 =	sand.u32 $0x3FFFFF80, s31  }
0x1fd: {  	s25 =	sadd.s32 s25, s21;
	v0 =	vmul.f32 $2.500000000e-01, v0  }
0x1fe: {  	s24 =	sadd.s32 s24, s25  }
0x1ff: {  	s22 =	sadd.s32 $0x10, s22;
	s23 =	sadd.s32 $0x1, s23;
	[tilespmem:s24+$0x0] =	vst v0  }
0x200: {  	p1 =	seq.s32 s19, $0x26  }
0x201: {  	s21 =	sshll.u32 @!p1 s19, $0x8  }
0x202: {  	s21 =	sand.u32 @!p1 $0x3FFFFF00, s21  }
0x203: {  	v0 =	vld @!p1 [tilespmem:s21+$0x100];
	_ =	sdelay $0x4  }
0x204: {  	[tilespmem:$0x2800] =	vst @!p1 v0  }
0x205: {  	v0 =	vld @!p1 [tilespmem:s21+$0x110];
	_ =	sdelay $0x4  }
0x206: {  	[tilespmem:$0x2810] =	vst @!p1 v0  }
0x207: {  	v0 =	vld @!p1 [tilespmem:s21+$0x120];
	_ =	sdelay $0x4  }
0x208: {  	[tilespmem:$0x2820] =	vst @!p1 v0  }
0x209: {  	v0 =	vld @!p1 [tilespmem:s21+$0x130];
	_ =	sdelay $0x4  }
0x20a: {  	[tilespmem:$0x2830] =	vst @!p1 v0  }
0x20b: {  	v0 =	vld @!p1 [tilespmem:s21+$0x140];
	_ =	sdelay $0x4  }
0x20c: {  	[tilespmem:$0x2840] =	vst @!p1 v0  }
0x20d: {  	v0 =	vld @!p1 [tilespmem:s21+$0x150];
	_ =	sdelay $0x4  }
0x20e: {  	[tilespmem:$0x2850] =	vst @!p1 v0  }
0x20f: {  	v0 =	vld @!p1 [tilespmem:s21+$0x160];
	_ =	sdelay $0x4  }
0x210: {  	[tilespmem:$0x2860] =	vst @!p1 v0  }
0x211: {  	v0 =	vld @!p1 [tilespmem:s21+$0x170];
	_ =	sdelay $0x3  }
0x212: {  	s20 =	sshll.u32 s20, $0x9  }
0x213: {  	s22 =	simm.s32 @!p1 $0x2800;
	s23 =	simm.s32 @!p1 $0x2900;
	s21 =	simm.s32 @!p1 $0x80;
	[tilespmem:$0x2870] =	vst @!p1 v0  }
0x214: {  	[tilespmem:s23], [sflag:$0x1] =	stream.indirect.gather @!p1 [hbm4b:s1+s21], $0x80, s22, s21, $0xb8;
	[tilespmem:$0x14900] =	vst v63  }
0x215: {  	s20 =	sand.u32 $0x3FFFFE00, s20;
	_ =	swait.ge [sflag:s16], $0x4000  }
0x216: {  	s20 =	sadd.s32 $0xA900, s20;
	[sflag:s16] =	ssyncset.done $0x0  }
0x217: {  	s21 =	simm.s32 $0x0;
	s22 =	simm.s32 $0x0;
	[sflag:s16] =	ssyncadd.s32 $0xFFFFC000  }
.LBB2_6:
0x218: {  	s24 =	sshll.u32 s22, $0x9  }
0x219: {  	s23 =	sand.u32 $0x70, s21;
	s24 =	sand.u32 $0x3FFFF000, s24  }
0x21a: {  	s24 =	sor.u32 s23, s24  }
0x21b: {  	v0 =	vld [tilespmem:s24+$0x6900]  }
0x21c: {  	v1 =	vld [tilespmem:s24+$0x6980]  }
0x21d: {  	v2 =	vld [tilespmem:s24+$0x6A00]  }
0x21e: {  	v3 =	vld [tilespmem:s24+$0x6A80]  }
0x21f: {  	v4 =	vld [tilespmem:s24+$0x6B00]  }
0x220: {  	v5 =	vld [tilespmem:s24+$0x6B80]  }
0x221: {  	v6 =	vld [tilespmem:s24+$0x6C00]  }
0x222: {  	v7 =	vld [tilespmem:s24+$0x6C80]  }
0x223: {  	v24 =	vld [tilespmem:s24+$0x6D00]  }
0x224: {  	v11 =	vld [tilespmem:s24+$0x6D80]  }
0x225: {  	v27 =	vld [tilespmem:s24+$0x6E00]  }
0x226: {  	v13 =	vld [tilespmem:s24+$0x6E80]  }
0x227: {  	v30 =	vld [tilespmem:s24+$0x6F00]  }
0x228: {  	v15 =	vld [tilespmem:s24+$0x6F80]  }
0x229: {  	v33 =	vld [tilespmem:s24+$0x7000]  }
0x22a: {  	v35 =	vld [tilespmem:s24+$0x7080]  }
0x22b: {  	v8 =	vmin.f32 v0, v1  }
0x22c: {  	v0 =	vmax.f32 v0, v1;
	v19 =	vmin.f32 v2, v3;
	v2 =	vmax.f32 v2, v3  }
0x22d: {  	v9 =	vmin.f32 v4, v5;
	v4 =	vmax.f32 v4, v5;
	v23 =	vmin.f32 v6, v7  }
0x22e: {  	v6 =	vmax.f32 v6, v7;
	v36 =	vmin.f32 v24, v11;
	v37 =	vmin.f32 v27, v13  }
0x22f: {  	v7 =	vmax.f32 v24, v11;
	v41 =	vmin.f32 v30, v15;
	v42 =	vmin.f32 v33, v35  }
0x230: {  	v20 =	vmin.f32 v8, v19;
	v1 =	vmax.f32 v8, v19;
	v21 =	vmin.f32 v0, v2  }
0x231: {  	v0 =	vmax.f32 v0, v2;
	v25 =	vmax.f32 v9, v23;
	v10 =	vmin.f32 v4, v6  }
0x232: {  	v5 =	vmin.f32 v9, v23;
	v4 =	vmax.f32 v4, v6;
	v9 =	vmax.f32 v27, v13  }
0x233: {  	v38 =	vmin.f32 v36, v37;
	v6 =	vmax.f32 v30, v15;
	v43 =	vmin.f32 v41, v42  }
0x234: {  	v22 =	vmin.f32 v21, v1;
	v1 =	vmax.f32 v21, v1;
	v26 =	vmax.f32 v10, v25  }
0x235: {  	v8 =	vmin.f32 v10, v25;
	v28 =	vmax.f32 v20, v5;
	v3 =	vmin.f32 v20, v5  }
0x236: {  	v14 =	vmin.f32 v0, v4;
	v4 =	vmax.f32 v0, v4;
	v0 =	vmax.f32 v36, v37  }
0x237: {  	v39 =	vmin.f32 v7, v9;
	v7 =	vmax.f32 v7, v9;
	v5 =	vmax.f32 v33, v35  }
0x238: {  	v46 =	vmin.f32 v38, v43;
	v12 =	vmin.f32 v1, v26;
	v1 =	vmax.f32 v1, v26  }
0x239: {  	v31 =	vmax.f32 v22, v8;
	v2 =	vmin.f32 v22, v8;
	v40 =	vmin.f32 v39, v0  }
0x23a: {  	v0 =	vmax.f32 v39, v0;
	v44 =	vmin.f32 v6, v5;
	v5 =	vmax.f32 v6, v5  }
0x23b: {  	v8 =	vmax.f32 v38, v43;
	v29 =	vmin.f32 v12, v28;
	v10 =	vmax.f32 v12, v28  }
0x23c: {  	v32 =	vmin.f32 v14, v31;
	v12 =	vmax.f32 v14, v31;
	v50 =	vmin.f32 v7, v5  }
0x23d: {  	v20 =	vld [tilespmem:s24+$0x7200];
	v5 =	vmax.f32 v7, v5;
	v34 =	vmin.f32 v2, v29;
	v2 =	vmax.f32 v2, v29  }
0x23e: {  	v21 =	vld [tilespmem:s24+$0x7280];
	v17 =	vmin.f32 v12, v1;
	v1 =	vmax.f32 v12, v1;
	v12 =	vmax.f32 v41, v42  }
0x23f: {  	v16 =	vmin.f32 v32, v10;
	v45 =	vmin.f32 v44, v12;
	v12 =	vmax.f32 v44, v12  }
0x240: {  	v25 =	vld [tilespmem:s24+$0x7300];
	v10 =	vmax.f32 v32, v10;
	v39 =	vmin.f32 v4, v5;
	v47 =	vmin.f32 v0, v12  }
0x241: {  	v26 =	vld [tilespmem:s24+$0x7380];
	v0 =	vmax.f32 v0, v12;
	v49 =	vmin.f32 v40, v45;
	v6 =	vmax.f32 v40, v45  }
0x242: {  	v48 =	vmin.f32 v47, v8;
	v8 =	vmax.f32 v47, v8;
	v51 =	vmin.f32 v50, v6  }
0x243: {  	v6 =	vmax.f32 v50, v6;
	v47 =	vmax.f32 v20, v21;
	v52 =	vmin.f32 v49, v48  }
0x244: {  	v11 =	vmax.f32 v49, v48;
	v53 =	vmin.f32 v51, v8;
	v7 =	vmax.f32 v51, v8  }
0x245: {  	v27 =	vld [tilespmem:s24+$0x7400];
	v54 =	vmin.f32 v6, v0;
	v6 =	vmax.f32 v6, v0;
	v0 =	vmin.f32 v3, v46  }
0x246: {  	v28 =	vld [tilespmem:s24+$0x7480];
	v3 =	vmax.f32 v3, v46;
	v46 =	vmin.f32 v20, v21;
	v51 =	vmin.f32 v25, v26  }
0x247: {  	v55 =	vmin.f32 v10, v7;
	v7 =	vmax.f32 v10, v7;
	v57 =	vmin.f32 v2, v11  }
0x248: {  	v2 =	vmax.f32 v2, v11;
	v58 =	vmin.f32 v1, v6;
	v18 =	vmax.f32 v1, v6  }
0x249: {  	v32 =	vmin.f32 v34, v52;
	v33 =	vmax.f32 v34, v52;
	v34 =	vmin.f32 v17, v54  }
0x24a: {  	v35 =	vmax.f32 v17, v54;
	v38 =	vmin.f32 v16, v53;
	v12 =	vmax.f32 v16, v53  }
0x24b: {  	v1 =	vmax.f32 v4, v5;
	v52 =	vmax.f32 v25, v26;
	v53 =	vmin.f32 v27, v28  }
0x24c: {  	v54 =	vmax.f32 v27, v28;
	v56 =	vmin.f32 v55, v3;
	v3 =	vmax.f32 v55, v3  }
0x24d: {  	v37 =	vld [tilespmem:s24+$0x7100];
	v59 =	vmin.f32 v58, v2;
	v2 =	vmax.f32 v58, v2;
	v36 =	vmin.f32 v34, v33  }
0x24e: {  	v40 =	vld [tilespmem:s24+$0x7180];
	v41 =	vmin.f32 v39, v12;
	v42 =	vmax.f32 v39, v12;
	v26 =	vmin.f32 v52, v54  }
0x24f: {  	v21 =	vmin.f32 v51, v53;
	v60 =	vmin.f32 v57, v56;
	v10 =	vmax.f32 v57, v56  }
0x250: {  	v61 =	vmin.f32 v59, v3;
	v62 =	vmax.f32 v59, v3;
	v63 =	vmin.f32 v2, v7  }
0x251: {  	v19 =	vmax.f32 v2, v7;
	v3 =	vmax.f32 v34, v33;
	v43 =	vmin.f32 v38, v36  }
0x252: {  	v9 =	vmax.f32 v38, v36;
	v23 =	vmin.f32 v42, v35;
	v24 =	vmax.f32 v42, v35  }
0x253: {  	v45 =	vmin.f32 v37, v40;
	v16 =	vmax.f32 v37, v40;
	v56 =	vmax.f32 v51, v53  }
0x254: {  	v44 =	vmin.f32 v41, v3;
	v22 =	vmax.f32 v41, v3;
	v5 =	vmin.f32 v32, v60  }
0x255: {  	v8 =	vmax.f32 v32, v60;
	v3 =	vmin.f32 v43, v10;
	v12 =	vmax.f32 v43, v10  }
0x256: {  	v6 =	vmin.f32 v9, v61;
	v11 =	vmax.f32 v9, v61;
	v7 =	vmin.f32 v23, v19  }
0x257: {  	v15 =	vmax.f32 v23, v19;
	v10 =	vmin.f32 v24, v18;
	v14 =	vmax.f32 v24, v18  }
0x258: {  	v48 =	vmin.f32 v45, v46;
	v17 =	vmax.f32 v45, v46;
	v49 =	vmin.f32 v16, v47  }
0x259: {  	v29 =	vld [tilespmem:s24+$0x7680];
	v16 =	vmax.f32 v16, v47;
	v58 =	vmax.f32 v26, v56;
	v18 =	vmin.f32 v26, v56  }
0x25a: {  	v55 =	vld [tilespmem:s24+$0x7500];
	v4 =	vmin.f32 v44, v62;
	v2 =	vmax.f32 v44, v62;
	v9 =	vmin.f32 v22, v63  }
0x25b: {  	v57 =	vld [tilespmem:s24+$0x7580];
	v13 =	vmax.f32 v22, v63;
	v50 =	vmin.f32 v49, v17;
	v17 =	vmax.f32 v49, v17  }
0x25c: {  	v59 =	vld [tilespmem:s24+$0x7600];
	v22 =	vmax.f32 v52, v54;
	v60 =	vmax.f32 v48, v21;
	v20 =	vmin.f32 v48, v21  }
0x25d: {  	v37 =	vld [tilespmem:s24+$0x7800];
	v61 =	vmin.f32 v17, v58;
	v17 =	vmax.f32 v17, v58;
	v35 =	vmax.f32 v50, v18  }
0x25e: {  	v38 =	vld [tilespmem:s24+$0x7880];
	v30 =	vmin.f32 v16, v22;
	v18 =	vmin.f32 v50, v18;
	v16 =	vmax.f32 v16, v22  }
0x25f: {  	v62 =	vmin.f32 v61, v60;
	v26 =	vmax.f32 v61, v60;
	v36 =	vmin.f32 v30, v35  }
0x260: {  	v31 =	vld [tilespmem:s24+$0x7780];
	v28 =	vmax.f32 v30, v35;
	v30 =	vmin.f32 v18, v62;
	v18 =	vmax.f32 v18, v62  }
0x261: {  	v63 =	vld [tilespmem:s24+$0x7700];
	v32 =	vmin.f32 v36, v26;
	v19 =	vmax.f32 v36, v26;
	v26 =	vmin.f32 v28, v17  }
0x262: {  	v17 =	vmax.f32 v28, v17;
	v39 =	vmin.f32 v55, v57;
	v33 =	vmin.f32 v59, v29  }
0x263: {  	v25 =	vmax.f32 v55, v57;
	v24 =	vmax.f32 v59, v29;
	v43 =	vmin.f32 v37, v38  }
0x264: {  	v21 =	vmax.f32 v37, v38;
	v28 =	vmax.f32 v39, v33;
	v29 =	vmin.f32 v25, v24  }
0x265: {  	v40 =	vmin.f32 v39, v33;
	v24 =	vmax.f32 v25, v24;
	v41 =	vmin.f32 v29, v28  }
0x266: {  	v28 =	vmax.f32 v29, v28;
	v42 =	vmin.f32 v63, v31;
	v23 =	vmax.f32 v63, v31  }
0x267: {  	v44 =	vmin.f32 v42, v43;
	v29 =	vmax.f32 v42, v43;
	v45 =	vmin.f32 v23, v21  }
0x268: {  	v21 =	vmax.f32 v23, v21;
	v46 =	vmin.f32 v45, v29;
	v29 =	vmax.f32 v45, v29  }
0x269: {  	v47 =	vmin.f32 v40, v44;
	v22 =	vmax.f32 v40, v44;
	v51 =	vmin.f32 v24, v21  }
0x26a: {  	v21 =	vmax.f32 v24, v21;
	v48 =	vmin.f32 v28, v29;
	v28 =	vmax.f32 v28, v29  }
0x26b: {  	v50 =	vmin.f32 v41, v46;
	v23 =	vmax.f32 v41, v46;
	v56 =	vmin.f32 v20, v47  }
0x26c: {  	v20 =	vmax.f32 v20, v47;
	v41 =	vmin.f32 v16, v21;
	v16 =	vmax.f32 v16, v21  }
0x26d: {  	v49 =	vmin.f32 v48, v22;
	v22 =	vmax.f32 v48, v22;
	v52 =	vmin.f32 v51, v23  }
0x26e: {  	v23 =	vmax.f32 v51, v23;
	v0 =	vmax.f32 v0, v56;
	v1 =	vmin.f32 v1, v16  }
0x26f: {  	v53 =	vmin.f32 v50, v49;
	v27 =	vmax.f32 v50, v49;
	v54 =	vmin.f32 v52, v22  }
0x270: {  	v22 =	vmax.f32 v52, v22;
	v55 =	vmin.f32 v23, v28;
	v23 =	vmax.f32 v23, v28  }
0x271: {  	v57 =	vmin.f32 v19, v22;
	v19 =	vmax.f32 v19, v22;
	v59 =	vmin.f32 v18, v27  }
0x272: {  	v18 =	vmax.f32 v18, v27;
	v60 =	vmin.f32 v17, v23;
	v17 =	vmax.f32 v17, v23  }
0x273: {  	v37 =	vmin.f32 v30, v53;
	v25 =	vmax.f32 v30, v53;
	v38 =	vmin.f32 v26, v55  }
0x274: {  	v24 =	vmax.f32 v26, v55;
	v40 =	vmin.f32 v32, v54;
	v29 =	vmax.f32 v32, v54  }
0x275: {  	v58 =	vmin.f32 v57, v20;
	v20 =	vmax.f32 v57, v20;
	v61 =	vmin.f32 v60, v18  }
0x276: {  	v18 =	vmax.f32 v60, v18;
	v39 =	vmin.f32 v38, v25;
	v25 =	vmax.f32 v38, v25  }
0x277: {  	v42 =	vmin.f32 v41, v29;
	v29 =	vmax.f32 v41, v29;
	v62 =	vmin.f32 v59, v58  }
0x278: {  	v22 =	vmax.f32 v59, v58;
	v63 =	vmin.f32 v61, v20;
	v20 =	vmax.f32 v61, v20  }
0x279: {  	v36 =	vmin.f32 v18, v19;
	v18 =	vmax.f32 v18, v19;
	v43 =	vmin.f32 v40, v39  }
0x27a: {  	v26 =	vmax.f32 v40, v39;
	v44 =	vmin.f32 v42, v25;
	v21 =	vmax.f32 v42, v25  }
0x27b: {  	v45 =	vmin.f32 v29, v24;
	v24 =	vmax.f32 v29, v24;
	v46 =	vmin.f32 v37, v62  }
0x27c: {  	v19 =	vmax.f32 v37, v62;
	v47 =	vmin.f32 v43, v22;
	v22 =	vmax.f32 v43, v22  }
0x27d: {  	v48 =	vmin.f32 v26, v63;
	v26 =	vmax.f32 v26, v63;
	v49 =	vmin.f32 v44, v20  }
0x27e: {  	v20 =	vmax.f32 v44, v20;
	v50 =	vmin.f32 v21, v36;
	v21 =	vmax.f32 v21, v36  }
0x27f: {  	v51 =	vmin.f32 v45, v18;
	v18 =	vmax.f32 v45, v18;
	v52 =	vmin.f32 v24, v17  }
0x280: {  	v17 =	vmax.f32 v24, v17;
	v53 =	vmin.f32 v2, v20;
	v12 =	vmax.f32 v12, v22  }
0x281: {  	v15 =	vmin.f32 v15, v18;
	v8 =	vmax.f32 v8, v19;
	v13 =	vmin.f32 v13, v21  }
0x282: {  	v11 =	vmax.f32 v11, v26;
	v14 =	vmin.f32 v14, v17;
	v5 =	vmax.f32 v5, v46  }
0x283: {  	v9 =	vmin.f32 v9, v50;
	v6 =	vmax.f32 v6, v48;
	v54 =	vmin.f32 v10, v52  }
0x284: {  	v3 =	vmax.f32 v3, v47;
	v7 =	vmin.f32 v7, v51;
	v58 =	vmin.f32 v4, v49  }
0x285: {  	v4 =	vmax.f32 v4, v49;
	v0 =	vmax.f32 v53, v0;
	v18 =	vmin.f32 v15, v12  }
0x286: {  	v8 =	vmax.f32 v13, v8;
	v11 =	vmin.f32 v14, v11;
	v5 =	vmax.f32 v9, v5  }
0x287: {  	v6 =	vmin.f32 v54, v6;
	v57 =	vmin.f32 v7, v3;
	v3 =	vmax.f32 v7, v3  }
0x288: {  	v1 =	vmin.f32 v1, v4;
	v0 =	vmax.f32 v18, v0;
	v13 =	vmin.f32 v11, v8  }
0x289: {  	v56 =	vmin.f32 v6, v5;
	v59 =	vmax.f32 v58, v57;
	v5 =	vmax.f32 v6, v5  }
0x28a: {  	v1 =	vmin.f32 v1, v3;
	v55 =	vmin.f32 v13, v0;
	v60 =	vmax.f32 v59, v56  }
0x28b: {  	v61 =	vmin.f32 v1, v5;
	v3 =	vmax.f32 v60, v55  }
0x28c: {  	v2 =	vmax.f32 v2, v20;
	v62 =	vmax.f32 v15, v12;
	v3 =	vadd.f32 v3, v61  }
0x28d: {  	v2 =	vmin.f32 v62, v2;
	v63 =	vmax.f32 v11, v8;
	v0 =	vmax.f32 v13, v0  }
0x28e: {  	v2 =	vmin.f32 v63, v2;
	v1 =	vmax.f32 v1, v5;
	v0 =	vadd.f32 v3, v0  }
0x28f: {  	p1 =	sne.s32 s22, $0x1F;
	v1 =	vmin.f32 v1, v2  }
.Ltmp8:
0x290: {  	s31 =	sshll.u32 s22, $0x4;
	v0 =	vadd.f32 v0, v1;
	(pc) =	sbr.rel @p1 .LBB2_6-.Ltmp8, $4  }
0x291: {  	s24 =	sand.u32 $0x3FFFFF80, s31  }
0x292: {  	s24 =	sadd.s32 s24, s20;
	v0 =	vmul.f32 $2.500000000e-01, v0  }
0x293: {  	s23 =	sadd.s32 s23, s24  }
0x294: {  	s21 =	sadd.s32 $0x10, s21;
	s22 =	sadd.s32 $0x1, s22;
	[tilespmem:s23+$0x0] =	vst v0  }
0x295: {  	s19 =	sadd.s32 $0x1, s19  }
0x296: {  	p1 =	sne.s32 s19, $0x27  }
.Ltmp9:
0x297: {  	_ = 	snop;
	(pc) =	sbr.rel @p1 .LBB2_3-.Ltmp9, $1  }
0x298: {  	_ =	sdelay $0x3  }
.Ltmp10:
0x299: {  	(pc) =	sbr.rel .LBB2_16-.Ltmp10, $4  }
0x29a: {  	[hbm4b:s5+s3] =	stream.linear.scatter [tilespmem:s17], [sflag:$0x3], $0x9C00, $0x38;
	[tilespmem:$0x14900] =	vst v63  }
0x29b: {  	_ =	swait.ge [sflag:s9], $0x9C00  }
0x29c: {  	[sflag:s9] =	ssyncset.done $0x0  }
0x29d: {  	[sflag:s9] =	ssyncadd.s32 $0xFFFF6400  }
.LBB2_17:
0x29e: {  	_ =	sfence.sel $0x180000  }
0x29f: {  	[bflag:$0x0] =	sbarrier.arrive $0xFFFF  }
0x2a0: {  	p0 =	sne.s32 s2, $0x0;
	_ =	strace $0x90000047  }
0x2a1: {  	s0 =	sadd.s32 @!p0 $0x100000, s0;
	[bflag:$0x2] =	sbarrier.arrive $0xFFFF  }
0x2a2: {  	[sflag:s0] =	ssyncadd.tile.s32 @!p0 $0x1;
	_ =	shalt  }
.Lfunc_end2:
_tile_overlayer_lowered:
.L_overlay_start_2:
0x2a3: {  	(tag) =	ssettag $0x2  }
0x2a4: {  	s0 =	rddreg [dreg:$0x0];
	s2 =	stileid.u32  }
0x2a5: {  	s1 =	rddreg [dreg:$0x1];
	p0 =	sne.s32 s2, $0x0  }
0x2a6: {  	s3 =	rddreg [dreg:$0x2];
	[bflag:$0x3] =	sbarrier.arrive $0xFFFF;
	s2 =	simm.s32 @!p0 $0x1C03  }
0x2a7: {  	[timem:s3], [sflag:s2] =	dma.local @!p0 [hbm:s0], s1  }
0x2a8: {  	s0 =	simm.s32 @!p0 $0x3  }
0x2a9: {  	_ =	swait.ge @!p0 [sflag:s0], s1  }
0x2aa: {  	s1 =	ssub.s32 @!p0 $0x0, s1;
	[sflag:s0] =	ssyncset.done @!p0 $0x0  }
0x2ab: {  	[sflag:s0] =	ssyncadd.s32 @!p0 s1  }
0x2ac: {  	[bflag:$0x3] =	sbarrier.arrive $0xFFFF  }
0x2ad: {  	_ =	shalt  }

</sc_bundles>
